<compile_context>
chip_gen: v7x
topology: tpu7x:2x2x1
jax: 0.10.2.dev20260603
libtpu: 0.0.44.dev20260713+nightly
codegen_flags: <defaults>
</compile_context>

<pallas_src>
import functools

import jax
import jax.numpy as jnp
from jax import lax
from jax.experimental import pallas as pl
from jax.experimental.pallas import tpu as pltpu
from jax.experimental.pallas import tpu_sc as plsc

_VOCAB = 100000
_HIDDEN = 128
_B = 4096
_L = 200
_TOT = _B * _L

_NC = 2
_NS = 16
_NW = _NC * _NS
_LANES = 16

_N_PER_W = _TOT // _NW
_CHUNK = 6400
_N_CHUNKS = _N_PER_W // _CHUNK


_SPLIT = 51200
_ROWS_BLK = 10240


def _round_bf16_bits(v):
    u = jax.lax.bitcast_convert_type(v, jnp.int32)
    return (u + 0x7FFF + ((u >> 16) & 1)) >> 16


def _table_body(emb_lo_ref, emb_hi_ref, w_ref, b_ref, t_ref):
    def half(ref):
        rows = []
        for s in range(_ROWS_BLK // 128):
            es = ref[pl.ds(s * 128, 128), :]
            rows.append(jax.lax.dot_general(
                w_ref[...], es, (((1,), (1,)), ((), ())),
                preferred_element_type=jnp.float32))
        return jax.nn.sigmoid(jnp.concatenate(rows, axis=0) + b_ref[0])

    lo = _round_bf16_bits(half(emb_lo_ref))
    hi = _round_bf16_bits(half(emb_hi_ref))
    t_ref[...] = (lo | (hi << 16)).reshape(_ROWS_BLK)


def _compute_table(emb_table, w_row, b1):
    n_hi_blk = _SPLIT // _ROWS_BLK
    return pl.pallas_call(
        _table_body,
        grid=(_SPLIT // _ROWS_BLK,),
        in_specs=[
            pl.BlockSpec((_ROWS_BLK, _HIDDEN), lambda i: (i, 0)),
            pl.BlockSpec((_ROWS_BLK, _HIDDEN), lambda i: (i + n_hi_blk, 0)),
            pl.BlockSpec((1, _HIDDEN), lambda i: (0, 0)),
            pl.BlockSpec(memory_space=pltpu.SMEM),
        ],
        out_specs=pl.BlockSpec((_ROWS_BLK,), lambda i: (i,)),
        out_shape=jax.ShapeDtypeStruct((_SPLIT,), jnp.int32),
    )(emb_table, emb_table, w_row, b1)


@functools.lru_cache(maxsize=1)
def _build_gather_kernel():
    mesh = plsc.VectorSubcoreMesh(core_axis_name="c", subcore_axis_name="s")

    @functools.partial(
        pl.kernel,
        mesh=mesh,
        out_type=jax.ShapeDtypeStruct((_TOT,), jnp.float32),
        scratch_types=[
            pltpu.VMEM((_SPLIT,), jnp.int32),
            pltpu.VMEM((_CHUNK,), jnp.int32),
            pltpu.VMEM((_CHUNK,), jnp.int32),
            pltpu.VMEM((_CHUNK,), jnp.float32),
            pltpu.VMEM((_CHUNK,), jnp.float32),
            pltpu.SemaphoreType.DMA,
            pltpu.SemaphoreType.DMA,
            pltpu.SemaphoreType.DMA,
            pltpu.SemaphoreType.DMA,
            pltpu.SemaphoreType.DMA,
        ],
        compiler_params=pltpu.CompilerParams(needs_layout_passes=False),
    )
    def _gather_kernel(t_hbm, idx_hbm, out_hbm,
                       t_v, idx_a, idx_b, out_a, out_b,
                       sem_t, sem_ia, sem_ib, sem_oa, sem_ob):
        wid = lax.axis_index("s") * _NC + lax.axis_index("c")
        base = wid * _N_PER_W
        idx_bufs = (idx_a, idx_b)
        out_bufs = (out_a, out_b)
        in_sems = (sem_ia, sem_ib)
        out_sems = (sem_oa, sem_ob)

        cp_t = pltpu.async_copy(t_hbm, t_v, sem_t)
        in_cps = [pltpu.async_copy(
            idx_hbm.at[pl.ds(base, _CHUNK)], idx_a, sem_ia)]
        out_cps = [None, None]

        for ci in range(_N_CHUNKS):
            b = ci % 2
            if ci + 1 < _N_CHUNKS:
                in_cps.append(pltpu.async_copy(
                    idx_hbm.at[pl.ds(base + (ci + 1) * _CHUNK, _CHUNK)],
                    idx_bufs[(ci + 1) % 2], in_sems[(ci + 1) % 2]))
            in_cps[ci].wait()
            if ci == 0:
                cp_t.wait()
            if out_cps[b] is not None:
                out_cps[b].wait()
            idx_v = idx_bufs[b]
            out_v = out_bufs[b]

            @plsc.parallel_loop(0, _CHUNK, _LANES, unroll=16)
            def _gather_body(i):
                ids = idx_v[pl.ds(i, _LANES)]
                is_hi = ids >= _SPLIT
                widx = ids - jnp.where(is_hi, _SPLIT, 0)
                word = plsc.load_gather(t_v, [widx])
                half = jax.lax.shift_right_logical(
                    word, jnp.where(is_hi, 16, 0))
                bits = (half & 0xFFFF) << 16
                out_v[pl.ds(i, _LANES)] = jax.lax.bitcast_convert_type(
                    bits, jnp.float32)

            out_cps[b] = pltpu.async_copy(
                out_v, out_hbm.at[pl.ds(base + ci * _CHUNK, _CHUNK)],
                out_sems[b])

        for cp in out_cps:
            if cp is not None:
                cp.wait()

    return _gather_kernel


def kernel(x, emb_table, W1, b1):
    w_row = W1.reshape(1, _HIDDEN).astype(jnp.float32)
    t = _compute_table(emb_table, w_row, b1.astype(jnp.float32))
    idx = x.reshape(_TOT).astype(jnp.int32)
    out = _build_gather_kernel()(t, idx)
    return out.reshape(_B, _L, 1)

# --- scband reference (transcript-rebuilt; emitter-appended) ---
"""Pipeline reference for scband-classifier-33681133535472 (READ-ONLY COPY).

The authoritative reference and input builder live on the scoring server;
editing this copy changes nothing except your own understanding.
"""

import jax, jax.numpy as jnp
import numpy as np

VOCAB = 100000
HIDDEN = 128
OUT = 1
B = 4096
L = 200

def setup_inputs(seed: int = 0) -> dict:
    key = jax.random.key(seed)
    k_idx, k_emb, k_w, k_b = jax.random.split(key, 4)
    x = jax.random.randint(k_idx, (B, L), 0, VOCAB, dtype=jnp.int64 if jax.config.jax_enable_x64 else jnp.int32)
    emb_table = jax.random.normal(k_emb, (VOCAB, HIDDEN), dtype=jnp.float32) * 0.02
    W1 = jax.random.normal(k_w, (HIDDEN, OUT), dtype=jnp.float32) * (1.0 / np.sqrt(HIDDEN))
    b1 = jnp.zeros((OUT,), dtype=jnp.float32)
    return {"x": x, "emb_table": emb_table, "W1": W1, "b1": b1}

def reference(x, emb_table, W1, b1):
    # embedding lookup (gather)
    h = jnp.take(emb_table, x, axis=0)        # [B, L, HIDDEN]
    # dense layer
    y = jnp.dot(h, W1) + b1                    # [B, L, OUT]
    # sigmoid
    return jax.nn.sigmoid(y)

if __name__ == "__main__":
    import jax
    _d = setup_inputs()
    print(jax.jit(kernel)(*tuple(_d.values())))

</pallas_src>

<mosaic_0001>
#map = affine_map<(d0, d1) -> (0)>
module attributes {stable_mosaic.version = 14 : i64} {
  func.func @_gather_kernel(%arg0: i32, %arg1: i32, %arg2: memref<51200xi32, #tpu.memory_space<hbm>>, %arg3: memref<819200xi32, #tpu.memory_space<hbm>>, %arg4: memref<819200xf32, #tpu.memory_space<hbm>>, %arg5: memref<51200xi32, #tpu.memory_space<vmem>>, %arg6: memref<6400xi32, #tpu.memory_space<vmem>>, %arg7: memref<6400xi32, #tpu.memory_space<vmem>>, %arg8: memref<6400xf32, #tpu.memory_space<vmem>>, %arg9: memref<6400xf32, #tpu.memory_space<vmem>>, %arg10: memref<!tpu.dma_semaphore, #tpu.memory_space<semaphore_mem>>, %arg11: memref<!tpu.dma_semaphore, #tpu.memory_space<semaphore_mem>>, %arg12: memref<!tpu.dma_semaphore, #tpu.memory_space<semaphore_mem>>, %arg13: memref<!tpu.dma_semaphore, #tpu.memory_space<semaphore_mem>>, %arg14: memref<!tpu.dma_semaphore, #tpu.memory_space<semaphore_mem>>) attributes {dimension_semantics = [#tpu.dimension_semantics<core_parallel>, #tpu.dimension_semantics<subcore_parallel>], iteration_bounds = array<i64: 2, 16>, scalar_prefetch = 0 : i64, scratch_operands = 10 : i64, tpu.core_type = #tpu.core_type<sc_vector_subcore>, window_params = [{transform_indices = #map}, {transform_indices = #map}, {transform_indices = #map}]} {
    %mul3A = arith.constant 2 : i32
    %mul3A_0 = arith.muli %arg1, %mul3A : i32
    %add3A = arith.addi %mul3A_0, %arg0 : i32
    %mul3A_1 = arith.constant 25600 : i32
    %mul3A_2 = arith.muli %add3A, %mul3A_1 : i32
    tpu.enqueue_dma source(%arg2 : memref<51200xi32, #tpu.memory_space<hbm>>) target(%arg5 : memref<51200xi32, #tpu.memory_space<vmem>>) target_semaphore(%arg10 : memref<!tpu.dma_semaphore, #tpu.memory_space<semaphore_mem>>)
    %dma_start3A = tpu.memref_slice %arg3[%mul3A_2] : memref<819200xi32, #tpu.memory_space<hbm>> -> memref<6400xi32, #tpu.memory_space<hbm>>
    %dma_start3A_3 = tpu.memref_slice %arg3[%mul3A_2] : memref<819200xi32, #tpu.memory_space<hbm>> -> memref<6400xi32, #tpu.memory_space<hbm>>
    tpu.enqueue_dma source(%dma_start3A_3 : memref<6400xi32, #tpu.memory_space<hbm>>) target(%arg6 : memref<6400xi32, #tpu.memory_space<vmem>>) target_semaphore(%arg11 : memref<!tpu.dma_semaphore, #tpu.memory_space<semaphore_mem>>)
    %add3A_4 = arith.constant 6400 : i32
    %add3A_5 = arith.addi %mul3A_2, %add3A_4 : i32
    %dma_start3A_6 = tpu.memref_slice %arg3[%add3A_5] : memref<819200xi32, #tpu.memory_space<hbm>> -> memref<6400xi32, #tpu.memory_space<hbm>>
    %dma_start3A_7 = tpu.memref_slice %arg3[%add3A_5] : memref<819200xi32, #tpu.memory_space<hbm>> -> memref<6400xi32, #tpu.memory_space<hbm>>
    tpu.enqueue_dma source(%dma_start3A_7 : memref<6400xi32, #tpu.memory_space<hbm>>) target(%arg7 : memref<6400xi32, #tpu.memory_space<vmem>>) target_semaphore(%arg12 : memref<!tpu.dma_semaphore, #tpu.memory_space<semaphore_mem>>)
    %dma_wait3A = tpu.memref_slice %arg3[%mul3A_2] : memref<819200xi32, #tpu.memory_space<hbm>> -> memref<6400xi32, #tpu.memory_space<hbm>>
    %dma_wait3A_8 = tpu.memref_slice %arg3[%mul3A_2] : memref<819200xi32, #tpu.memory_space<hbm>> -> memref<6400xi32, #tpu.memory_space<hbm>>
    tpu.wait_dma2 semaphore(%arg11 : memref<!tpu.dma_semaphore, #tpu.memory_space<semaphore_mem>>) src(%dma_wait3A_8 : memref<6400xi32, #tpu.memory_space<hbm>>) dst(%arg6 : memref<6400xi32, #tpu.memory_space<vmem>>)
    tpu.wait_dma2 semaphore(%arg10 : memref<!tpu.dma_semaphore, #tpu.memory_space<semaphore_mem>>) src(%arg2 : memref<51200xi32, #tpu.memory_space<hbm>>) dst(%arg5 : memref<51200xi32, #tpu.memory_space<vmem>>)
    %parallel_loop3A = arith.constant 0 : i32
    %parallel_loop3A_9 = arith.constant 6400 : i32
    %parallel_loop3A_10 = arith.constant 16 : i32
    scf.for %parallel_loop3A_58 = %parallel_loop3A to %parallel_loop3A_9 step %parallel_loop3A_10  : i32 {
      %parallel_loop3A_59 = arith.index_cast %parallel_loop3A_58 : i32 to index
      %parallel_loop3A_60 = tpu.vector_load %arg6[%parallel_loop3A_59] {strides = array<i32>} : memref<6400xi32, #tpu.memory_space<vmem>>, vector<16xi32>,
      %parallel_loop3A_61 = arith.constant 51200 : i32
      %parallel_loop3A_62 = vector.broadcast %parallel_loop3A_61 : i32 to vector<16xi32>
      %parallel_loop3A_63 = arith.cmpi sge, %parallel_loop3A_60, %parallel_loop3A_62 : vector<16xi32>
      %parallel_loop3A_64 = arith.constant 51200 : i32
      %parallel_loop3A_65 = arith.constant 0 : i32
      %parallel_loop3A_66 = vector.broadcast %parallel_loop3A_64 : i32 to vector<16xi32>
      %parallel_loop3A_67 = vector.broadcast %parallel_loop3A_65 : i32 to vector<16xi32>
      %parallel_loop3A_68 = arith.select %parallel_loop3A_63, %parallel_loop3A_66, %parallel_loop3A_67 : vector<16xi1>, vector<16xi32>
      %parallel_loop3A_69 = arith.subi %parallel_loop3A_60, %parallel_loop3A_68 : vector<16xi32>
      %parallel_loop3A_70 = tpu.vector_load_idx %arg5[%parallel_loop3A_69] : memref<51200xi32, #tpu.memory_space<vmem>>[vector<16xi32>], vector<16xi32>,
      %parallel_loop3A_71 = arith.constant 16 : i32
      %parallel_loop3A_72 = arith.constant 0 : i32
      %parallel_loop3A_73 = vector.broadcast %parallel_loop3A_71 : i32 to vector<16xi32>
      %parallel_loop3A_74 = vector.broadcast %parallel_loop3A_72 : i32 to vector<16xi32>
      %parallel_loop3A_75 = arith.select %parallel_loop3A_63, %parallel_loop3A_73, %parallel_loop3A_74 : vector<16xi1>, vector<16xi32>
      %parallel_loop3A_76 = arith.shrui %parallel_loop3A_70, %parallel_loop3A_75 : vector<16xi32>
      %parallel_loop3A_77 = arith.constant 65535 : i32
      %parallel_loop3A_78 = vector.broadcast %parallel_loop3A_77 : i32 to vector<16xi32>
      %parallel_loop3A_79 = arith.andi %parallel_loop3A_76, %parallel_loop3A_78 : vector<16xi32>
      %parallel_loop3A_80 = arith.constant 16 : i32
      %parallel_loop3A_81 = vector.broadcast %parallel_loop3A_80 : i32 to vector<16xi32>
      %parallel_loop3A_82 = arith.shli %parallel_loop3A_79, %parallel_loop3A_81 : vector<16xi32>
      %parallel_loop3A_83 = tpu.bitcast %parallel_loop3A_82 : vector<16xi32> -> vector<16xf32>
      %parallel_loop3A_84 = arith.index_cast %parallel_loop3A_58 : i32 to index
      %parallel_loop3A_85 = tpu.vector_load %arg8[%parallel_loop3A_84] {strides = array<i32>} : memref<6400xf32, #tpu.memory_space<vmem>>, vector<16xf32>,
      tpu.vector_store %arg8[%parallel_loop3A_84], %parallel_loop3A_83 {strides = array<i32>} : memref<6400xf32, #tpu.memory_space<vmem>>, vector<16xf32>,
    } {sc.loop_unroll_factor = 16 : i64, sc.parallel_access}
    %add3A_11 = arith.constant 0 : i32
    %add3A_12 = arith.addi %mul3A_2, %add3A_11 : i32
    %dma_start3A_13 = tpu.memref_slice %arg4[%add3A_12] : memref<819200xf32, #tpu.memory_space<hbm>> -> memref<6400xf32, #tpu.memory_space<hbm>>
    %dma_start3A_14 = tpu.memref_slice %arg4[%add3A_12] : memref<819200xf32, #tpu.memory_space<hbm>> -> memref<6400xf32, #tpu.memory_space<hbm>>
    tpu.enqueue_dma source(%arg8 : memref<6400xf32, #tpu.memory_space<vmem>>) target(%dma_start3A_14 : memref<6400xf32, #tpu.memory_space<hbm>>) target_semaphore(%arg13 : memref<!tpu.dma_semaphore, #tpu.memory_space<semaphore_mem>>)
    %add3A_15 = arith.constant 12800 : i32
    %add3A_16 = arith.addi %mul3A_2, %add3A_15 : i32
    %dma_start3A_17 = tpu.memref_slice %arg3[%add3A_16] : memref<819200xi32, #tpu.memory_space<hbm>> -> memref<6400xi32, #tpu.memory_space<hbm>>
    %dma_start3A_18 = tpu.memref_slice %arg3[%add3A_16] : memref<819200xi32, #tpu.memory_space<hbm>> -> memref<6400xi32, #tpu.memory_space<hbm>>
    tpu.enqueue_dma source(%dma_start3A_18 : memref<6400xi32, #tpu.memory_space<hbm>>) target(%arg6 : memref<6400xi32, #tpu.memory_space<vmem>>) target_semaphore(%arg11 : memref<!tpu.dma_semaphore, #tpu.memory_space<semaphore_mem>>)
    %dma_wait3A_19 = tpu.memref_slice %arg3[%add3A_5] : memref<819200xi32, #tpu.memory_space<hbm>> -> memref<6400xi32, #tpu.memory_space<hbm>>
    %dma_wait3A_20 = tpu.memref_slice %arg3[%add3A_5] : memref<819200xi32, #tpu.memory_space<hbm>> -> memref<6400xi32, #tpu.memory_space<hbm>>
    tpu.wait_dma2 semaphore(%arg12 : memref<!tpu.dma_semaphore, #tpu.memory_space<semaphore_mem>>) src(%dma_wait3A_20 : memref<6400xi32, #tpu.memory_space<hbm>>) dst(%arg7 : memref<6400xi32, #tpu.memory_space<vmem>>)
    %parallel_loop3A_21 = arith.constant 0 : i32
    %parallel_loop3A_22 = arith.constant 6400 : i32
    %parallel_loop3A_23 = arith.constant 16 : i32
    scf.for %parallel_loop3A_58 = %parallel_loop3A_21 to %parallel_loop3A_22 step %parallel_loop3A_23  : i32 {
      %parallel_loop3A_59 = arith.index_cast %parallel_loop3A_58 : i32 to index
      %parallel_loop3A_60 = tpu.vector_load %arg7[%parallel_loop3A_59] {strides = array<i32>} : memref<6400xi32, #tpu.memory_space<vmem>>, vector<16xi32>,
      %parallel_loop3A_61 = arith.constant 51200 : i32
      %parallel_loop3A_62 = vector.broadcast %parallel_loop3A_61 : i32 to vector<16xi32>
      %parallel_loop3A_63 = arith.cmpi sge, %parallel_loop3A_60, %parallel_loop3A_62 : vector<16xi32>
      %parallel_loop3A_64 = arith.constant 51200 : i32
      %parallel_loop3A_65 = arith.constant 0 : i32
      %parallel_loop3A_66 = vector.broadcast %parallel_loop3A_64 : i32 to vector<16xi32>
      %parallel_loop3A_67 = vector.broadcast %parallel_loop3A_65 : i32 to vector<16xi32>
      %parallel_loop3A_68 = arith.select %parallel_loop3A_63, %parallel_loop3A_66, %parallel_loop3A_67 : vector<16xi1>, vector<16xi32>
      %parallel_loop3A_69 = arith.subi %parallel_loop3A_60, %parallel_loop3A_68 : vector<16xi32>
      %parallel_loop3A_70 = tpu.vector_load_idx %arg5[%parallel_loop3A_69] : memref<51200xi32, #tpu.memory_space<vmem>>[vector<16xi32>], vector<16xi32>,
      %parallel_loop3A_71 = arith.constant 16 : i32
      %parallel_loop3A_72 = arith.constant 0 : i32
      %parallel_loop3A_73 = vector.broadcast %parallel_loop3A_71 : i32 to vector<16xi32>
      %parallel_loop3A_74 = vector.broadcast %parallel_loop3A_72 : i32 to vector<16xi32>
      %parallel_loop3A_75 = arith.select %parallel_loop3A_63, %parallel_loop3A_73, %parallel_loop3A_74 : vector<16xi1>, vector<16xi32>
      %parallel_loop3A_76 = arith.shrui %parallel_loop3A_70, %parallel_loop3A_75 : vector<16xi32>
      %parallel_loop3A_77 = arith.constant 65535 : i32
      %parallel_loop3A_78 = vector.broadcast %parallel_loop3A_77 : i32 to vector<16xi32>
      %parallel_loop3A_79 = arith.andi %parallel_loop3A_76, %parallel_loop3A_78 : vector<16xi32>
      %parallel_loop3A_80 = arith.constant 16 : i32
      %parallel_loop3A_81 = vector.broadcast %parallel_loop3A_80 : i32 to vector<16xi32>
      %parallel_loop3A_82 = arith.shli %parallel_loop3A_79, %parallel_loop3A_81 : vector<16xi32>
      %parallel_loop3A_83 = tpu.bitcast %parallel_loop3A_82 : vector<16xi32> -> vector<16xf32>
      %parallel_loop3A_84 = arith.index_cast %parallel_loop3A_58 : i32 to index
      %parallel_loop3A_85 = tpu.vector_load %arg9[%parallel_loop3A_84] {strides = array<i32>} : memref<6400xf32, #tpu.memory_space<vmem>>, vector<16xf32>,
      tpu.vector_store %arg9[%parallel_loop3A_84], %parallel_loop3A_83 {strides = array<i32>} : memref<6400xf32, #tpu.memory_space<vmem>>, vector<16xf32>,
    } {sc.loop_unroll_factor = 16 : i64, sc.parallel_access}
    %add3A_24 = arith.constant 6400 : i32
    %add3A_25 = arith.addi %mul3A_2, %add3A_24 : i32
    %dma_start3A_26 = tpu.memref_slice %arg4[%add3A_25] : memref<819200xf32, #tpu.memory_space<hbm>> -> memref<6400xf32, #tpu.memory_space<hbm>>
    %dma_start3A_27 = tpu.memref_slice %arg4[%add3A_25] : memref<819200xf32, #tpu.memory_space<hbm>> -> memref<6400xf32, #tpu.memory_space<hbm>>
    tpu.enqueue_dma source(%arg9 : memref<6400xf32, #tpu.memory_space<vmem>>) target(%dma_start3A_27 : memref<6400xf32, #tpu.memory_space<hbm>>) target_semaphore(%arg14 : memref<!tpu.dma_semaphore, #tpu.memory_space<semaphore_mem>>)
    %add3A_28 = arith.constant 19200 : i32
    %add3A_29 = arith.addi %mul3A_2, %add3A_28 : i32
    %dma_start3A_30 = tpu.memref_slice %arg3[%add3A_29] : memref<819200xi32, #tpu.memory_space<hbm>> -> memref<6400xi32, #tpu.memory_space<hbm>>
    %dma_start3A_31 = tpu.memref_slice %arg3[%add3A_29] : memref<819200xi32, #tpu.memory_space<hbm>> -> memref<6400xi32, #tpu.memory_space<hbm>>
    tpu.enqueue_dma source(%dma_start3A_31 : memref<6400xi32, #tpu.memory_space<hbm>>) target(%arg7 : memref<6400xi32, #tpu.memory_space<vmem>>) target_semaphore(%arg12 : memref<!tpu.dma_semaphore, #tpu.memory_space<semaphore_mem>>)
    %dma_wait3A_32 = tpu.memref_slice %arg3[%add3A_16] : memref<819200xi32, #tpu.memory_space<hbm>> -> memref<6400xi32, #tpu.memory_space<hbm>>
    %dma_wait3A_33 = tpu.memref_slice %arg3[%add3A_16] : memref<819200xi32, #tpu.memory_space<hbm>> -> memref<6400xi32, #tpu.memory_space<hbm>>
    tpu.wait_dma2 semaphore(%arg11 : memref<!tpu.dma_semaphore, #tpu.memory_space<semaphore_mem>>) src(%dma_wait3A_33 : memref<6400xi32, #tpu.memory_space<hbm>>) dst(%arg6 : memref<6400xi32, #tpu.memory_space<vmem>>)
    %dma_wait3A_34 = tpu.memref_slice %arg4[%add3A_12] : memref<819200xf32, #tpu.memory_space<hbm>> -> memref<6400xf32, #tpu.memory_space<hbm>>
    %dma_wait3A_35 = tpu.memref_slice %arg4[%add3A_12] : memref<819200xf32, #tpu.memory_space<hbm>> -> memref<6400xf32, #tpu.memory_space<hbm>>
    tpu.wait_dma2 semaphore(%arg13 : memref<!tpu.dma_semaphore, #tpu.memory_space<semaphore_mem>>) src(%arg8 : memref<6400xf32, #tpu.memory_space<vmem>>) dst(%dma_wait3A_35 : memref<6400xf32, #tpu.memory_space<hbm>>)
    %parallel_loop3A_36 = arith.constant 0 : i32
    %parallel_loop3A_37 = arith.constant 6400 : i32
    %parallel_loop3A_38 = arith.constant 16 : i32
    scf.for %parallel_loop3A_58 = %parallel_loop3A_36 to %parallel_loop3A_37 step %parallel_loop3A_38  : i32 {
      %parallel_loop3A_59 = arith.index_cast %parallel_loop3A_58 : i32 to index
      %parallel_loop3A_60 = tpu.vector_load %arg6[%parallel_loop3A_59] {strides = array<i32>} : memref<6400xi32, #tpu.memory_space<vmem>>, vector<16xi32>,
      %parallel_loop3A_61 = arith.constant 51200 : i32
      %parallel_loop3A_62 = vector.broadcast %parallel_loop3A_61 : i32 to vector<16xi32>
      %parallel_loop3A_63 = arith.cmpi sge, %parallel_loop3A_60, %parallel_loop3A_62 : vector<16xi32>
      %parallel_loop3A_64 = arith.constant 51200 : i32
      %parallel_loop3A_65 = arith.constant 0 : i32
      %parallel_loop3A_66 = vector.broadcast %parallel_loop3A_64 : i32 to vector<16xi32>
      %parallel_loop3A_67 = vector.broadcast %parallel_loop3A_65 : i32 to vector<16xi32>
      %parallel_loop3A_68 = arith.select %parallel_loop3A_63, %parallel_loop3A_66, %parallel_loop3A_67 : vector<16xi1>, vector<16xi32>
      %parallel_loop3A_69 = arith.subi %parallel_loop3A_60, %parallel_loop3A_68 : vector<16xi32>
      %parallel_loop3A_70 = tpu.vector_load_idx %arg5[%parallel_loop3A_69] : memref<51200xi32, #tpu.memory_space<vmem>>[vector<16xi32>], vector<16xi32>,
      %parallel_loop3A_71 = arith.constant 16 : i32
      %parallel_loop3A_72 = arith.constant 0 : i32
      %parallel_loop3A_73 = vector.broadcast %parallel_loop3A_71 : i32 to vector<16xi32>
      %parallel_loop3A_74 = vector.broadcast %parallel_loop3A_72 : i32 to vector<16xi32>
      %parallel_loop3A_75 = arith.select %parallel_loop3A_63, %parallel_loop3A_73, %parallel_loop3A_74 : vector<16xi1>, vector<16xi32>
      %parallel_loop3A_76 = arith.shrui %parallel_loop3A_70, %parallel_loop3A_75 : vector<16xi32>
      %parallel_loop3A_77 = arith.constant 65535 : i32
      %parallel_loop3A_78 = vector.broadcast %parallel_loop3A_77 : i32 to vector<16xi32>
      %parallel_loop3A_79 = arith.andi %parallel_loop3A_76, %parallel_loop3A_78 : vector<16xi32>
      %parallel_loop3A_80 = arith.constant 16 : i32
      %parallel_loop3A_81 = vector.broadcast %parallel_loop3A_80 : i32 to vector<16xi32>
      %parallel_loop3A_82 = arith.shli %parallel_loop3A_79, %parallel_loop3A_81 : vector<16xi32>
      %parallel_loop3A_83 = tpu.bitcast %parallel_loop3A_82 : vector<16xi32> -> vector<16xf32>
      %parallel_loop3A_84 = arith.index_cast %parallel_loop3A_58 : i32 to index
      %parallel_loop3A_85 = tpu.vector_load %arg8[%parallel_loop3A_84] {strides = array<i32>} : memref<6400xf32, #tpu.memory_space<vmem>>, vector<16xf32>,
      tpu.vector_store %arg8[%parallel_loop3A_84], %parallel_loop3A_83 {strides = array<i32>} : memref<6400xf32, #tpu.memory_space<vmem>>, vector<16xf32>,
    } {sc.loop_unroll_factor = 16 : i64, sc.parallel_access}
    %add3A_39 = arith.constant 12800 : i32
    %add3A_40 = arith.addi %mul3A_2, %add3A_39 : i32
    %dma_start3A_41 = tpu.memref_slice %arg4[%add3A_40] : memref<819200xf32, #tpu.memory_space<hbm>> -> memref<6400xf32, #tpu.memory_space<hbm>>
    %dma_start3A_42 = tpu.memref_slice %arg4[%add3A_40] : memref<819200xf32, #tpu.memory_space<hbm>> -> memref<6400xf32, #tpu.memory_space<hbm>>
    tpu.enqueue_dma source(%arg8 : memref<6400xf32, #tpu.memory_space<vmem>>) target(%dma_start3A_42 : memref<6400xf32, #tpu.memory_space<hbm>>) target_semaphore(%arg13 : memref<!tpu.dma_semaphore, #tpu.memory_space<semaphore_mem>>)
    %dma_wait3A_43 = tpu.memref_slice %arg3[%add3A_29] : memref<819200xi32, #tpu.memory_space<hbm>> -> memref<6400xi32, #tpu.memory_space<hbm>>
    %dma_wait3A_44 = tpu.memref_slice %arg3[%add3A_29] : memref<819200xi32, #tpu.memory_space<hbm>> -> memref<6400xi32, #tpu.memory_space<hbm>>
    tpu.wait_dma2 semaphore(%arg12 : memref<!tpu.dma_semaphore, #tpu.memory_space<semaphore_mem>>) src(%dma_wait3A_44 : memref<6400xi32, #tpu.memory_space<hbm>>) dst(%arg7 : memref<6400xi32, #tpu.memory_space<vmem>>)
    %dma_wait3A_45 = tpu.memref_slice %arg4[%add3A_25] : memref<819200xf32, #tpu.memory_space<hbm>> -> memref<6400xf32, #tpu.memory_space<hbm>>
    %dma_wait3A_46 = tpu.memref_slice %arg4[%add3A_25] : memref<819200xf32, #tpu.memory_space<hbm>> -> memref<6400xf32, #tpu.memory_space<hbm>>
    tpu.wait_dma2 semaphore(%arg14 : memref<!tpu.dma_semaphore, #tpu.memory_space<semaphore_mem>>) src(%arg9 : memref<6400xf32, #tpu.memory_space<vmem>>) dst(%dma_wait3A_46 : memref<6400xf32, #tpu.memory_space<hbm>>)
    %parallel_loop3A_47 = arith.constant 0 : i32
    %parallel_loop3A_48 = arith.constant 6400 : i32
    %parallel_loop3A_49 = arith.constant 16 : i32
    scf.for %parallel_loop3A_58 = %parallel_loop3A_47 to %parallel_loop3A_48 step %parallel_loop3A_49  : i32 {
      %parallel_loop3A_59 = arith.index_cast %parallel_loop3A_58 : i32 to index
      %parallel_loop3A_60 = tpu.vector_load %arg7[%parallel_loop3A_59] {strides = array<i32>} : memref<6400xi32, #tpu.memory_space<vmem>>, vector<16xi32>,
      %parallel_loop3A_61 = arith.constant 51200 : i32
      %parallel_loop3A_62 = vector.broadcast %parallel_loop3A_61 : i32 to vector<16xi32>
      %parallel_loop3A_63 = arith.cmpi sge, %parallel_loop3A_60, %parallel_loop3A_62 : vector<16xi32>
      %parallel_loop3A_64 = arith.constant 51200 : i32
      %parallel_loop3A_65 = arith.constant 0 : i32
      %parallel_loop3A_66 = vector.broadcast %parallel_loop3A_64 : i32 to vector<16xi32>
      %parallel_loop3A_67 = vector.broadcast %parallel_loop3A_65 : i32 to vector<16xi32>
      %parallel_loop3A_68 = arith.select %parallel_loop3A_63, %parallel_loop3A_66, %parallel_loop3A_67 : vector<16xi1>, vector<16xi32>
      %parallel_loop3A_69 = arith.subi %parallel_loop3A_60, %parallel_loop3A_68 : vector<16xi32>
      %parallel_loop3A_70 = tpu.vector_load_idx %arg5[%parallel_loop3A_69] : memref<51200xi32, #tpu.memory_space<vmem>>[vector<16xi32>], vector<16xi32>,
      %parallel_loop3A_71 = arith.constant 16 : i32
      %parallel_loop3A_72 = arith.constant 0 : i32
      %parallel_loop3A_73 = vector.broadcast %parallel_loop3A_71 : i32 to vector<16xi32>
      %parallel_loop3A_74 = vector.broadcast %parallel_loop3A_72 : i32 to vector<16xi32>
      %parallel_loop3A_75 = arith.select %parallel_loop3A_63, %parallel_loop3A_73, %parallel_loop3A_74 : vector<16xi1>, vector<16xi32>
      %parallel_loop3A_76 = arith.shrui %parallel_loop3A_70, %parallel_loop3A_75 : vector<16xi32>
      %parallel_loop3A_77 = arith.constant 65535 : i32
      %parallel_loop3A_78 = vector.broadcast %parallel_loop3A_77 : i32 to vector<16xi32>
      %parallel_loop3A_79 = arith.andi %parallel_loop3A_76, %parallel_loop3A_78 : vector<16xi32>
      %parallel_loop3A_80 = arith.constant 16 : i32
      %parallel_loop3A_81 = vector.broadcast %parallel_loop3A_80 : i32 to vector<16xi32>
      %parallel_loop3A_82 = arith.shli %parallel_loop3A_79, %parallel_loop3A_81 : vector<16xi32>
      %parallel_loop3A_83 = tpu.bitcast %parallel_loop3A_82 : vector<16xi32> -> vector<16xf32>
      %parallel_loop3A_84 = arith.index_cast %parallel_loop3A_58 : i32 to index
      %parallel_loop3A_85 = tpu.vector_load %arg9[%parallel_loop3A_84] {strides = array<i32>} : memref<6400xf32, #tpu.memory_space<vmem>>, vector<16xf32>,
      tpu.vector_store %arg9[%parallel_loop3A_84], %parallel_loop3A_83 {strides = array<i32>} : memref<6400xf32, #tpu.memory_space<vmem>>, vector<16xf32>,
    } {sc.loop_unroll_factor = 16 : i64, sc.parallel_access}
    %add3A_50 = arith.constant 19200 : i32
    %add3A_51 = arith.addi %mul3A_2, %add3A_50 : i32
    %dma_start3A_52 = tpu.memref_slice %arg4[%add3A_51] : memref<819200xf32, #tpu.memory_space<hbm>> -> memref<6400xf32, #tpu.memory_space<hbm>>
    %dma_start3A_53 = tpu.memref_slice %arg4[%add3A_51] : memref<819200xf32, #tpu.memory_space<hbm>> -> memref<6400xf32, #tpu.memory_space<hbm>>
    tpu.enqueue_dma source(%arg9 : memref<6400xf32, #tpu.memory_space<vmem>>) target(%dma_start3A_53 : memref<6400xf32, #tpu.memory_space<hbm>>) target_semaphore(%arg14 : memref<!tpu.dma_semaphore, #tpu.memory_space<semaphore_mem>>)
    %dma_wait3A_54 = tpu.memref_slice %arg4[%add3A_40] : memref<819200xf32, #tpu.memory_space<hbm>> -> memref<6400xf32, #tpu.memory_space<hbm>>
    %dma_wait3A_55 = tpu.memref_slice %arg4[%add3A_40] : memref<819200xf32, #tpu.memory_space<hbm>> -> memref<6400xf32, #tpu.memory_space<hbm>>
    tpu.wait_dma2 semaphore(%arg13 : memref<!tpu.dma_semaphore, #tpu.memory_space<semaphore_mem>>) src(%arg8 : memref<6400xf32, #tpu.memory_space<vmem>>) dst(%dma_wait3A_55 : memref<6400xf32, #tpu.memory_space<hbm>>)
    %dma_wait3A_56 = tpu.memref_slice %arg4[%add3A_51] : memref<819200xf32, #tpu.memory_space<hbm>> -> memref<6400xf32, #tpu.memory_space<hbm>>
    %dma_wait3A_57 = tpu.memref_slice %arg4[%add3A_51] : memref<819200xf32, #tpu.memory_space<hbm>> -> memref<6400xf32, #tpu.memory_space<hbm>>
    tpu.wait_dma2 semaphore(%arg14 : memref<!tpu.dma_semaphore, #tpu.memory_space<semaphore_mem>>) src(%arg9 : memref<6400xf32, #tpu.memory_space<vmem>>) dst(%dma_wait3A_57 : memref<6400xf32, #tpu.memory_space<hbm>>)
    return
  }
}

module attributes {stable_mosaic.version = 14 : i64} {
  func.func @_table_body(%arg0: i32, %arg1: memref<10240x128xf32, #tpu.memory_space<vmem>>, %arg2: memref<10240x128xf32, #tpu.memory_space<vmem>>, %arg3: memref<1x128xf32, #tpu.memory_space<vmem>>, %arg4: memref<1xf32, #tpu.memory_space<smem>>, %arg5: memref<10240xi32, #tpu.memory_space<vmem>>) attributes {dimension_semantics = [#tpu.dimension_semantics<arbitrary>], iteration_bounds = array<i64: 5>, scalar_prefetch = 0 : i64, scratch_operands = 0 : i64, tpu.core_type = #tpu.core_type<tc>, window_params = [{transform_indices = @transform_0, window_bounds = array<i64: 10240, 128>}, {transform_indices = @transform_1, window_bounds = array<i64: 10240, 128>}, {pipeline_mode = #tpu.pipeline_mode<synchronous>, transform_indices = @transform_2, window_bounds = array<i64: 1, 128>}, {transform_indices = @transform_3, window_bounds = array<i64: 1>}, {transform_indices = @transform_4, window_bounds = array<i64: 10240>}]} {
    %get3A = arith.constant 0 : index
    %get3A_0 = arith.constant 0 : index
    %get3A_1 = vector.load %arg1[%get3A, %get3A_0] : memref<10240x128xf32, #tpu.memory_space<vmem>>, vector<128x128xf32>
    %get3A_2 = arith.constant 0 : index
    %get3A_3 = arith.constant 0 : index
    %get3A_4 = vector.load %arg3[%get3A_2, %get3A_3] : memref<1x128xf32, #tpu.memory_space<vmem>>, vector<1x128xf32>
    %dot_general3A = arith.constant dense<0.000000e+00> : vector<1x128xf32>
    %dot_general3A_5 = tpu.matmul %get3A_4, %get3A_1, %dot_general3A {dimension_numbers = #tpu.dot_dimension_numbers<[1], [1], [0], [0], [0, 0, 1, 0], [], []>, transpose_lhs_hint = false} : vector<1x128xf32>, vector<128x128xf32>, vector<1x128xf32> -> vector<1x128xf32>
    %get3A_6 = arith.constant 128 : index
    %get3A_7 = arith.constant 0 : index
    %get3A_8 = vector.load %arg1[%get3A_6, %get3A_7] : memref<10240x128xf32, #tpu.memory_space<vmem>>, vector<128x128xf32>
    %get3A_9 = arith.constant 0 : index
    %get3A_10 = arith.constant 0 : index
    %get3A_11 = vector.load %arg3[%get3A_9, %get3A_10] : memref<1x128xf32, #tpu.memory_space<vmem>>, vector<1x128xf32>
    %dot_general3A_12 = arith.constant dense<0.000000e+00> : vector<1x128xf32>
    %dot_general3A_13 = tpu.matmul %get3A_11, %get3A_8, %dot_general3A_12 {dimension_numbers = #tpu.dot_dimension_numbers<[1], [1], [0], [0], [0, 0, 1, 0], [], []>, transpose_lhs_hint = false} : vector<1x128xf32>, vector<128x128xf32>, vector<1x128xf32> -> vector<1x128xf32>
    %get3A_14 = arith.constant 256 : index
    %get3A_15 = arith.constant 0 : index
    %get3A_16 = vector.load %arg1[%get3A_14, %get3A_15] : memref<10240x128xf32, #tpu.memory_space<vmem>>, vector<128x128xf32>
    %get3A_17 = arith.constant 0 : index
    %get3A_18 = arith.constant 0 : index
    %get3A_19 = vector.load %arg3[%get3A_17, %get3A_18] : memref<1x128xf32, #tpu.memory_space<vmem>>, vector<1x128xf32>
    %dot_general3A_20 = arith.constant dense<0.000000e+00> : vector<1x128xf32>
    %dot_general3A_21 = tpu.matmul %get3A_19, %get3A_16, %dot_general3A_20 {dimension_numbers = #tpu.dot_dimension_numbers<[1], [1], [0], [0], [0, 0, 1, 0], [], []>, transpose_lhs_hint = false} : vector<1x128xf32>, vector<128x128xf32>, vector<1x128xf32> -> vector<1x128xf32>
    %get3A_22 = arith.constant 384 : index
    %get3A_23 = arith.constant 0 : index
    %get3A_24 = vector.load %arg1[%get3A_22, %get3A_23] : memref<10240x128xf32, #tpu.memory_space<vmem>>, vector<128x128xf32>
    %get3A_25 = arith.constant 0 : index
    %get3A_26 = arith.constant 0 : index
    %get3A_27 = vector.load %arg3[%get3A_25, %get3A_26] : memref<1x128xf32, #tpu.memory_space<vmem>>, vector<1x128xf32>
    %dot_general3A_28 = arith.constant dense<0.000000e+00> : vector<1x128xf32>
    %dot_general3A_29 = tpu.matmul %get3A_27, %get3A_24, %dot_general3A_28 {dimension_numbers = #tpu.dot_dimension_numbers<[1], [1], [0], [0], [0, 0, 1, 0], [], []>, transpose_lhs_hint = false} : vector<1x128xf32>, vector<128x128xf32>, vector<1x128xf32> -> vector<1x128xf32>
    %get3A_30 = arith.constant 512 : index
    %get3A_31 = arith.constant 0 : index
    %get3A_32 = vector.load %arg1[%get3A_30, %get3A_31] : memref<10240x128xf32, #tpu.memory_space<vmem>>, vector<128x128xf32>
    %get3A_33 = arith.constant 0 : index
    %get3A_34 = arith.constant 0 : index
    %get3A_35 = vector.load %arg3[%get3A_33, %get3A_34] : memref<1x128xf32, #tpu.memory_space<vmem>>, vector<1x128xf32>
    %dot_general3A_36 = arith.constant dense<0.000000e+00> : vector<1x128xf32>
    %dot_general3A_37 = tpu.matmul %get3A_35, %get3A_32, %dot_general3A_36 {dimension_numbers = #tpu.dot_dimension_numbers<[1], [1], [0], [0], [0, 0, 1, 0], [], []>, transpose_lhs_hint = false} : vector<1x128xf32>, vector<128x128xf32>, vector<1x128xf32> -> vector<1x128xf32>
    %get3A_38 = arith.constant 640 : index
    %get3A_39 = arith.constant 0 : index
    %get3A_40 = vector.load %arg1[%get3A_38, %get3A_39] : memref<10240x128xf32, #tpu.memory_space<vmem>>, vector<128x128xf32>
    %get3A_41 = arith.constant 0 : index
    %get3A_42 = arith.constant 0 : index
    %get3A_43 = vector.load %arg3[%get3A_41, %get3A_42] : memref<1x128xf32, #tpu.memory_space<vmem>>, vector<1x128xf32>
    %dot_general3A_44 = arith.constant dense<0.000000e+00> : vector<1x128xf32>
    %dot_general3A_45 = tpu.matmul %get3A_43, %get3A_40, %dot_general3A_44 {dimension_numbers = #tpu.dot_dimension_numbers<[1], [1], [0], [0], [0, 0, 1, 0], [], []>, transpose_lhs_hint = false} : vector<1x128xf32>, vector<128x128xf32>, vector<1x128xf32> -> vector<1x128xf32>
    %get3A_46 = arith.constant 768 : index
    %get3A_47 = arith.constant 0 : index
    %get3A_48 = vector.load %arg1[%get3A_46, %get3A_47] : memref<10240x128xf32, #tpu.memory_space<vmem>>, vector<128x128xf32>
    %get3A_49 = arith.constant 0 : index
    %get3A_50 = arith.constant 0 : index
    %get3A_51 = vector.load %arg3[%get3A_49, %get3A_50] : memref<1x128xf32, #tpu.memory_space<vmem>>, vector<1x128xf32>
    %dot_general3A_52 = arith.constant dense<0.000000e+00> : vector<1x128xf32>
    %dot_general3A_53 = tpu.matmul %get3A_51, %get3A_48, %dot_general3A_52 {dimension_numbers = #tpu.dot_dimension_numbers<[1], [1], [0], [0], [0, 0, 1, 0], [], []>, transpose_lhs_hint = false} : vector<1x128xf32>, vector<128x128xf32>, vector<1x128xf32> -> vector<1x128xf32>
    %get3A_54 = arith.constant 896 : index
    %get3A_55 = arith.constant 0 : index
    %get3A_56 = vector.load %arg1[%get3A_54, %get3A_55] : memref<10240x128xf32, #tpu.memory_space<vmem>>, vector<128x128xf32>
    %get3A_57 = arith.constant 0 : index
    %get3A_58 = arith.constant 0 : index
    %get3A_59 = vector.load %arg3[%get3A_57, %get3A_58] : memref<1x128xf32, #tpu.memory_space<vmem>>, vector<1x128xf32>
    %dot_general3A_60 = arith.constant dense<0.000000e+00> : vector<1x128xf32>
    %dot_general3A_61 = tpu.matmul %get3A_59, %get3A_56, %dot_general3A_60 {dimension_numbers = #tpu.dot_dimension_numbers<[1], [1], [0], [0], [0, 0, 1, 0], [], []>, transpose_lhs_hint = false} : vector<1x128xf32>, vector<128x128xf32>, vector<1x128xf32> -> vector<1x128xf32>
    %get3A_62 = arith.constant 1024 : index
    %get3A_63 = arith.constant 0 : index
    %get3A_64 = vector.load %arg1[%get3A_62, %get3A_63] : memref<10240x128xf32, #tpu.memory_space<vmem>>, vector<128x128xf32>
    %get3A_65 = arith.constant 0 : index
    %get3A_66 = arith.constant 0 : index
    %get3A_67 = vector.load %arg3[%get3A_65, %get3A_66] : memref<1x128xf32, #tpu.memory_space<vmem>>, vector<1x128xf32>
    %dot_general3A_68 = arith.constant dense<0.000000e+00> : vector<1x128xf32>
    %dot_general3A_69 = tpu.matmul %get3A_67, %get3A_64, %dot_general3A_68 {dimension_numbers = #tpu.dot_dimension_numbers<[1], [1], [0], [0], [0, 0, 1, 0], [], []>, transpose_lhs_hint = false} : vector<1x128xf32>, vector<128x128xf32>, vector<1x128xf32> -> vector<1x128xf32>
    %get3A_70 = arith.constant 1152 : index
    %get3A_71 = arith.constant 0 : index
    %get3A_72 = vector.load %arg1[%get3A_70, %get3A_71] : memref<10240x128xf32, #tpu.memory_space<vmem>>, vector<128x128xf32>
    %get3A_73 = arith.constant 0 : index
    %get3A_74 = arith.constant 0 : index
    %get3A_75 = vector.load %arg3[%get3A_73, %get3A_74] : memref<1x128xf32, #tpu.memory_space<vmem>>, vector<1x128xf32>
    %dot_general3A_76 = arith.constant dense<0.000000e+00> : vector<1x128xf32>
    %dot_general3A_77 = tpu.matmul %get3A_75, %get3A_72, %dot_general3A_76 {dimension_numbers = #tpu.dot_dimension_numbers<[1], [1], [0], [0], [0, 0, 1, 0], [], []>, transpose_lhs_hint = false} : vector<1x128xf32>, vector<128x128xf32>, vector<1x128xf32> -> vector<1x128xf32>
    %get3A_78 = arith.constant 1280 : index
    %get3A_79 = arith.constant 0 : index
    %get3A_80 = vector.load %arg1[%get3A_78, %get3A_79] : memref<10240x128xf32, #tpu.memory_space<vmem>>, vector<128x128xf32>
    %get3A_81 = arith.constant 0 : index
    %get3A_82 = arith.constant 0 : index
    %get3A_83 = vector.load %arg3[%get3A_81, %get3A_82] : memref<1x128xf32, #tpu.memory_space<vmem>>, vector<1x128xf32>
    %dot_general3A_84 = arith.constant dense<0.000000e+00> : vector<1x128xf32>
    %dot_general3A_85 = tpu.matmul %get3A_83, %get3A_80, %dot_general3A_84 {dimension_numbers = #tpu.dot_dimension_numbers<[1], [1], [0], [0], [0, 0, 1, 0], [], []>, transpose_lhs_hint = false} : vector<1x128xf32>, vector<128x128xf32>, vector<1x128xf32> -> vector<1x128xf32>
    %get3A_86 = arith.constant 1408 : index
    %get3A_87 = arith.constant 0 : index
    %get3A_88 = vector.load %arg1[%get3A_86, %get3A_87] : memref<10240x128xf32, #tpu.memory_space<vmem>>, vector<128x128xf32>
    %get3A_89 = arith.constant 0 : index
    %get3A_90 = arith.constant 0 : index
    %get3A_91 = vector.load %arg3[%get3A_89, %get3A_90] : memref<1x128xf32, #tpu.memory_space<vmem>>, vector<1x128xf32>
    %dot_general3A_92 = arith.constant dense<0.000000e+00> : vector<1x128xf32>
    %dot_general3A_93 = tpu.matmul %get3A_91, %get3A_88, %dot_general3A_92 {dimension_numbers = #tpu.dot_dimension_numbers<[1], [1], [0], [0], [0, 0, 1, 0], [], []>, transpose_lhs_hint = false} : vector<1x128xf32>, vector<128x128xf32>, vector<1x128xf32> -> vector<1x128xf32>
    %get3A_94 = arith.constant 1536 : index
    %get3A_95 = arith.constant 0 : index
    %get3A_96 = vector.load %arg1[%get3A_94, %get3A_95] : memref<10240x128xf32, #tpu.memory_space<vmem>>, vector<128x128xf32>
    %get3A_97 = arith.constant 0 : index
    %get3A_98 = arith.constant 0 : index
    %get3A_99 = vector.load %arg3[%get3A_97, %get3A_98] : memref<1x128xf32, #tpu.memory_space<vmem>>, vector<1x128xf32>
    %dot_general3A_100 = arith.constant dense<0.000000e+00> : vector<1x128xf32>
    %dot_general3A_101 = tpu.matmul %get3A_99, %get3A_96, %dot_general3A_100 {dimension_numbers = #tpu.dot_dimension_numbers<[1], [1], [0], [0], [0, 0, 1, 0], [], []>, transpose_lhs_hint = false} : vector<1x128xf32>, vector<128x128xf32>, vector<1x128xf32> -> vector<1x128xf32>
    %get3A_102 = arith.constant 1664 : index
    %get3A_103 = arith.constant 0 : index
    %get3A_104 = vector.load %arg1[%get3A_102, %get3A_103] : memref<10240x128xf32, #tpu.memory_space<vmem>>, vector<128x128xf32>
    %get3A_105 = arith.constant 0 : index
    %get3A_106 = arith.constant 0 : index
    %get3A_107 = vector.load %arg3[%get3A_105, %get3A_106] : memref<1x128xf32, #tpu.memory_space<vmem>>, vector<1x128xf32>
    %dot_general3A_108 = arith.constant dense<0.000000e+00> : vector<1x128xf32>
    %dot_general3A_109 = tpu.matmul %get3A_107, %get3A_104, %dot_general3A_108 {dimension_numbers = #tpu.dot_dimension_numbers<[1], [1], [0], [0], [0, 0, 1, 0], [], []>, transpose_lhs_hint = false} : vector<1x128xf32>, vector<128x128xf32>, vector<1x128xf32> -> vector<1x128xf32>
    %get3A_110 = arith.constant 1792 : index
    %get3A_111 = arith.constant 0 : index
    %get3A_112 = vector.load %arg1[%get3A_110, %get3A_111] : memref<10240x128xf32, #tpu.memory_space<vmem>>, vector<128x128xf32>
    %get3A_113 = arith.constant 0 : index
    %get3A_114 = arith.constant 0 : index
    %get3A_115 = vector.load %arg3[%get3A_113, %get3A_114] : memref<1x128xf32, #tpu.memory_space<vmem>>, vector<1x128xf32>
    %dot_general3A_116 = arith.constant dense<0.000000e+00> : vector<1x128xf32>
    %dot_general3A_117 = tpu.matmul %get3A_115, %get3A_112, %dot_general3A_116 {dimension_numbers = #tpu.dot_dimension_numbers<[1], [1], [0], [0], [0, 0, 1, 0], [], []>, transpose_lhs_hint = false} : vector<1x128xf32>, vector<128x128xf32>, vector<1x128xf32> -> vector<1x128xf32>
    %get3A_118 = arith.constant 1920 : index
    %get3A_119 = arith.constant 0 : index
    %get3A_120 = vector.load %arg1[%get3A_118, %get3A_119] : memref<10240x128xf32, #tpu.memory_space<vmem>>, vector<128x128xf32>
    %get3A_121 = arith.constant 0 : index
    %get3A_122 = arith.constant 0 : index
    %get3A_123 = vector.load %arg3[%get3A_121, %get3A_122] : memref<1x128xf32, #tpu.memory_space<vmem>>, vector<1x128xf32>
    %dot_general3A_124 = arith.constant dense<0.000000e+00> : vector<1x128xf32>
    %dot_general3A_125 = tpu.matmul %get3A_123, %get3A_120, %dot_general3A_124 {dimension_numbers = #tpu.dot_dimension_numbers<[1], [1], [0], [0], [0, 0, 1, 0], [], []>, transpose_lhs_hint = false} : vector<1x128xf32>, vector<128x128xf32>, vector<1x128xf32> -> vector<1x128xf32>
    %get3A_126 = arith.constant 2048 : index
    %get3A_127 = arith.constant 0 : index
    %get3A_128 = vector.load %arg1[%get3A_126, %get3A_127] : memref<10240x128xf32, #tpu.memory_space<vmem>>, vector<128x128xf32>
    %get3A_129 = arith.constant 0 : index
    %get3A_130 = arith.constant 0 : index
    %get3A_131 = vector.load %arg3[%get3A_129, %get3A_130] : memref<1x128xf32, #tpu.memory_space<vmem>>, vector<1x128xf32>
    %dot_general3A_132 = arith.constant dense<0.000000e+00> : vector<1x128xf32>
    %dot_general3A_133 = tpu.matmul %get3A_131, %get3A_128, %dot_general3A_132 {dimension_numbers = #tpu.dot_dimension_numbers<[1], [1], [0], [0], [0, 0, 1, 0], [], []>, transpose_lhs_hint = false} : vector<1x128xf32>, vector<128x128xf32>, vector<1x128xf32> -> vector<1x128xf32>
    %get3A_134 = arith.constant 2176 : index
    %get3A_135 = arith.constant 0 : index
    %get3A_136 = vector.load %arg1[%get3A_134, %get3A_135] : memref<10240x128xf32, #tpu.memory_space<vmem>>, vector<128x128xf32>
    %get3A_137 = arith.constant 0 : index
    %get3A_138 = arith.constant 0 : index
    %get3A_139 = vector.load %arg3[%get3A_137, %get3A_138] : memref<1x128xf32, #tpu.memory_space<vmem>>, vector<1x128xf32>
    %dot_general3A_140 = arith.constant dense<0.000000e+00> : vector<1x128xf32>
    %dot_general3A_141 = tpu.matmul %get3A_139, %get3A_136, %dot_general3A_140 {dimension_numbers = #tpu.dot_dimension_numbers<[1], [1], [0], [0], [0, 0, 1, 0], [], []>, transpose_lhs_hint = false} : vector<1x128xf32>, vector<128x128xf32>, vector<1x128xf32> -> vector<1x128xf32>
    %get3A_142 = arith.constant 2304 : index
    %get3A_143 = arith.constant 0 : index
    %get3A_144 = vector.load %arg1[%get3A_142, %get3A_143] : memref<10240x128xf32, #tpu.memory_space<vmem>>, vector<128x128xf32>
    %get3A_145 = arith.constant 0 : index
    %get3A_146 = arith.constant 0 : index
    %get3A_147 = vector.load %arg3[%get3A_145, %get3A_146] : memref<1x128xf32, #tpu.memory_space<vmem>>, vector<1x128xf32>
    %dot_general3A_148 = arith.constant dense<0.000000e+00> : vector<1x128xf32>
    %dot_general3A_149 = tpu.matmul %get3A_147, %get3A_144, %dot_general3A_148 {dimension_numbers = #tpu.dot_dimension_numbers<[1], [1], [0], [0], [0, 0, 1, 0], [], []>, transpose_lhs_hint = false} : vector<1x128xf32>, vector<128x128xf32>, vector<1x128xf32> -> vector<1x128xf32>
    %get3A_150 = arith.constant 2432 : index
    %get3A_151 = arith.constant 0 : index
    %get3A_152 = vector.load %arg1[%get3A_150, %get3A_151] : memref<10240x128xf32, #tpu.memory_space<vmem>>, vector<128x128xf32>
    %get3A_153 = arith.constant 0 : index
    %get3A_154 = arith.constant 0 : index
    %get3A_155 = vector.load %arg3[%get3A_153, %get3A_154] : memref<1x128xf32, #tpu.memory_space<vmem>>, vector<1x128xf32>
    %dot_general3A_156 = arith.constant dense<0.000000e+00> : vector<1x128xf32>
    %dot_general3A_157 = tpu.matmul %get3A_155, %get3A_152, %dot_general3A_156 {dimension_numbers = #tpu.dot_dimension_numbers<[1], [1], [0], [0], [0, 0, 1, 0], [], []>, transpose_lhs_hint = false} : vector<1x128xf32>, vector<128x128xf32>, vector<1x128xf32> -> vector<1x128xf32>
    %get3A_158 = arith.constant 2560 : index
    %get3A_159 = arith.constant 0 : index
    %get3A_160 = vector.load %arg1[%get3A_158, %get3A_159] : memref<10240x128xf32, #tpu.memory_space<vmem>>, vector<128x128xf32>
    %get3A_161 = arith.constant 0 : index
    %get3A_162 = arith.constant 0 : index
    %get3A_163 = vector.load %arg3[%get3A_161, %get3A_162] : memref<1x128xf32, #tpu.memory_space<vmem>>, vector<1x128xf32>
    %dot_general3A_164 = arith.constant dense<0.000000e+00> : vector<1x128xf32>
    %dot_general3A_165 = tpu.matmul %get3A_163, %get3A_160, %dot_general3A_164 {dimension_numbers = #tpu.dot_dimension_numbers<[1], [1], [0], [0], [0, 0, 1, 0], [], []>, transpose_lhs_hint = false} : vector<1x128xf32>, vector<128x128xf32>, vector<1x128xf32> -> vector<1x128xf32>
    %get3A_166 = arith.constant 2688 : index
    %get3A_167 = arith.constant 0 : index
    %get3A_168 = vector.load %arg1[%get3A_166, %get3A_167] : memref<10240x128xf32, #tpu.memory_space<vmem>>, vector<128x128xf32>
    %get3A_169 = arith.constant 0 : index
    %get3A_170 = arith.constant 0 : index
    %get3A_171 = vector.load %arg3[%get3A_169, %get3A_170] : memref<1x128xf32, #tpu.memory_space<vmem>>, vector<1x128xf32>
    %dot_general3A_172 = arith.constant dense<0.000000e+00> : vector<1x128xf32>
    %dot_general3A_173 = tpu.matmul %get3A_171, %get3A_168, %dot_general3A_172 {dimension_numbers = #tpu.dot_dimension_numbers<[1], [1], [0], [0], [0, 0, 1, 0], [], []>, transpose_lhs_hint = false} : vector<1x128xf32>, vector<128x128xf32>, vector<1x128xf32> -> vector<1x128xf32>
    %get3A_174 = arith.constant 2816 : index
    %get3A_175 = arith.constant 0 : index
    %get3A_176 = vector.load %arg1[%get3A_174, %get3A_175] : memref<10240x128xf32, #tpu.memory_space<vmem>>, vector<128x128xf32>
    %get3A_177 = arith.constant 0 : index
    %get3A_178 = arith.constant 0 : index
    %get3A_179 = vector.load %arg3[%get3A_177, %get3A_178] : memref<1x128xf32, #tpu.memory_space<vmem>>, vector<1x128xf32>
    %dot_general3A_180 = arith.constant dense<0.000000e+00> : vector<1x128xf32>
    %dot_general3A_181 = tpu.matmul %get3A_179, %get3A_176, %dot_general3A_180 {dimension_numbers = #tpu.dot_dimension_numbers<[1], [1], [0], [0], [0, 0, 1, 0], [], []>, transpose_lhs_hint = false} : vector<1x128xf32>, vector<128x128xf32>, vector<1x128xf32> -> vector<1x128xf32>
    %get3A_182 = arith.constant 2944 : index
    %get3A_183 = arith.constant 0 : index
    %get3A_184 = vector.load %arg1[%get3A_182, %get3A_183] : memref<10240x128xf32, #tpu.memory_space<vmem>>, vector<128x128xf32>
    %get3A_185 = arith.constant 0 : index
    %get3A_186 = arith.constant 0 : index
    %get3A_187 = vector.load %arg3[%get3A_185, %get3A_186] : memref<1x128xf32, #tpu.memory_space<vmem>>, vector<1x128xf32>
    %dot_general3A_188 = arith.constant dense<0.000000e+00> : vector<1x128xf32>
    %dot_general3A_189 = tpu.matmul %get3A_187, %get3A_184, %dot_general3A_188 {dimension_numbers = #tpu.dot_dimension_numbers<[1], [1], [0], [0], [0, 0, 1, 0], [], []>, transpose_lhs_hint = false} : vector<1x128xf32>, vector<128x128xf32>, vector<1x128xf32> -> vector<1x128xf32>
    %get3A_190 = arith.constant 3072 : index
    %get3A_191 = arith.constant 0 : index
    %get3A_192 = vector.load %arg1[%get3A_190, %get3A_191] : memref<10240x128xf32, #tpu.memory_space<vmem>>, vector<128x128xf32>
    %get3A_193 = arith.constant 0 : index
    %get3A_194 = arith.constant 0 : index
    %get3A_195 = vector.load %arg3[%get3A_193, %get3A_194] : memref<1x128xf32, #tpu.memory_space<vmem>>, vector<1x128xf32>
    %dot_general3A_196 = arith.constant dense<0.000000e+00> : vector<1x128xf32>
    %dot_general3A_197 = tpu.matmul %get3A_195, %get3A_192, %dot_general3A_196 {dimension_numbers = #tpu.dot_dimension_numbers<[1], [1], [0], [0], [0, 0, 1, 0], [], []>, transpose_lhs_hint = false} : vector<1x128xf32>, vector<128x128xf32>, vector<1x128xf32> -> vector<1x128xf32>
    %get3A_198 = arith.constant 3200 : index
    %get3A_199 = arith.constant 0 : index
    %get3A_200 = vector.load %arg1[%get3A_198, %get3A_199] : memref<10240x128xf32, #tpu.memory_space<vmem>>, vector<128x128xf32>
    %get3A_201 = arith.constant 0 : index
    %get3A_202 = arith.constant 0 : index
    %get3A_203 = vector.load %arg3[%get3A_201, %get3A_202] : memref<1x128xf32, #tpu.memory_space<vmem>>, vector<1x128xf32>
    %dot_general3A_204 = arith.constant dense<0.000000e+00> : vector<1x128xf32>
    %dot_general3A_205 = tpu.matmul %get3A_203, %get3A_200, %dot_general3A_204 {dimension_numbers = #tpu.dot_dimension_numbers<[1], [1], [0], [0], [0, 0, 1, 0], [], []>, transpose_lhs_hint = false} : vector<1x128xf32>, vector<128x128xf32>, vector<1x128xf32> -> vector<1x128xf32>
    %get3A_206 = arith.constant 3328 : index
    %get3A_207 = arith.constant 0 : index
    %get3A_208 = vector.load %arg1[%get3A_206, %get3A_207] : memref<10240x128xf32, #tpu.memory_space<vmem>>, vector<128x128xf32>
    %get3A_209 = arith.constant 0 : index
    %get3A_210 = arith.constant 0 : index
    %get3A_211 = vector.load %arg3[%get3A_209, %get3A_210] : memref<1x128xf32, #tpu.memory_space<vmem>>, vector<1x128xf32>
    %dot_general3A_212 = arith.constant dense<0.000000e+00> : vector<1x128xf32>
    %dot_general3A_213 = tpu.matmul %get3A_211, %get3A_208, %dot_general3A_212 {dimension_numbers = #tpu.dot_dimension_numbers<[1], [1], [0], [0], [0, 0, 1, 0], [], []>, transpose_lhs_hint = false} : vector<1x128xf32>, vector<128x128xf32>, vector<1x128xf32> -> vector<1x128xf32>
    %get3A_214 = arith.constant 3456 : index
    %get3A_215 = arith.constant 0 : index
    %get3A_216 = vector.load %arg1[%get3A_214, %get3A_215] : memref<10240x128xf32, #tpu.memory_space<vmem>>, vector<128x128xf32>
    %get3A_217 = arith.constant 0 : index
    %get3A_218 = arith.constant 0 : index
    %get3A_219 = vector.load %arg3[%get3A_217, %get3A_218] : memref<1x128xf32, #tpu.memory_space<vmem>>, vector<1x128xf32>
    %dot_general3A_220 = arith.constant dense<0.000000e+00> : vector<1x128xf32>
    %dot_general3A_221 = tpu.matmul %get3A_219, %get3A_216, %dot_general3A_220 {dimension_numbers = #tpu.dot_dimension_numbers<[1], [1], [0], [0], [0, 0, 1, 0], [], []>, transpose_lhs_hint = false} : vector<1x128xf32>, vector<128x128xf32>, vector<1x128xf32> -> vector<1x128xf32>
    %get3A_222 = arith.constant 3584 : index
    %get3A_223 = arith.constant 0 : index
    %get3A_224 = vector.load %arg1[%get3A_222, %get3A_223] : memref<10240x128xf32, #tpu.memory_space<vmem>>, vector<128x128xf32>
    %get3A_225 = arith.constant 0 : index
    %get3A_226 = arith.constant 0 : index
    %get3A_227 = vector.load %arg3[%get3A_225, %get3A_226] : memref<1x128xf32, #tpu.memory_space<vmem>>, vector<1x128xf32>
    %dot_general3A_228 = arith.constant dense<0.000000e+00> : vector<1x128xf32>
    %dot_general3A_229 = tpu.matmul %get3A_227, %get3A_224, %dot_general3A_228 {dimension_numbers = #tpu.dot_dimension_numbers<[1], [1], [0], [0], [0, 0, 1, 0], [], []>, transpose_lhs_hint = false} : vector<1x128xf32>, vector<128x128xf32>, vector<1x128xf32> -> vector<1x128xf32>
    %get3A_230 = arith.constant 3712 : index
    %get3A_231 = arith.constant 0 : index
    %get3A_232 = vector.load %arg1[%get3A_230, %get3A_231] : memref<10240x128xf32, #tpu.memory_space<vmem>>, vector<128x128xf32>
    %get3A_233 = arith.constant 0 : index
    %get3A_234 = arith.constant 0 : index
    %get3A_235 = vector.load %arg3[%get3A_233, %get3A_234] : memref<1x128xf32, #tpu.memory_space<vmem>>, vector<1x128xf32>
    %dot_general3A_236 = arith.constant dense<0.000000e+00> : vector<1x128xf32>
    %dot_general3A_237 = tpu.matmul %get3A_235, %get3A_232, %dot_general3A_236 {dimension_numbers = #tpu.dot_dimension_numbers<[1], [1], [0], [0], [0, 0, 1, 0], [], []>, transpose_lhs_hint = false} : vector<1x128xf32>, vector<128x128xf32>, vector<1x128xf32> -> vector<1x128xf32>
    %get3A_238 = arith.constant 3840 : index
    %get3A_239 = arith.constant 0 : index
    %get3A_240 = vector.load %arg1[%get3A_238, %get3A_239] : memref<10240x128xf32, #tpu.memory_space<vmem>>, vector<128x128xf32>
    %get3A_241 = arith.constant 0 : index
    %get3A_242 = arith.constant 0 : index
    %get3A_243 = vector.load %arg3[%get3A_241, %get3A_242] : memref<1x128xf32, #tpu.memory_space<vmem>>, vector<1x128xf32>
    %dot_general3A_244 = arith.constant dense<0.000000e+00> : vector<1x128xf32>
    %dot_general3A_245 = tpu.matmul %get3A_243, %get3A_240, %dot_general3A_244 {dimension_numbers = #tpu.dot_dimension_numbers<[1], [1], [0], [0], [0, 0, 1, 0], [], []>, transpose_lhs_hint = false} : vector<1x128xf32>, vector<128x128xf32>, vector<1x128xf32> -> vector<1x128xf32>
    %get3A_246 = arith.constant 3968 : index
    %get3A_247 = arith.constant 0 : index
    %get3A_248 = vector.load %arg1[%get3A_246, %get3A_247] : memref<10240x128xf32, #tpu.memory_space<vmem>>, vector<128x128xf32>
    %get3A_249 = arith.constant 0 : index
    %get3A_250 = arith.constant 0 : index
    %get3A_251 = vector.load %arg3[%get3A_249, %get3A_250] : memref<1x128xf32, #tpu.memory_space<vmem>>, vector<1x128xf32>
    %dot_general3A_252 = arith.constant dense<0.000000e+00> : vector<1x128xf32>
    %dot_general3A_253 = tpu.matmul %get3A_251, %get3A_248, %dot_general3A_252 {dimension_numbers = #tpu.dot_dimension_numbers<[1], [1], [0], [0], [0, 0, 1, 0], [], []>, transpose_lhs_hint = false} : vector<1x128xf32>, vector<128x128xf32>, vector<1x128xf32> -> vector<1x128xf32>
    %get3A_254 = arith.constant 4096 : index
    %get3A_255 = arith.constant 0 : index
    %get3A_256 = vector.load %arg1[%get3A_254, %get3A_255] : memref<10240x128xf32, #tpu.memory_space<vmem>>, vector<128x128xf32>
    %get3A_257 = arith.constant 0 : index
    %get3A_258 = arith.constant 0 : index
    %get3A_259 = vector.load %arg3[%get3A_257, %get3A_258] : memref<1x128xf32, #tpu.memory_space<vmem>>, vector<1x128xf32>
    %dot_general3A_260 = arith.constant dense<0.000000e+00> : vector<1x128xf32>
    %dot_general3A_261 = tpu.matmul %get3A_259, %get3A_256, %dot_general3A_260 {dimension_numbers = #tpu.dot_dimension_numbers<[1], [1], [0], [0], [0, 0, 1, 0], [], []>, transpose_lhs_hint = false} : vector<1x128xf32>, vector<128x128xf32>, vector<1x128xf32> -> vector<1x128xf32>
    %get3A_262 = arith.constant 4224 : index
    %get3A_263 = arith.constant 0 : index
    %get3A_264 = vector.load %arg1[%get3A_262, %get3A_263] : memref<10240x128xf32, #tpu.memory_space<vmem>>, vector<128x128xf32>
    %get3A_265 = arith.constant 0 : index
    %get3A_266 = arith.constant 0 : index
    %get3A_267 = vector.load %arg3[%get3A_265, %get3A_266] : memref<1x128xf32, #tpu.memory_space<vmem>>, vector<1x128xf32>
    %dot_general3A_268 = arith.constant dense<0.000000e+00> : vector<1x128xf32>
    %dot_general3A_269 = tpu.matmul %get3A_267, %get3A_264, %dot_general3A_268 {dimension_numbers = #tpu.dot_dimension_numbers<[1], [1], [0], [0], [0, 0, 1, 0], [], []>, transpose_lhs_hint = false} : vector<1x128xf32>, vector<128x128xf32>, vector<1x128xf32> -> vector<1x128xf32>
    %get3A_270 = arith.constant 4352 : index
    %get3A_271 = arith.constant 0 : index
    %get3A_272 = vector.load %arg1[%get3A_270, %get3A_271] : memref<10240x128xf32, #tpu.memory_space<vmem>>, vector<128x128xf32>
    %get3A_273 = arith.constant 0 : index
    %get3A_274 = arith.constant 0 : index
    %get3A_275 = vector.load %arg3[%get3A_273, %get3A_274] : memref<1x128xf32, #tpu.memory_space<vmem>>, vector<1x128xf32>
    %dot_general3A_276 = arith.constant dense<0.000000e+00> : vector<1x128xf32>
    %dot_general3A_277 = tpu.matmul %get3A_275, %get3A_272, %dot_general3A_276 {dimension_numbers = #tpu.dot_dimension_numbers<[1], [1], [0], [0], [0, 0, 1, 0], [], []>, transpose_lhs_hint = false} : vector<1x128xf32>, vector<128x128xf32>, vector<1x128xf32> -> vector<1x128xf32>
    %get3A_278 = arith.constant 4480 : index
    %get3A_279 = arith.constant 0 : index
    %get3A_280 = vector.load %arg1[%get3A_278, %get3A_279] : memref<10240x128xf32, #tpu.memory_space<vmem>>, vector<128x128xf32>
    %get3A_281 = arith.constant 0 : index
    %get3A_282 = arith.constant 0 : index
    %get3A_283 = vector.load %arg3[%get3A_281, %get3A_282] : memref<1x128xf32, #tpu.memory_space<vmem>>, vector<1x128xf32>
    %dot_general3A_284 = arith.constant dense<0.000000e+00> : vector<1x128xf32>
    %dot_general3A_285 = tpu.matmul %get3A_283, %get3A_280, %dot_general3A_284 {dimension_numbers = #tpu.dot_dimension_numbers<[1], [1], [0], [0], [0, 0, 1, 0], [], []>, transpose_lhs_hint = false} : vector<1x128xf32>, vector<128x128xf32>, vector<1x128xf32> -> vector<1x128xf32>
    %get3A_286 = arith.constant 4608 : index
    %get3A_287 = arith.constant 0 : index
    %get3A_288 = vector.load %arg1[%get3A_286, %get3A_287] : memref<10240x128xf32, #tpu.memory_space<vmem>>, vector<128x128xf32>
    %get3A_289 = arith.constant 0 : index
    %get3A_290 = arith.constant 0 : index
    %get3A_291 = vector.load %arg3[%get3A_289, %get3A_290] : memref<1x128xf32, #tpu.memory_space<vmem>>, vector<1x128xf32>
    %dot_general3A_292 = arith.constant dense<0.000000e+00> : vector<1x128xf32>
    %dot_general3A_293 = tpu.matmul %get3A_291, %get3A_288, %dot_general3A_292 {dimension_numbers = #tpu.dot_dimension_numbers<[1], [1], [0], [0], [0, 0, 1, 0], [], []>, transpose_lhs_hint = false} : vector<1x128xf32>, vector<128x128xf32>, vector<1x128xf32> -> vector<1x128xf32>
    %get3A_294 = arith.constant 4736 : index
    %get3A_295 = arith.constant 0 : index
    %get3A_296 = vector.load %arg1[%get3A_294, %get3A_295] : memref<10240x128xf32, #tpu.memory_space<vmem>>, vector<128x128xf32>
    %get3A_297 = arith.constant 0 : index
    %get3A_298 = arith.constant 0 : index
    %get3A_299 = vector.load %arg3[%get3A_297, %get3A_298] : memref<1x128xf32, #tpu.memory_space<vmem>>, vector<1x128xf32>
    %dot_general3A_300 = arith.constant dense<0.000000e+00> : vector<1x128xf32>
    %dot_general3A_301 = tpu.matmul %get3A_299, %get3A_296, %dot_general3A_300 {dimension_numbers = #tpu.dot_dimension_numbers<[1], [1], [0], [0], [0, 0, 1, 0], [], []>, transpose_lhs_hint = false} : vector<1x128xf32>, vector<128x128xf32>, vector<1x128xf32> -> vector<1x128xf32>
    %get3A_302 = arith.constant 4864 : index
    %get3A_303 = arith.constant 0 : index
    %get3A_304 = vector.load %arg1[%get3A_302, %get3A_303] : memref<10240x128xf32, #tpu.memory_space<vmem>>, vector<128x128xf32>
    %get3A_305 = arith.constant 0 : index
    %get3A_306 = arith.constant 0 : index
    %get3A_307 = vector.load %arg3[%get3A_305, %get3A_306] : memref<1x128xf32, #tpu.memory_space<vmem>>, vector<1x128xf32>
    %dot_general3A_308 = arith.constant dense<0.000000e+00> : vector<1x128xf32>
    %dot_general3A_309 = tpu.matmul %get3A_307, %get3A_304, %dot_general3A_308 {dimension_numbers = #tpu.dot_dimension_numbers<[1], [1], [0], [0], [0, 0, 1, 0], [], []>, transpose_lhs_hint = false} : vector<1x128xf32>, vector<128x128xf32>, vector<1x128xf32> -> vector<1x128xf32>
    %get3A_310 = arith.constant 4992 : index
    %get3A_311 = arith.constant 0 : index
    %get3A_312 = vector.load %arg1[%get3A_310, %get3A_311] : memref<10240x128xf32, #tpu.memory_space<vmem>>, vector<128x128xf32>
    %get3A_313 = arith.constant 0 : index
    %get3A_314 = arith.constant 0 : index
    %get3A_315 = vector.load %arg3[%get3A_313, %get3A_314] : memref<1x128xf32, #tpu.memory_space<vmem>>, vector<1x128xf32>
    %dot_general3A_316 = arith.constant dense<0.000000e+00> : vector<1x128xf32>
    %dot_general3A_317 = tpu.matmul %get3A_315, %get3A_312, %dot_general3A_316 {dimension_numbers = #tpu.dot_dimension_numbers<[1], [1], [0], [0], [0, 0, 1, 0], [], []>, transpose_lhs_hint = false} : vector<1x128xf32>, vector<128x128xf32>, vector<1x128xf32> -> vector<1x128xf32>
    %get3A_318 = arith.constant 5120 : index
    %get3A_319 = arith.constant 0 : index
    %get3A_320 = vector.load %arg1[%get3A_318, %get3A_319] : memref<10240x128xf32, #tpu.memory_space<vmem>>, vector<128x128xf32>
    %get3A_321 = arith.constant 0 : index
    %get3A_322 = arith.constant 0 : index
    %get3A_323 = vector.load %arg3[%get3A_321, %get3A_322] : memref<1x128xf32, #tpu.memory_space<vmem>>, vector<1x128xf32>
    %dot_general3A_324 = arith.constant dense<0.000000e+00> : vector<1x128xf32>
    %dot_general3A_325 = tpu.matmul %get3A_323, %get3A_320, %dot_general3A_324 {dimension_numbers = #tpu.dot_dimension_numbers<[1], [1], [0], [0], [0, 0, 1, 0], [], []>, transpose_lhs_hint = false} : vector<1x128xf32>, vector<128x128xf32>, vector<1x128xf32> -> vector<1x128xf32>
    %get3A_326 = arith.constant 5248 : index
    %get3A_327 = arith.constant 0 : index
    %get3A_328 = vector.load %arg1[%get3A_326, %get3A_327] : memref<10240x128xf32, #tpu.memory_space<vmem>>, vector<128x128xf32>
    %get3A_329 = arith.constant 0 : index
    %get3A_330 = arith.constant 0 : index
    %get3A_331 = vector.load %arg3[%get3A_329, %get3A_330] : memref<1x128xf32, #tpu.memory_space<vmem>>, vector<1x128xf32>
    %dot_general3A_332 = arith.constant dense<0.000000e+00> : vector<1x128xf32>
    %dot_general3A_333 = tpu.matmul %get3A_331, %get3A_328, %dot_general3A_332 {dimension_numbers = #tpu.dot_dimension_numbers<[1], [1], [0], [0], [0, 0, 1, 0], [], []>, transpose_lhs_hint = false} : vector<1x128xf32>, vector<128x128xf32>, vector<1x128xf32> -> vector<1x128xf32>
    %get3A_334 = arith.constant 5376 : index
    %get3A_335 = arith.constant 0 : index
    %get3A_336 = vector.load %arg1[%get3A_334, %get3A_335] : memref<10240x128xf32, #tpu.memory_space<vmem>>, vector<128x128xf32>
    %get3A_337 = arith.constant 0 : index
    %get3A_338 = arith.constant 0 : index
    %get3A_339 = vector.load %arg3[%get3A_337, %get3A_338] : memref<1x128xf32, #tpu.memory_space<vmem>>, vector<1x128xf32>
    %dot_general3A_340 = arith.constant dense<0.000000e+00> : vector<1x128xf32>
    %dot_general3A_341 = tpu.matmul %get3A_339, %get3A_336, %dot_general3A_340 {dimension_numbers = #tpu.dot_dimension_numbers<[1], [1], [0], [0], [0, 0, 1, 0], [], []>, transpose_lhs_hint = false} : vector<1x128xf32>, vector<128x128xf32>, vector<1x128xf32> -> vector<1x128xf32>
    %get3A_342 = arith.constant 5504 : index
    %get3A_343 = arith.constant 0 : index
    %get3A_344 = vector.load %arg1[%get3A_342, %get3A_343] : memref<10240x128xf32, #tpu.memory_space<vmem>>, vector<128x128xf32>
    %get3A_345 = arith.constant 0 : index
    %get3A_346 = arith.constant 0 : index
    %get3A_347 = vector.load %arg3[%get3A_345, %get3A_346] : memref<1x128xf32, #tpu.memory_space<vmem>>, vector<1x128xf32>
    %dot_general3A_348 = arith.constant dense<0.000000e+00> : vector<1x128xf32>
    %dot_general3A_349 = tpu.matmul %get3A_347, %get3A_344, %dot_general3A_348 {dimension_numbers = #tpu.dot_dimension_numbers<[1], [1], [0], [0], [0, 0, 1, 0], [], []>, transpose_lhs_hint = false} : vector<1x128xf32>, vector<128x128xf32>, vector<1x128xf32> -> vector<1x128xf32>
    %get3A_350 = arith.constant 5632 : index
    %get3A_351 = arith.constant 0 : index
    %get3A_352 = vector.load %arg1[%get3A_350, %get3A_351] : memref<10240x128xf32, #tpu.memory_space<vmem>>, vector<128x128xf32>
    %get3A_353 = arith.constant 0 : index
    %get3A_354 = arith.constant 0 : index
    %get3A_355 = vector.load %arg3[%get3A_353, %get3A_354] : memref<1x128xf32, #tpu.memory_space<vmem>>, vector<1x128xf32>
    %dot_general3A_356 = arith.constant dense<0.000000e+00> : vector<1x128xf32>
    %dot_general3A_357 = tpu.matmul %get3A_355, %get3A_352, %dot_general3A_356 {dimension_numbers = #tpu.dot_dimension_numbers<[1], [1], [0], [0], [0, 0, 1, 0], [], []>, transpose_lhs_hint = false} : vector<1x128xf32>, vector<128x128xf32>, vector<1x128xf32> -> vector<1x128xf32>
    %get3A_358 = arith.constant 5760 : index
    %get3A_359 = arith.constant 0 : index
    %get3A_360 = vector.load %arg1[%get3A_358, %get3A_359] : memref<10240x128xf32, #tpu.memory_space<vmem>>, vector<128x128xf32>
    %get3A_361 = arith.constant 0 : index
    %get3A_362 = arith.constant 0 : index
    %get3A_363 = vector.load %arg3[%get3A_361, %get3A_362] : memref<1x128xf32, #tpu.memory_space<vmem>>, vector<1x128xf32>
    %dot_general3A_364 = arith.constant dense<0.000000e+00> : vector<1x128xf32>
    %dot_general3A_365 = tpu.matmul %get3A_363, %get3A_360, %dot_general3A_364 {dimension_numbers = #tpu.dot_dimension_numbers<[1], [1], [0], [0], [0, 0, 1, 0], [], []>, transpose_lhs_hint = false} : vector<1x128xf32>, vector<128x128xf32>, vector<1x128xf32> -> vector<1x128xf32>
    %get3A_366 = arith.constant 5888 : index
    %get3A_367 = arith.constant 0 : index
    %get3A_368 = vector.load %arg1[%get3A_366, %get3A_367] : memref<10240x128xf32, #tpu.memory_space<vmem>>, vector<128x128xf32>
    %get3A_369 = arith.constant 0 : index
    %get3A_370 = arith.constant 0 : index
    %get3A_371 = vector.load %arg3[%get3A_369, %get3A_370] : memref<1x128xf32, #tpu.memory_space<vmem>>, vector<1x128xf32>
    %dot_general3A_372 = arith.constant dense<0.000000e+00> : vector<1x128xf32>
    %dot_general3A_373 = tpu.matmul %get3A_371, %get3A_368, %dot_general3A_372 {dimension_numbers = #tpu.dot_dimension_numbers<[1], [1], [0], [0], [0, 0, 1, 0], [], []>, transpose_lhs_hint = false} : vector<1x128xf32>, vector<128x128xf32>, vector<1x128xf32> -> vector<1x128xf32>
    %get3A_374 = arith.constant 6016 : index
    %get3A_375 = arith.constant 0 : index
    %get3A_376 = vector.load %arg1[%get3A_374, %get3A_375] : memref<10240x128xf32, #tpu.memory_space<vmem>>, vector<128x128xf32>
    %get3A_377 = arith.constant 0 : index
    %get3A_378 = arith.constant 0 : index
    %get3A_379 = vector.load %arg3[%get3A_377, %get3A_378] : memref<1x128xf32, #tpu.memory_space<vmem>>, vector<1x128xf32>
    %dot_general3A_380 = arith.constant dense<0.000000e+00> : vector<1x128xf32>
    %dot_general3A_381 = tpu.matmul %get3A_379, %get3A_376, %dot_general3A_380 {dimension_numbers = #tpu.dot_dimension_numbers<[1], [1], [0], [0], [0, 0, 1, 0], [], []>, transpose_lhs_hint = false} : vector<1x128xf32>, vector<128x128xf32>, vector<1x128xf32> -> vector<1x128xf32>
    %get3A_382 = arith.constant 6144 : index
    %get3A_383 = arith.constant 0 : index
    %get3A_384 = vector.load %arg1[%get3A_382, %get3A_383] : memref<10240x128xf32, #tpu.memory_space<vmem>>, vector<128x128xf32>
    %get3A_385 = arith.constant 0 : index
    %get3A_386 = arith.constant 0 : index
    %get3A_387 = vector.load %arg3[%get3A_385, %get3A_386] : memref<1x128xf32, #tpu.memory_space<vmem>>, vector<1x128xf32>
    %dot_general3A_388 = arith.constant dense<0.000000e+00> : vector<1x128xf32>
    %dot_general3A_389 = tpu.matmul %get3A_387, %get3A_384, %dot_general3A_388 {dimension_numbers = #tpu.dot_dimension_numbers<[1], [1], [0], [0], [0, 0, 1, 0], [], []>, transpose_lhs_hint = false} : vector<1x128xf32>, vector<128x128xf32>, vector<1x128xf32> -> vector<1x128xf32>
    %get3A_390 = arith.constant 6272 : index
    %get3A_391 = arith.constant 0 : index
    %get3A_392 = vector.load %arg1[%get3A_390, %get3A_391] : memref<10240x128xf32, #tpu.memory_space<vmem>>, vector<128x128xf32>
    %get3A_393 = arith.constant 0 : index
    %get3A_394 = arith.constant 0 : index
    %get3A_395 = vector.load %arg3[%get3A_393, %get3A_394] : memref<1x128xf32, #tpu.memory_space<vmem>>, vector<1x128xf32>
    %dot_general3A_396 = arith.constant dense<0.000000e+00> : vector<1x128xf32>
    %dot_general3A_397 = tpu.matmul %get3A_395, %get3A_392, %dot_general3A_396 {dimension_numbers = #tpu.dot_dimension_numbers<[1], [1], [0], [0], [0, 0, 1, 0], [], []>, transpose_lhs_hint = false} : vector<1x128xf32>, vector<128x128xf32>, vector<1x128xf32> -> vector<1x128xf32>
    %get3A_398 = arith.constant 6400 : index
    %get3A_399 = arith.constant 0 : index
    %get3A_400 = vector.load %arg1[%get3A_398, %get3A_399] : memref<10240x128xf32, #tpu.memory_space<vmem>>, vector<128x128xf32>
    %get3A_401 = arith.constant 0 : index
    %get3A_402 = arith.constant 0 : index
    %get3A_403 = vector.load %arg3[%get3A_401, %get3A_402] : memref<1x128xf32, #tpu.memory_space<vmem>>, vector<1x128xf32>
    %dot_general3A_404 = arith.constant dense<0.000000e+00> : vector<1x128xf32>
    %dot_general3A_405 = tpu.matmul %get3A_403, %get3A_400, %dot_general3A_404 {dimension_numbers = #tpu.dot_dimension_numbers<[1], [1], [0], [0], [0, 0, 1, 0], [], []>, transpose_lhs_hint = false} : vector<1x128xf32>, vector<128x128xf32>, vector<1x128xf32> -> vector<1x128xf32>
    %get3A_406 = arith.constant 6528 : index
    %get3A_407 = arith.constant 0 : index
    %get3A_408 = vector.load %arg1[%get3A_406, %get3A_407] : memref<10240x128xf32, #tpu.memory_space<vmem>>, vector<128x128xf32>
    %get3A_409 = arith.constant 0 : index
    %get3A_410 = arith.constant 0 : index
    %get3A_411 = vector.load %arg3[%get3A_409, %get3A_410] : memref<1x128xf32, #tpu.memory_space<vmem>>, vector<1x128xf32>
    %dot_general3A_412 = arith.constant dense<0.000000e+00> : vector<1x128xf32>
    %dot_general3A_413 = tpu.matmul %get3A_411, %get3A_408, %dot_general3A_412 {dimension_numbers = #tpu.dot_dimension_numbers<[1], [1], [0], [0], [0, 0, 1, 0], [], []>, transpose_lhs_hint = false} : vector<1x128xf32>, vector<128x128xf32>, vector<1x128xf32> -> vector<1x128xf32>
    %get3A_414 = arith.constant 6656 : index
    %get3A_415 = arith.constant 0 : index
    %get3A_416 = vector.load %arg1[%get3A_414, %get3A_415] : memref<10240x128xf32, #tpu.memory_space<vmem>>, vector<128x128xf32>
    %get3A_417 = arith.constant 0 : index
    %get3A_418 = arith.constant 0 : index
    %get3A_419 = vector.load %arg3[%get3A_417, %get3A_418] : memref<1x128xf32, #tpu.memory_space<vmem>>, vector<1x128xf32>
    %dot_general3A_420 = arith.constant dense<0.000000e+00> : vector<1x128xf32>
    %dot_general3A_421 = tpu.matmul %get3A_419, %get3A_416, %dot_general3A_420 {dimension_numbers = #tpu.dot_dimension_numbers<[1], [1], [0], [0], [0, 0, 1, 0], [], []>, transpose_lhs_hint = false} : vector<1x128xf32>, vector<128x128xf32>, vector<1x128xf32> -> vector<1x128xf32>
    %get3A_422 = arith.constant 6784 : index
    %get3A_423 = arith.constant 0 : index
    %get3A_424 = vector.load %arg1[%get3A_422, %get3A_423] : memref<10240x128xf32, #tpu.memory_space<vmem>>, vector<128x128xf32>
    %get3A_425 = arith.constant 0 : index
    %get3A_426 = arith.constant 0 : index
    %get3A_427 = vector.load %arg3[%get3A_425, %get3A_426] : memref<1x128xf32, #tpu.memory_space<vmem>>, vector<1x128xf32>
    %dot_general3A_428 = arith.constant dense<0.000000e+00> : vector<1x128xf32>
    %dot_general3A_429 = tpu.matmul %get3A_427, %get3A_424, %dot_general3A_428 {dimension_numbers = #tpu.dot_dimension_numbers<[1], [1], [0], [0], [0, 0, 1, 0], [], []>, transpose_lhs_hint = false} : vector<1x128xf32>, vector<128x128xf32>, vector<1x128xf32> -> vector<1x128xf32>
    %get3A_430 = arith.constant 6912 : index
    %get3A_431 = arith.constant 0 : index
    %get3A_432 = vector.load %arg1[%get3A_430, %get3A_431] : memref<10240x128xf32, #tpu.memory_space<vmem>>, vector<128x128xf32>
    %get3A_433 = arith.constant 0 : index
    %get3A_434 = arith.constant 0 : index
    %get3A_435 = vector.load %arg3[%get3A_433, %get3A_434] : memref<1x128xf32, #tpu.memory_space<vmem>>, vector<1x128xf32>
    %dot_general3A_436 = arith.constant dense<0.000000e+00> : vector<1x128xf32>
    %dot_general3A_437 = tpu.matmul %get3A_435, %get3A_432, %dot_general3A_436 {dimension_numbers = #tpu.dot_dimension_numbers<[1], [1], [0], [0], [0, 0, 1, 0], [], []>, transpose_lhs_hint = false} : vector<1x128xf32>, vector<128x128xf32>, vector<1x128xf32> -> vector<1x128xf32>
    %get3A_438 = arith.constant 7040 : index
    %get3A_439 = arith.constant 0 : index
    %get3A_440 = vector.load %arg1[%get3A_438, %get3A_439] : memref<10240x128xf32, #tpu.memory_space<vmem>>, vector<128x128xf32>
    %get3A_441 = arith.constant 0 : index
    %get3A_442 = arith.constant 0 : index
    %get3A_443 = vector.load %arg3[%get3A_441, %get3A_442] : memref<1x128xf32, #tpu.memory_space<vmem>>, vector<1x128xf32>
    %dot_general3A_444 = arith.constant dense<0.000000e+00> : vector<1x128xf32>
    %dot_general3A_445 = tpu.matmul %get3A_443, %get3A_440, %dot_general3A_444 {dimension_numbers = #tpu.dot_dimension_numbers<[1], [1], [0], [0], [0, 0, 1, 0], [], []>, transpose_lhs_hint = false} : vector<1x128xf32>, vector<128x128xf32>, vector<1x128xf32> -> vector<1x128xf32>
    %get3A_446 = arith.constant 7168 : index
    %get3A_447 = arith.constant 0 : index
    %get3A_448 = vector.load %arg1[%get3A_446, %get3A_447] : memref<10240x128xf32, #tpu.memory_space<vmem>>, vector<128x128xf32>
    %get3A_449 = arith.constant 0 : index
    %get3A_450 = arith.constant 0 : index
    %get3A_451 = vector.load %arg3[%get3A_449, %get3A_450] : memref<1x128xf32, #tpu.memory_space<vmem>>, vector<1x128xf32>
    %dot_general3A_452 = arith.constant dense<0.000000e+00> : vector<1x128xf32>
    %dot_general3A_453 = tpu.matmul %get3A_451, %get3A_448, %dot_general3A_452 {dimension_numbers = #tpu.dot_dimension_numbers<[1], [1], [0], [0], [0, 0, 1, 0], [], []>, transpose_lhs_hint = false} : vector<1x128xf32>, vector<128x128xf32>, vector<1x128xf32> -> vector<1x128xf32>
    %get3A_454 = arith.constant 7296 : index
    %get3A_455 = arith.constant 0 : index
    %get3A_456 = vector.load %arg1[%get3A_454, %get3A_455] : memref<10240x128xf32, #tpu.memory_space<vmem>>, vector<128x128xf32>
    %get3A_457 = arith.constant 0 : index
    %get3A_458 = arith.constant 0 : index
    %get3A_459 = vector.load %arg3[%get3A_457, %get3A_458] : memref<1x128xf32, #tpu.memory_space<vmem>>, vector<1x128xf32>
    %dot_general3A_460 = arith.constant dense<0.000000e+00> : vector<1x128xf32>
    %dot_general3A_461 = tpu.matmul %get3A_459, %get3A_456, %dot_general3A_460 {dimension_numbers = #tpu.dot_dimension_numbers<[1], [1], [0], [0], [0, 0, 1, 0], [], []>, transpose_lhs_hint = false} : vector<1x128xf32>, vector<128x128xf32>, vector<1x128xf32> -> vector<1x128xf32>
    %get3A_462 = arith.constant 7424 : index
    %get3A_463 = arith.constant 0 : index
    %get3A_464 = vector.load %arg1[%get3A_462, %get3A_463] : memref<10240x128xf32, #tpu.memory_space<vmem>>, vector<128x128xf32>
    %get3A_465 = arith.constant 0 : index
    %get3A_466 = arith.constant 0 : index
    %get3A_467 = vector.load %arg3[%get3A_465, %get3A_466] : memref<1x128xf32, #tpu.memory_space<vmem>>, vector<1x128xf32>
    %dot_general3A_468 = arith.constant dense<0.000000e+00> : vector<1x128xf32>
    %dot_general3A_469 = tpu.matmul %get3A_467, %get3A_464, %dot_general3A_468 {dimension_numbers = #tpu.dot_dimension_numbers<[1], [1], [0], [0], [0, 0, 1, 0], [], []>, transpose_lhs_hint = false} : vector<1x128xf32>, vector<128x128xf32>, vector<1x128xf32> -> vector<1x128xf32>
    %get3A_470 = arith.constant 7552 : index
    %get3A_471 = arith.constant 0 : index
    %get3A_472 = vector.load %arg1[%get3A_470, %get3A_471] : memref<10240x128xf32, #tpu.memory_space<vmem>>, vector<128x128xf32>
    %get3A_473 = arith.constant 0 : index
    %get3A_474 = arith.constant 0 : index
    %get3A_475 = vector.load %arg3[%get3A_473, %get3A_474] : memref<1x128xf32, #tpu.memory_space<vmem>>, vector<1x128xf32>
    %dot_general3A_476 = arith.constant dense<0.000000e+00> : vector<1x128xf32>
    %dot_general3A_477 = tpu.matmul %get3A_475, %get3A_472, %dot_general3A_476 {dimension_numbers = #tpu.dot_dimension_numbers<[1], [1], [0], [0], [0, 0, 1, 0], [], []>, transpose_lhs_hint = false} : vector<1x128xf32>, vector<128x128xf32>, vector<1x128xf32> -> vector<1x128xf32>
    %get3A_478 = arith.constant 7680 : index
    %get3A_479 = arith.constant 0 : index
    %get3A_480 = vector.load %arg1[%get3A_478, %get3A_479] : memref<10240x128xf32, #tpu.memory_space<vmem>>, vector<128x128xf32>
    %get3A_481 = arith.constant 0 : index
    %get3A_482 = arith.constant 0 : index
    %get3A_483 = vector.load %arg3[%get3A_481, %get3A_482] : memref<1x128xf32, #tpu.memory_space<vmem>>, vector<1x128xf32>
    %dot_general3A_484 = arith.constant dense<0.000000e+00> : vector<1x128xf32>
    %dot_general3A_485 = tpu.matmul %get3A_483, %get3A_480, %dot_general3A_484 {dimension_numbers = #tpu.dot_dimension_numbers<[1], [1], [0], [0], [0, 0, 1, 0], [], []>, transpose_lhs_hint = false} : vector<1x128xf32>, vector<128x128xf32>, vector<1x128xf32> -> vector<1x128xf32>
    %get3A_486 = arith.constant 7808 : index
    %get3A_487 = arith.constant 0 : index
    %get3A_488 = vector.load %arg1[%get3A_486, %get3A_487] : memref<10240x128xf32, #tpu.memory_space<vmem>>, vector<128x128xf32>
    %get3A_489 = arith.constant 0 : index
    %get3A_490 = arith.constant 0 : index
    %get3A_491 = vector.load %arg3[%get3A_489, %get3A_490] : memref<1x128xf32, #tpu.memory_space<vmem>>, vector<1x128xf32>
    %dot_general3A_492 = arith.constant dense<0.000000e+00> : vector<1x128xf32>
    %dot_general3A_493 = tpu.matmul %get3A_491, %get3A_488, %dot_general3A_492 {dimension_numbers = #tpu.dot_dimension_numbers<[1], [1], [0], [0], [0, 0, 1, 0], [], []>, transpose_lhs_hint = false} : vector<1x128xf32>, vector<128x128xf32>, vector<1x128xf32> -> vector<1x128xf32>
    %get3A_494 = arith.constant 7936 : index
    %get3A_495 = arith.constant 0 : index
    %get3A_496 = vector.load %arg1[%get3A_494, %get3A_495] : memref<10240x128xf32, #tpu.memory_space<vmem>>, vector<128x128xf32>
    %get3A_497 = arith.constant 0 : index
    %get3A_498 = arith.constant 0 : index
    %get3A_499 = vector.load %arg3[%get3A_497, %get3A_498] : memref<1x128xf32, #tpu.memory_space<vmem>>, vector<1x128xf32>
    %dot_general3A_500 = arith.constant dense<0.000000e+00> : vector<1x128xf32>
    %dot_general3A_501 = tpu.matmul %get3A_499, %get3A_496, %dot_general3A_500 {dimension_numbers = #tpu.dot_dimension_numbers<[1], [1], [0], [0], [0, 0, 1, 0], [], []>, transpose_lhs_hint = false} : vector<1x128xf32>, vector<128x128xf32>, vector<1x128xf32> -> vector<1x128xf32>
    %get3A_502 = arith.constant 8064 : index
    %get3A_503 = arith.constant 0 : index
    %get3A_504 = vector.load %arg1[%get3A_502, %get3A_503] : memref<10240x128xf32, #tpu.memory_space<vmem>>, vector<128x128xf32>
    %get3A_505 = arith.constant 0 : index
    %get3A_506 = arith.constant 0 : index
    %get3A_507 = vector.load %arg3[%get3A_505, %get3A_506] : memref<1x128xf32, #tpu.memory_space<vmem>>, vector<1x128xf32>
    %dot_general3A_508 = arith.constant dense<0.000000e+00> : vector<1x128xf32>
    %dot_general3A_509 = tpu.matmul %get3A_507, %get3A_504, %dot_general3A_508 {dimension_numbers = #tpu.dot_dimension_numbers<[1], [1], [0], [0], [0, 0, 1, 0], [], []>, transpose_lhs_hint = false} : vector<1x128xf32>, vector<128x128xf32>, vector<1x128xf32> -> vector<1x128xf32>
    %get3A_510 = arith.constant 8192 : index
    %get3A_511 = arith.constant 0 : index
    %get3A_512 = vector.load %arg1[%get3A_510, %get3A_511] : memref<10240x128xf32, #tpu.memory_space<vmem>>, vector<128x128xf32>
    %get3A_513 = arith.constant 0 : index
    %get3A_514 = arith.constant 0 : index
    %get3A_515 = vector.load %arg3[%get3A_513, %get3A_514] : memref<1x128xf32, #tpu.memory_space<vmem>>, vector<1x128xf32>
    %dot_general3A_516 = arith.constant dense<0.000000e+00> : vector<1x128xf32>
    %dot_general3A_517 = tpu.matmul %get3A_515, %get3A_512, %dot_general3A_516 {dimension_numbers = #tpu.dot_dimension_numbers<[1], [1], [0], [0], [0, 0, 1, 0], [], []>, transpose_lhs_hint = false} : vector<1x128xf32>, vector<128x128xf32>, vector<1x128xf32> -> vector<1x128xf32>
    %get3A_518 = arith.constant 8320 : index
    %get3A_519 = arith.constant 0 : index
    %get3A_520 = vector.load %arg1[%get3A_518, %get3A_519] : memref<10240x128xf32, #tpu.memory_space<vmem>>, vector<128x128xf32>
    %get3A_521 = arith.constant 0 : index
    %get3A_522 = arith.constant 0 : index
    %get3A_523 = vector.load %arg3[%get3A_521, %get3A_522] : memref<1x128xf32, #tpu.memory_space<vmem>>, vector<1x128xf32>
    %dot_general3A_524 = arith.constant dense<0.000000e+00> : vector<1x128xf32>
    %dot_general3A_525 = tpu.matmul %get3A_523, %get3A_520, %dot_general3A_524 {dimension_numbers = #tpu.dot_dimension_numbers<[1], [1], [0], [0], [0, 0, 1, 0], [], []>, transpose_lhs_hint = false} : vector<1x128xf32>, vector<128x128xf32>, vector<1x128xf32> -> vector<1x128xf32>
    %get3A_526 = arith.constant 8448 : index
    %get3A_527 = arith.constant 0 : index
    %get3A_528 = vector.load %arg1[%get3A_526, %get3A_527] : memref<10240x128xf32, #tpu.memory_space<vmem>>, vector<128x128xf32>
    %get3A_529 = arith.constant 0 : index
    %get3A_530 = arith.constant 0 : index
    %get3A_531 = vector.load %arg3[%get3A_529, %get3A_530] : memref<1x128xf32, #tpu.memory_space<vmem>>, vector<1x128xf32>
    %dot_general3A_532 = arith.constant dense<0.000000e+00> : vector<1x128xf32>
    %dot_general3A_533 = tpu.matmul %get3A_531, %get3A_528, %dot_general3A_532 {dimension_numbers = #tpu.dot_dimension_numbers<[1], [1], [0], [0], [0, 0, 1, 0], [], []>, transpose_lhs_hint = false} : vector<1x128xf32>, vector<128x128xf32>, vector<1x128xf32> -> vector<1x128xf32>
    %get3A_534 = arith.constant 8576 : index
    %get3A_535 = arith.constant 0 : index
    %get3A_536 = vector.load %arg1[%get3A_534, %get3A_535] : memref<10240x128xf32, #tpu.memory_space<vmem>>, vector<128x128xf32>
    %get3A_537 = arith.constant 0 : index
    %get3A_538 = arith.constant 0 : index
    %get3A_539 = vector.load %arg3[%get3A_537, %get3A_538] : memref<1x128xf32, #tpu.memory_space<vmem>>, vector<1x128xf32>
    %dot_general3A_540 = arith.constant dense<0.000000e+00> : vector<1x128xf32>
    %dot_general3A_541 = tpu.matmul %get3A_539, %get3A_536, %dot_general3A_540 {dimension_numbers = #tpu.dot_dimension_numbers<[1], [1], [0], [0], [0, 0, 1, 0], [], []>, transpose_lhs_hint = false} : vector<1x128xf32>, vector<128x128xf32>, vector<1x128xf32> -> vector<1x128xf32>
    %get3A_542 = arith.constant 8704 : index
    %get3A_543 = arith.constant 0 : index
    %get3A_544 = vector.load %arg1[%get3A_542, %get3A_543] : memref<10240x128xf32, #tpu.memory_space<vmem>>, vector<128x128xf32>
    %get3A_545 = arith.constant 0 : index
    %get3A_546 = arith.constant 0 : index
    %get3A_547 = vector.load %arg3[%get3A_545, %get3A_546] : memref<1x128xf32, #tpu.memory_space<vmem>>, vector<1x128xf32>
    %dot_general3A_548 = arith.constant dense<0.000000e+00> : vector<1x128xf32>
    %dot_general3A_549 = tpu.matmul %get3A_547, %get3A_544, %dot_general3A_548 {dimension_numbers = #tpu.dot_dimension_numbers<[1], [1], [0], [0], [0, 0, 1, 0], [], []>, transpose_lhs_hint = false} : vector<1x128xf32>, vector<128x128xf32>, vector<1x128xf32> -> vector<1x128xf32>
    %get3A_550 = arith.constant 8832 : index
    %get3A_551 = arith.constant 0 : index
    %get3A_552 = vector.load %arg1[%get3A_550, %get3A_551] : memref<10240x128xf32, #tpu.memory_space<vmem>>, vector<128x128xf32>
    %get3A_553 = arith.constant 0 : index
    %get3A_554 = arith.constant 0 : index
    %get3A_555 = vector.load %arg3[%get3A_553, %get3A_554] : memref<1x128xf32, #tpu.memory_space<vmem>>, vector<1x128xf32>
    %dot_general3A_556 = arith.constant dense<0.000000e+00> : vector<1x128xf32>
    %dot_general3A_557 = tpu.matmul %get3A_555, %get3A_552, %dot_general3A_556 {dimension_numbers = #tpu.dot_dimension_numbers<[1], [1], [0], [0], [0, 0, 1, 0], [], []>, transpose_lhs_hint = false} : vector<1x128xf32>, vector<128x128xf32>, vector<1x128xf32> -> vector<1x128xf32>
    %get3A_558 = arith.constant 8960 : index
    %get3A_559 = arith.constant 0 : index
    %get3A_560 = vector.load %arg1[%get3A_558, %get3A_559] : memref<10240x128xf32, #tpu.memory_space<vmem>>, vector<128x128xf32>
    %get3A_561 = arith.constant 0 : index
    %get3A_562 = arith.constant 0 : index
    %get3A_563 = vector.load %arg3[%get3A_561, %get3A_562] : memref<1x128xf32, #tpu.memory_space<vmem>>, vector<1x128xf32>
    %dot_general3A_564 = arith.constant dense<0.000000e+00> : vector<1x128xf32>
    %dot_general3A_565 = tpu.matmul %get3A_563, %get3A_560, %dot_general3A_564 {dimension_numbers = #tpu.dot_dimension_numbers<[1], [1], [0], [0], [0, 0, 1, 0], [], []>, transpose_lhs_hint = false} : vector<1x128xf32>, vector<128x128xf32>, vector<1x128xf32> -> vector<1x128xf32>
    %get3A_566 = arith.constant 9088 : index
    %get3A_567 = arith.constant 0 : index
    %get3A_568 = vector.load %arg1[%get3A_566, %get3A_567] : memref<10240x128xf32, #tpu.memory_space<vmem>>, vector<128x128xf32>
    %get3A_569 = arith.constant 0 : index
    %get3A_570 = arith.constant 0 : index
    %get3A_571 = vector.load %arg3[%get3A_569, %get3A_570] : memref<1x128xf32, #tpu.memory_space<vmem>>, vector<1x128xf32>
    %dot_general3A_572 = arith.constant dense<0.000000e+00> : vector<1x128xf32>
    %dot_general3A_573 = tpu.matmul %get3A_571, %get3A_568, %dot_general3A_572 {dimension_numbers = #tpu.dot_dimension_numbers<[1], [1], [0], [0], [0, 0, 1, 0], [], []>, transpose_lhs_hint = false} : vector<1x128xf32>, vector<128x128xf32>, vector<1x128xf32> -> vector<1x128xf32>
    %get3A_574 = arith.constant 9216 : index
    %get3A_575 = arith.constant 0 : index
    %get3A_576 = vector.load %arg1[%get3A_574, %get3A_575] : memref<10240x128xf32, #tpu.memory_space<vmem>>, vector<128x128xf32>
    %get3A_577 = arith.constant 0 : index
    %get3A_578 = arith.constant 0 : index
    %get3A_579 = vector.load %arg3[%get3A_577, %get3A_578] : memref<1x128xf32, #tpu.memory_space<vmem>>, vector<1x128xf32>
    %dot_general3A_580 = arith.constant dense<0.000000e+00> : vector<1x128xf32>
    %dot_general3A_581 = tpu.matmul %get3A_579, %get3A_576, %dot_general3A_580 {dimension_numbers = #tpu.dot_dimension_numbers<[1], [1], [0], [0], [0, 0, 1, 0], [], []>, transpose_lhs_hint = false} : vector<1x128xf32>, vector<128x128xf32>, vector<1x128xf32> -> vector<1x128xf32>
    %get3A_582 = arith.constant 9344 : index
    %get3A_583 = arith.constant 0 : index
    %get3A_584 = vector.load %arg1[%get3A_582, %get3A_583] : memref<10240x128xf32, #tpu.memory_space<vmem>>, vector<128x128xf32>
    %get3A_585 = arith.constant 0 : index
    %get3A_586 = arith.constant 0 : index
    %get3A_587 = vector.load %arg3[%get3A_585, %get3A_586] : memref<1x128xf32, #tpu.memory_space<vmem>>, vector<1x128xf32>
    %dot_general3A_588 = arith.constant dense<0.000000e+00> : vector<1x128xf32>
    %dot_general3A_589 = tpu.matmul %get3A_587, %get3A_584, %dot_general3A_588 {dimension_numbers = #tpu.dot_dimension_numbers<[1], [1], [0], [0], [0, 0, 1, 0], [], []>, transpose_lhs_hint = false} : vector<1x128xf32>, vector<128x128xf32>, vector<1x128xf32> -> vector<1x128xf32>
    %get3A_590 = arith.constant 9472 : index
    %get3A_591 = arith.constant 0 : index
    %get3A_592 = vector.load %arg1[%get3A_590, %get3A_591] : memref<10240x128xf32, #tpu.memory_space<vmem>>, vector<128x128xf32>
    %get3A_593 = arith.constant 0 : index
    %get3A_594 = arith.constant 0 : index
    %get3A_595 = vector.load %arg3[%get3A_593, %get3A_594] : memref<1x128xf32, #tpu.memory_space<vmem>>, vector<1x128xf32>
    %dot_general3A_596 = arith.constant dense<0.000000e+00> : vector<1x128xf32>
    %dot_general3A_597 = tpu.matmul %get3A_595, %get3A_592, %dot_general3A_596 {dimension_numbers = #tpu.dot_dimension_numbers<[1], [1], [0], [0], [0, 0, 1, 0], [], []>, transpose_lhs_hint = false} : vector<1x128xf32>, vector<128x128xf32>, vector<1x128xf32> -> vector<1x128xf32>
    %get3A_598 = arith.constant 9600 : index
    %get3A_599 = arith.constant 0 : index
    %get3A_600 = vector.load %arg1[%get3A_598, %get3A_599] : memref<10240x128xf32, #tpu.memory_space<vmem>>, vector<128x128xf32>
    %get3A_601 = arith.constant 0 : index
    %get3A_602 = arith.constant 0 : index
    %get3A_603 = vector.load %arg3[%get3A_601, %get3A_602] : memref<1x128xf32, #tpu.memory_space<vmem>>, vector<1x128xf32>
    %dot_general3A_604 = arith.constant dense<0.000000e+00> : vector<1x128xf32>
    %dot_general3A_605 = tpu.matmul %get3A_603, %get3A_600, %dot_general3A_604 {dimension_numbers = #tpu.dot_dimension_numbers<[1], [1], [0], [0], [0, 0, 1, 0], [], []>, transpose_lhs_hint = false} : vector<1x128xf32>, vector<128x128xf32>, vector<1x128xf32> -> vector<1x128xf32>
    %get3A_606 = arith.constant 9728 : index
    %get3A_607 = arith.constant 0 : index
    %get3A_608 = vector.load %arg1[%get3A_606, %get3A_607] : memref<10240x128xf32, #tpu.memory_space<vmem>>, vector<128x128xf32>
    %get3A_609 = arith.constant 0 : index
    %get3A_610 = arith.constant 0 : index
    %get3A_611 = vector.load %arg3[%get3A_609, %get3A_610] : memref<1x128xf32, #tpu.memory_space<vmem>>, vector<1x128xf32>
    %dot_general3A_612 = arith.constant dense<0.000000e+00> : vector<1x128xf32>
    %dot_general3A_613 = tpu.matmul %get3A_611, %get3A_608, %dot_general3A_612 {dimension_numbers = #tpu.dot_dimension_numbers<[1], [1], [0], [0], [0, 0, 1, 0], [], []>, transpose_lhs_hint = false} : vector<1x128xf32>, vector<128x128xf32>, vector<1x128xf32> -> vector<1x128xf32>
    %get3A_614 = arith.constant 9856 : index
    %get3A_615 = arith.constant 0 : index
    %get3A_616 = vector.load %arg1[%get3A_614, %get3A_615] : memref<10240x128xf32, #tpu.memory_space<vmem>>, vector<128x128xf32>
    %get3A_617 = arith.constant 0 : index
    %get3A_618 = arith.constant 0 : index
    %get3A_619 = vector.load %arg3[%get3A_617, %get3A_618] : memref<1x128xf32, #tpu.memory_space<vmem>>, vector<1x128xf32>
    %dot_general3A_620 = arith.constant dense<0.000000e+00> : vector<1x128xf32>
    %dot_general3A_621 = tpu.matmul %get3A_619, %get3A_616, %dot_general3A_620 {dimension_numbers = #tpu.dot_dimension_numbers<[1], [1], [0], [0], [0, 0, 1, 0], [], []>, transpose_lhs_hint = false} : vector<1x128xf32>, vector<128x128xf32>, vector<1x128xf32> -> vector<1x128xf32>
    %get3A_622 = arith.constant 9984 : index
    %get3A_623 = arith.constant 0 : index
    %get3A_624 = vector.load %arg1[%get3A_622, %get3A_623] : memref<10240x128xf32, #tpu.memory_space<vmem>>, vector<128x128xf32>
    %get3A_625 = arith.constant 0 : index
    %get3A_626 = arith.constant 0 : index
    %get3A_627 = vector.load %arg3[%get3A_625, %get3A_626] : memref<1x128xf32, #tpu.memory_space<vmem>>, vector<1x128xf32>
    %dot_general3A_628 = arith.constant dense<0.000000e+00> : vector<1x128xf32>
    %dot_general3A_629 = tpu.matmul %get3A_627, %get3A_624, %dot_general3A_628 {dimension_numbers = #tpu.dot_dimension_numbers<[1], [1], [0], [0], [0, 0, 1, 0], [], []>, transpose_lhs_hint = false} : vector<1x128xf32>, vector<128x128xf32>, vector<1x128xf32> -> vector<1x128xf32>
    %get3A_630 = arith.constant 10112 : index
    %get3A_631 = arith.constant 0 : index
    %get3A_632 = vector.load %arg1[%get3A_630, %get3A_631] : memref<10240x128xf32, #tpu.memory_space<vmem>>, vector<128x128xf32>
    %get3A_633 = arith.constant 0 : index
    %get3A_634 = arith.constant 0 : index
    %get3A_635 = vector.load %arg3[%get3A_633, %get3A_634] : memref<1x128xf32, #tpu.memory_space<vmem>>, vector<1x128xf32>
    %dot_general3A_636 = arith.constant dense<0.000000e+00> : vector<1x128xf32>
    %dot_general3A_637 = tpu.matmul %get3A_635, %get3A_632, %dot_general3A_636 {dimension_numbers = #tpu.dot_dimension_numbers<[1], [1], [0], [0], [0, 0, 1, 0], [], []>, transpose_lhs_hint = false} : vector<1x128xf32>, vector<128x128xf32>, vector<1x128xf32> -> vector<1x128xf32>
    %concatenate3A = tpu.concatenate %dot_general3A_5, %dot_general3A_13, %dot_general3A_21, %dot_general3A_29, %dot_general3A_37, %dot_general3A_45, %dot_general3A_53, %dot_general3A_61, %dot_general3A_69, %dot_general3A_77, %dot_general3A_85, %dot_general3A_93, %dot_general3A_101, %dot_general3A_109, %dot_general3A_117, %dot_general3A_125, %dot_general3A_133, %dot_general3A_141, %dot_general3A_149, %dot_general3A_157, %dot_general3A_165, %dot_general3A_173, %dot_general3A_181, %dot_general3A_189, %dot_general3A_197, %dot_general3A_205, %dot_general3A_213, %dot_general3A_221, %dot_general3A_229, %dot_general3A_237, %dot_general3A_245, %dot_general3A_253, %dot_general3A_261, %dot_general3A_269, %dot_general3A_277, %dot_general3A_285, %dot_general3A_293, %dot_general3A_301, %dot_general3A_309, %dot_general3A_317, %dot_general3A_325, %dot_general3A_333, %dot_general3A_341, %dot_general3A_349, %dot_general3A_357, %dot_general3A_365, %dot_general3A_373, %dot_general3A_381, %dot_general3A_389, %dot_general3A_397, %dot_general3A_405, %dot_general3A_413, %dot_general3A_421, %dot_general3A_429, %dot_general3A_437, %dot_general3A_445, %dot_general3A_453, %dot_general3A_461, %dot_general3A_469, %dot_general3A_477, %dot_general3A_485, %dot_general3A_493, %dot_general3A_501, %dot_general3A_509, %dot_general3A_517, %dot_general3A_525, %dot_general3A_533, %dot_general3A_541, %dot_general3A_549, %dot_general3A_557, %dot_general3A_565, %dot_general3A_573, %dot_general3A_581, %dot_general3A_589, %dot_general3A_597, %dot_general3A_605, %dot_general3A_613, %dot_general3A_621, %dot_general3A_629, %dot_general3A_637 in 0 : vector<1x128xf32>, vector<1x128xf32>, vector<1x128xf32>, vector<1x128xf32>, vector<1x128xf32>, vector<1x128xf32>, vector<1x128xf32>, vector<1x128xf32>, vector<1x128xf32>, vector<1x128xf32>, vector<1x128xf32>, vector<1x128xf32>, vector<1x128xf32>, vector<1x128xf32>, vector<1x128xf32>, vector<1x128xf32>, vector<1x128xf32>, vector<1x128xf32>, vector<1x128xf32>, vector<1x128xf32>, vector<1x128xf32>, vector<1x128xf32>, vector<1x128xf32>, vector<1x128xf32>, vector<1x128xf32>, vector<1x128xf32>, vector<1x128xf32>, vector<1x128xf32>, vector<1x128xf32>, vector<1x128xf32>, vector<1x128xf32>, vector<1x128xf32>, vector<1x128xf32>, vector<1x128xf32>, vector<1x128xf32>, vector<1x128xf32>, vector<1x128xf32>, vector<1x128xf32>, vector<1x128xf32>, vector<1x128xf32>, vector<1x128xf32>, vector<1x128xf32>, vector<1x128xf32>, vector<1x128xf32>, vector<1x128xf32>, vector<1x128xf32>, vector<1x128xf32>, vector<1x128xf32>, vector<1x128xf32>, vector<1x128xf32>, vector<1x128xf32>, vector<1x128xf32>, vector<1x128xf32>, vector<1x128xf32>, vector<1x128xf32>, vector<1x128xf32>, vector<1x128xf32>, vector<1x128xf32>, vector<1x128xf32>, vector<1x128xf32>, vector<1x128xf32>, vector<1x128xf32>, vector<1x128xf32>, vector<1x128xf32>, vector<1x128xf32>, vector<1x128xf32>, vector<1x128xf32>, vector<1x128xf32>, vector<1x128xf32>, vector<1x128xf32>, vector<1x128xf32>, vector<1x128xf32>, vector<1x128xf32>, vector<1x128xf32>, vector<1x128xf32>, vector<1x128xf32>, vector<1x128xf32>, vector<1x128xf32>, vector<1x128xf32>, vector<1x128xf32> -> vector<80x128xf32>
    %get3A_638 = arith.constant 0 : index
    %get3A_639 = memref.load %arg4[%get3A_638] : memref<1xf32, #tpu.memory_space<smem>>
    %add3A = vector.broadcast %get3A_639 : f32 to vector<80x128xf32>
    %add3A_640 = arith.addf %concatenate3A, %add3A : vector<80x128xf32>
    %logistic3A = arith.negf %add3A_640 : vector<80x128xf32>
    %logistic3A_641 = math.exp %logistic3A : vector<80x128xf32>
    %logistic3A_642 = arith.constant 1.000000e+00 : f32
    %logistic3A_643 = vector.broadcast %logistic3A_642 : f32 to vector<80x128xf32>
    %logistic3A_644 = arith.addf %logistic3A_643, %logistic3A_641 : vector<80x128xf32>
    %logistic3A_645 = arith.divf %logistic3A_643, %logistic3A_644 : vector<80x128xf32>
    %bitcast_convert_type3A = tpu.bitcast %logistic3A_645 : vector<80x128xf32> -> vector<80x128xi32>
    %add3A_646 = arith.constant 32767 : i32
    %add3A_647 = vector.broadcast %add3A_646 : i32 to vector<80x128xi32>
    %add3A_648 = arith.addi %bitcast_convert_type3A, %add3A_647 : vector<80x128xi32>
    %shift_right_arithmetic3A = arith.constant 16 : i32
    %shift_right_arithmetic3A_649 = vector.broadcast %shift_right_arithmetic3A : i32 to vector<80x128xi32>
    %shift_right_arithmetic3A_650 = arith.shrsi %bitcast_convert_type3A, %shift_right_arithmetic3A_649 : vector<80x128xi32>
    %and3A = arith.constant 1 : i32
    %and3A_651 = vector.broadcast %and3A : i32 to vector<80x128xi32>
    %and3A_652 = arith.andi %shift_right_arithmetic3A_650, %and3A_651 : vector<80x128xi32>
    %add3A_653 = arith.addi %add3A_648, %and3A_652 : vector<80x128xi32>
    %shift_right_arithmetic3A_654 = arith.constant 16 : i32
    %shift_right_arithmetic3A_655 = vector.broadcast %shift_right_arithmetic3A_654 : i32 to vector<80x128xi32>
    %shift_right_arithmetic3A_656 = arith.shrsi %add3A_653, %shift_right_arithmetic3A_655 : vector<80x128xi32>
    %get3A_657 = arith.constant 0 : index
    %get3A_658 = arith.constant 0 : index
    %get3A_659 = vector.load %arg2[%get3A_657, %get3A_658] : memref<10240x128xf32, #tpu.memory_space<vmem>>, vector<128x128xf32>
    %get3A_660 = arith.constant 0 : index
    %get3A_661 = arith.constant 0 : index
    %get3A_662 = vector.load %arg3[%get3A_660, %get3A_661] : memref<1x128xf32, #tpu.memory_space<vmem>>, vector<1x128xf32>
    %dot_general3A_663 = arith.constant dense<0.000000e+00> : vector<1x128xf32>
    %dot_general3A_664 = tpu.matmul %get3A_662, %get3A_659, %dot_general3A_663 {dimension_numbers = #tpu.dot_dimension_numbers<[1], [1], [0], [0], [0, 0, 1, 0], [], []>, transpose_lhs_hint = false} : vector<1x128xf32>, vector<128x128xf32>, vector<1x128xf32> -> vector<1x128xf32>
    %get3A_665 = arith.constant 128 : index
    %get3A_666 = arith.constant 0 : index
    %get3A_667 = vector.load %arg2[%get3A_665, %get3A_666] : memref<10240x128xf32, #tpu.memory_space<vmem>>, vector<128x128xf32>
    %get3A_668 = arith.constant 0 : index
    %get3A_669 = arith.constant 0 : index
    %get3A_670 = vector.load %arg3[%get3A_668, %get3A_669] : memref<1x128xf32, #tpu.memory_space<vmem>>, vector<1x128xf32>
    %dot_general3A_671 = arith.constant dense<0.000000e+00> : vector<1x128xf32>
    %dot_general3A_672 = tpu.matmul %get3A_670, %get3A_667, %dot_general3A_671 {dimension_numbers = #tpu.dot_dimension_numbers<[1], [1], [0], [0], [0, 0, 1, 0], [], []>, transpose_lhs_hint = false} : vector<1x128xf32>, vector<128x128xf32>, vector<1x128xf32> -> vector<1x128xf32>
    %get3A_673 = arith.constant 256 : index
    %get3A_674 = arith.constant 0 : index
    %get3A_675 = vector.load %arg2[%get3A_673, %get3A_674] : memref<10240x128xf32, #tpu.memory_space<vmem>>, vector<128x128xf32>
    %get3A_676 = arith.constant 0 : index
    %get3A_677 = arith.constant 0 : index
    %get3A_678 = vector.load %arg3[%get3A_676, %get3A_677] : memref<1x128xf32, #tpu.memory_space<vmem>>, vector<1x128xf32>
    %dot_general3A_679 = arith.constant dense<0.000000e+00> : vector<1x128xf32>
    %dot_general3A_680 = tpu.matmul %get3A_678, %get3A_675, %dot_general3A_679 {dimension_numbers = #tpu.dot_dimension_numbers<[1], [1], [0], [0], [0, 0, 1, 0], [], []>, transpose_lhs_hint = false} : vector<1x128xf32>, vector<128x128xf32>, vector<1x128xf32> -> vector<1x128xf32>
    %get3A_681 = arith.constant 384 : index
    %get3A_682 = arith.constant 0 : index
    %get3A_683 = vector.load %arg2[%get3A_681, %get3A_682] : memref<10240x128xf32, #tpu.memory_space<vmem>>, vector<128x128xf32>
    %get3A_684 = arith.constant 0 : index
    %get3A_685 = arith.constant 0 : index
    %get3A_686 = vector.load %arg3[%get3A_684, %get3A_685] : memref<1x128xf32, #tpu.memory_space<vmem>>, vector<1x128xf32>
    %dot_general3A_687 = arith.constant dense<0.000000e+00> : vector<1x128xf32>
    %dot_general3A_688 = tpu.matmul %get3A_686, %get3A_683, %dot_general3A_687 {dimension_numbers = #tpu.dot_dimension_numbers<[1], [1], [0], [0], [0, 0, 1, 0], [], []>, transpose_lhs_hint = false} : vector<1x128xf32>, vector<128x128xf32>, vector<1x128xf32> -> vector<1x128xf32>
    %get3A_689 = arith.constant 512 : index
    %get3A_690 = arith.constant 0 : index
    %get3A_691 = vector.load %arg2[%get3A_689, %get3A_690] : memref<10240x128xf32, #tpu.memory_space<vmem>>, vector<128x128xf32>
    %get3A_692 = arith.constant 0 : index
    %get3A_693 = arith.constant 0 : index
    %get3A_694 = vector.load %arg3[%get3A_692, %get3A_693] : memref<1x128xf32, #tpu.memory_space<vmem>>, vector<1x128xf32>
    %dot_general3A_695 = arith.constant dense<0.000000e+00> : vector<1x128xf32>
    %dot_general3A_696 = tpu.matmul %get3A_694, %get3A_691, %dot_general3A_695 {dimension_numbers = #tpu.dot_dimension_numbers<[1], [1], [0], [0], [0, 0, 1, 0], [], []>, transpose_lhs_hint = false} : vector<1x128xf32>, vector<128x128xf32>, vector<1x128xf32> -> vector<1x128xf32>
    %get3A_697 = arith.constant 640 : index
    %get3A_698 = arith.constant 0 : index
    %get3A_699 = vector.load %arg2[%get3A_697, %get3A_698] : memref<10240x128xf32, #tpu.memory_space<vmem>>, vector<128x128xf32>
    %get3A_700 = arith.constant 0 : index
    %get3A_701 = arith.constant 0 : index
    %get3A_702 = vector.load %arg3[%get3A_700, %get3A_701] : memref<1x128xf32, #tpu.memory_space<vmem>>, vector<1x128xf32>
    %dot_general3A_703 = arith.constant dense<0.000000e+00> : vector<1x128xf32>
    %dot_general3A_704 = tpu.matmul %get3A_702, %get3A_699, %dot_general3A_703 {dimension_numbers = #tpu.dot_dimension_numbers<[1], [1], [0], [0], [0, 0, 1, 0], [], []>, transpose_lhs_hint = false} : vector<1x128xf32>, vector<128x128xf32>, vector<1x128xf32> -> vector<1x128xf32>
    %get3A_705 = arith.constant 768 : index
    %get3A_706 = arith.constant 0 : index
    %get3A_707 = vector.load %arg2[%get3A_705, %get3A_706] : memref<10240x128xf32, #tpu.memory_space<vmem>>, vector<128x128xf32>
    %get3A_708 = arith.constant 0 : index
    %get3A_709 = arith.constant 0 : index
    %get3A_710 = vector.load %arg3[%get3A_708, %get3A_709] : memref<1x128xf32, #tpu.memory_space<vmem>>, vector<1x128xf32>
    %dot_general3A_711 = arith.constant dense<0.000000e+00> : vector<1x128xf32>
    %dot_general3A_712 = tpu.matmul %get3A_710, %get3A_707, %dot_general3A_711 {dimension_numbers = #tpu.dot_dimension_numbers<[1], [1], [0], [0], [0, 0, 1, 0], [], []>, transpose_lhs_hint = false} : vector<1x128xf32>, vector<128x128xf32>, vector<1x128xf32> -> vector<1x128xf32>
    %get3A_713 = arith.constant 896 : index
    %get3A_714 = arith.constant 0 : index
    %get3A_715 = vector.load %arg2[%get3A_713, %get3A_714] : memref<10240x128xf32, #tpu.memory_space<vmem>>, vector<128x128xf32>
    %get3A_716 = arith.constant 0 : index
    %get3A_717 = arith.constant 0 : index
    %get3A_718 = vector.load %arg3[%get3A_716, %get3A_717] : memref<1x128xf32, #tpu.memory_space<vmem>>, vector<1x128xf32>
    %dot_general3A_719 = arith.constant dense<0.000000e+00> : vector<1x128xf32>
    %dot_general3A_720 = tpu.matmul %get3A_718, %get3A_715, %dot_general3A_719 {dimension_numbers = #tpu.dot_dimension_numbers<[1], [1], [0], [0], [0, 0, 1, 0], [], []>, transpose_lhs_hint = false} : vector<1x128xf32>, vector<128x128xf32>, vector<1x128xf32> -> vector<1x128xf32>
    %get3A_721 = arith.constant 1024 : index
    %get3A_722 = arith.constant 0 : index
    %get3A_723 = vector.load %arg2[%get3A_721, %get3A_722] : memref<10240x128xf32, #tpu.memory_space<vmem>>, vector<128x128xf32>
    %get3A_724 = arith.constant 0 : index
    %get3A_725 = arith.constant 0 : index
    %get3A_726 = vector.load %arg3[%get3A_724, %get3A_725] : memref<1x128xf32, #tpu.memory_space<vmem>>, vector<1x128xf32>
    %dot_general3A_727 = arith.constant dense<0.000000e+00> : vector<1x128xf32>
    %dot_general3A_728 = tpu.matmul %get3A_726, %get3A_723, %dot_general3A_727 {dimension_numbers = #tpu.dot_dimension_numbers<[1], [1], [0], [0], [0, 0, 1, 0], [], []>, transpose_lhs_hint = false} : vector<1x128xf32>, vector<128x128xf32>, vector<1x128xf32> -> vector<1x128xf32>
    %get3A_729 = arith.constant 1152 : index
    %get3A_730 = arith.constant 0 : index
    %get3A_731 = vector.load %arg2[%get3A_729, %get3A_730] : memref<10240x128xf32, #tpu.memory_space<vmem>>, vector<128x128xf32>
    %get3A_732 = arith.constant 0 : index
    %get3A_733 = arith.constant 0 : index
    %get3A_734 = vector.load %arg3[%get3A_732, %get3A_733] : memref<1x128xf32, #tpu.memory_space<vmem>>, vector<1x128xf32>
    %dot_general3A_735 = arith.constant dense<0.000000e+00> : vector<1x128xf32>
    %dot_general3A_736 = tpu.matmul %get3A_734, %get3A_731, %dot_general3A_735 {dimension_numbers = #tpu.dot_dimension_numbers<[1], [1], [0], [0], [0, 0, 1, 0], [], []>, transpose_lhs_hint = false} : vector<1x128xf32>, vector<128x128xf32>, vector<1x128xf32> -> vector<1x128xf32>
    %get3A_737 = arith.constant 1280 : index
    %get3A_738 = arith.constant 0 : index
    %get3A_739 = vector.load %arg2[%get3A_737, %get3A_738] : memref<10240x128xf32, #tpu.memory_space<vmem>>, vector<128x128xf32>
    %get3A_740 = arith.constant 0 : index
    %get3A_741 = arith.constant 0 : index
    %get3A_742 = vector.load %arg3[%get3A_740, %get3A_741] : memref<1x128xf32, #tpu.memory_space<vmem>>, vector<1x128xf32>
    %dot_general3A_743 = arith.constant dense<0.000000e+00> : vector<1x128xf32>
    %dot_general3A_744 = tpu.matmul %get3A_742, %get3A_739, %dot_general3A_743 {dimension_numbers = #tpu.dot_dimension_numbers<[1], [1], [0], [0], [0, 0, 1, 0], [], []>, transpose_lhs_hint = false} : vector<1x128xf32>, vector<128x128xf32>, vector<1x128xf32> -> vector<1x128xf32>
    %get3A_745 = arith.constant 1408 : index
    %get3A_746 = arith.constant 0 : index
    %get3A_747 = vector.load %arg2[%get3A_745, %get3A_746] : memref<10240x128xf32, #tpu.memory_space<vmem>>, vector<128x128xf32>
    %get3A_748 = arith.constant 0 : index
    %get3A_749 = arith.constant 0 : index
    %get3A_750 = vector.load %arg3[%get3A_748, %get3A_749] : memref<1x128xf32, #tpu.memory_space<vmem>>, vector<1x128xf32>
    %dot_general3A_751 = arith.constant dense<0.000000e+00> : vector<1x128xf32>
    %dot_general3A_752 = tpu.matmul %get3A_750, %get3A_747, %dot_general3A_751 {dimension_numbers = #tpu.dot_dimension_numbers<[1], [1], [0], [0], [0, 0, 1, 0], [], []>, transpose_lhs_hint = false} : vector<1x128xf32>, vector<128x128xf32>, vector<1x128xf32> -> vector<1x128xf32>
    %get3A_753 = arith.constant 1536 : index
    %get3A_754 = arith.constant 0 : index
    %get3A_755 = vector.load %arg2[%get3A_753, %get3A_754] : memref<10240x128xf32, #tpu.memory_space<vmem>>, vector<128x128xf32>
    %get3A_756 = arith.constant 0 : index
    %get3A_757 = arith.constant 0 : index
    %get3A_758 = vector.load %arg3[%get3A_756, %get3A_757] : memref<1x128xf32, #tpu.memory_space<vmem>>, vector<1x128xf32>
    %dot_general3A_759 = arith.constant dense<0.000000e+00> : vector<1x128xf32>
    %dot_general3A_760 = tpu.matmul %get3A_758, %get3A_755, %dot_general3A_759 {dimension_numbers = #tpu.dot_dimension_numbers<[1], [1], [0], [0], [0, 0, 1, 0], [], []>, transpose_lhs_hint = false} : vector<1x128xf32>, vector<128x128xf32>, vector<1x128xf32> -> vector<1x128xf32>
    %get3A_761 = arith.constant 1664 : index
    %get3A_762 = arith.constant 0 : index
    %get3A_763 = vector.load %arg2[%get3A_761, %get3A_762] : memref<10240x128xf32, #tpu.memory_space<vmem>>, vector<128x128xf32>
    %get3A_764 = arith.constant 0 : index
    %get3A_765 = arith.constant 0 : index
    %get3A_766 = vector.load %arg3[%get3A_764, %get3A_765] : memref<1x128xf32, #tpu.memory_space<vmem>>, vector<1x128xf32>
    %dot_general3A_767 = arith.constant dense<0.000000e+00> : vector<1x128xf32>
    %dot_general3A_768 = tpu.matmul %get3A_766, %get3A_763, %dot_general3A_767 {dimension_numbers = #tpu.dot_dimension_numbers<[1], [1], [0], [0], [0, 0, 1, 0], [], []>, transpose_lhs_hint = false} : vector<1x128xf32>, vector<128x128xf32>, vector<1x128xf32> -> vector<1x128xf32>
    %get3A_769 = arith.constant 1792 : index
    %get3A_770 = arith.constant 0 : index
    %get3A_771 = vector.load %arg2[%get3A_769, %get3A_770] : memref<10240x128xf32, #tpu.memory_space<vmem>>, vector<128x128xf32>
    %get3A_772 = arith.constant 0 : index
    %get3A_773 = arith.constant 0 : index
    %get3A_774 = vector.load %arg3[%get3A_772, %get3A_773] : memref<1x128xf32, #tpu.memory_space<vmem>>, vector<1x128xf32>
    %dot_general3A_775 = arith.constant dense<0.000000e+00> : vector<1x128xf32>
    %dot_general3A_776 = tpu.matmul %get3A_774, %get3A_771, %dot_general3A_775 {dimension_numbers = #tpu.dot_dimension_numbers<[1], [1], [0], [0], [0, 0, 1, 0], [], []>, transpose_lhs_hint = false} : vector<1x128xf32>, vector<128x128xf32>, vector<1x128xf32> -> vector<1x128xf32>
    %get3A_777 = arith.constant 1920 : index
    %get3A_778 = arith.constant 0 : index
    %get3A_779 = vector.load %arg2[%get3A_777, %get3A_778] : memref<10240x128xf32, #tpu.memory_space<vmem>>, vector<128x128xf32>
    %get3A_780 = arith.constant 0 : index
    %get3A_781 = arith.constant 0 : index
    %get3A_782 = vector.load %arg3[%get3A_780, %get3A_781] : memref<1x128xf32, #tpu.memory_space<vmem>>, vector<1x128xf32>
    %dot_general3A_783 = arith.constant dense<0.000000e+00> : vector<1x128xf32>
    %dot_general3A_784 = tpu.matmul %get3A_782, %get3A_779, %dot_general3A_783 {dimension_numbers = #tpu.dot_dimension_numbers<[1], [1], [0], [0], [0, 0, 1, 0], [], []>, transpose_lhs_hint = false} : vector<1x128xf32>, vector<128x128xf32>, vector<1x128xf32> -> vector<1x128xf32>
    %get3A_785 = arith.constant 2048 : index
    %get3A_786 = arith.constant 0 : index
    %get3A_787 = vector.load %arg2[%get3A_785, %get3A_786] : memref<10240x128xf32, #tpu.memory_space<vmem>>, vector<128x128xf32>
    %get3A_788 = arith.constant 0 : index
    %get3A_789 = arith.constant 0 : index
    %get3A_790 = vector.load %arg3[%get3A_788, %get3A_789] : memref<1x128xf32, #tpu.memory_space<vmem>>, vector<1x128xf32>
    %dot_general3A_791 = arith.constant dense<0.000000e+00> : vector<1x128xf32>
    %dot_general3A_792 = tpu.matmul %get3A_790, %get3A_787, %dot_general3A_791 {dimension_numbers = #tpu.dot_dimension_numbers<[1], [1], [0], [0], [0, 0, 1, 0], [], []>, transpose_lhs_hint = false} : vector<1x128xf32>, vector<128x128xf32>, vector<1x128xf32> -> vector<1x128xf32>
    %get3A_793 = arith.constant 2176 : index
    %get3A_794 = arith.constant 0 : index
    %get3A_795 = vector.load %arg2[%get3A_793, %get3A_794] : memref<10240x128xf32, #tpu.memory_space<vmem>>, vector<128x128xf32>
    %get3A_796 = arith.constant 0 : index
    %get3A_797 = arith.constant 0 : index
    %get3A_798 = vector.load %arg3[%get3A_796, %get3A_797] : memref<1x128xf32, #tpu.memory_space<vmem>>, vector<1x128xf32>
    %dot_general3A_799 = arith.constant dense<0.000000e+00> : vector<1x128xf32>
    %dot_general3A_800 = tpu.matmul %get3A_798, %get3A_795, %dot_general3A_799 {dimension_numbers = #tpu.dot_dimension_numbers<[1], [1], [0], [0], [0, 0, 1, 0], [], []>, transpose_lhs_hint = false} : vector<1x128xf32>, vector<128x128xf32>, vector<1x128xf32> -> vector<1x128xf32>
    %get3A_801 = arith.constant 2304 : index
    %get3A_802 = arith.constant 0 : index
    %get3A_803 = vector.load %arg2[%get3A_801, %get3A_802] : memref<10240x128xf32, #tpu.memory_space<vmem>>, vector<128x128xf32>
    %get3A_804 = arith.constant 0 : index
    %get3A_805 = arith.constant 0 : index
    %get3A_806 = vector.load %arg3[%get3A_804, %get3A_805] : memref<1x128xf32, #tpu.memory_space<vmem>>, vector<1x128xf32>
    %dot_general3A_807 = arith.constant dense<0.000000e+00> : vector<1x128xf32>
    %dot_general3A_808 = tpu.matmul %get3A_806, %get3A_803, %dot_general3A_807 {dimension_numbers = #tpu.dot_dimension_numbers<[1], [1], [0], [0], [0, 0, 1, 0], [], []>, transpose_lhs_hint = false} : vector<1x128xf32>, vector<128x128xf32>, vector<1x128xf32> -> vector<1x128xf32>
    %get3A_809 = arith.constant 2432 : index
    %get3A_810 = arith.constant 0 : index
    %get3A_811 = vector.load %arg2[%get3A_809, %get3A_810] : memref<10240x128xf32, #tpu.memory_space<vmem>>, vector<128x128xf32>
    %get3A_812 = arith.constant 0 : index
    %get3A_813 = arith.constant 0 : index
    %get3A_814 = vector.load %arg3[%get3A_812, %get3A_813] : memref<1x128xf32, #tpu.memory_space<vmem>>, vector<1x128xf32>
    %dot_general3A_815 = arith.constant dense<0.000000e+00> : vector<1x128xf32>
    %dot_general3A_816 = tpu.matmul %get3A_814, %get3A_811, %dot_general3A_815 {dimension_numbers = #tpu.dot_dimension_numbers<[1], [1], [0], [0], [0, 0, 1, 0], [], []>, transpose_lhs_hint = false} : vector<1x128xf32>, vector<128x128xf32>, vector<1x128xf32> -> vector<1x128xf32>
    %get3A_817 = arith.constant 2560 : index
    %get3A_818 = arith.constant 0 : index
    %get3A_819 = vector.load %arg2[%get3A_817, %get3A_818] : memref<10240x128xf32, #tpu.memory_space<vmem>>, vector<128x128xf32>
    %get3A_820 = arith.constant 0 : index
    %get3A_821 = arith.constant 0 : index
    %get3A_822 = vector.load %arg3[%get3A_820, %get3A_821] : memref<1x128xf32, #tpu.memory_space<vmem>>, vector<1x128xf32>
    %dot_general3A_823 = arith.constant dense<0.000000e+00> : vector<1x128xf32>
    %dot_general3A_824 = tpu.matmul %get3A_822, %get3A_819, %dot_general3A_823 {dimension_numbers = #tpu.dot_dimension_numbers<[1], [1], [0], [0], [0, 0, 1, 0], [], []>, transpose_lhs_hint = false} : vector<1x128xf32>, vector<128x128xf32>, vector<1x128xf32> -> vector<1x128xf32>
    %get3A_825 = arith.constant 2688 : index
    %get3A_826 = arith.constant 0 : index
    %get3A_827 = vector.load %arg2[%get3A_825, %get3A_826] : memref<10240x128xf32, #tpu.memory_space<vmem>>, vector<128x128xf32>
    %get3A_828 = arith.constant 0 : index
    %get3A_829 = arith.constant 0 : index
    %get3A_830 = vector.load %arg3[%get3A_828, %get3A_829] : memref<1x128xf32, #tpu.memory_space<vmem>>, vector<1x128xf32>
    %dot_general3A_831 = arith.constant dense<0.000000e+00> : vector<1x128xf32>
    %dot_general3A_832 = tpu.matmul %get3A_830, %get3A_827, %dot_general3A_831 {dimension_numbers = #tpu.dot_dimension_numbers<[1], [1], [0], [0], [0, 0, 1, 0], [], []>, transpose_lhs_hint = false} : vector<1x128xf32>, vector<128x128xf32>, vector<1x128xf32> -> vector<1x128xf32>
    %get3A_833 = arith.constant 2816 : index
    %get3A_834 = arith.constant 0 : index
    %get3A_835 = vector.load %arg2[%get3A_833, %get3A_834] : memref<10240x128xf32, #tpu.memory_space<vmem>>, vector<128x128xf32>
    %get3A_836 = arith.constant 0 : index
    %get3A_837 = arith.constant 0 : index
    %get3A_838 = vector.load %arg3[%get3A_836, %get3A_837] : memref<1x128xf32, #tpu.memory_space<vmem>>, vector<1x128xf32>
    %dot_general3A_839 = arith.constant dense<0.000000e+00> : vector<1x128xf32>
    %dot_general3A_840 = tpu.matmul %get3A_838, %get3A_835, %dot_general3A_839 {dimension_numbers = #tpu.dot_dimension_numbers<[1], [1], [0], [0], [0, 0, 1, 0], [], []>, transpose_lhs_hint = false} : vector<1x128xf32>, vector<128x128xf32>, vector<1x128xf32> -> vector<1x128xf32>
    %get3A_841 = arith.constant 2944 : index
    %get3A_842 = arith.constant 0 : index
    %get3A_843 = vector.load %arg2[%get3A_841, %get3A_842] : memref<10240x128xf32, #tpu.memory_space<vmem>>, vector<128x128xf32>
    %get3A_844 = arith.constant 0 : index
    %get3A_845 = arith.constant 0 : index
    %get3A_846 = vector.load %arg3[%get3A_844, %get3A_845] : memref<1x128xf32, #tpu.memory_space<vmem>>, vector<1x128xf32>
    %dot_general3A_847 = arith.constant dense<0.000000e+00> : vector<1x128xf32>
    %dot_general3A_848 = tpu.matmul %get3A_846, %get3A_843, %dot_general3A_847 {dimension_numbers = #tpu.dot_dimension_numbers<[1], [1], [0], [0], [0, 0, 1, 0], [], []>, transpose_lhs_hint = false} : vector<1x128xf32>, vector<128x128xf32>, vector<1x128xf32> -> vector<1x128xf32>
    %get3A_849 = arith.constant 3072 : index
    %get3A_850 = arith.constant 0 : index
    %get3A_851 = vector.load %arg2[%get3A_849, %get3A_850] : memref<10240x128xf32, #tpu.memory_space<vmem>>, vector<128x128xf32>
    %get3A_852 = arith.constant 0 : index
    %get3A_853 = arith.constant 0 : index
    %get3A_854 = vector.load %arg3[%get3A_852, %get3A_853] : memref<1x128xf32, #tpu.memory_space<vmem>>, vector<1x128xf32>
    %dot_general3A_855 = arith.constant dense<0.000000e+00> : vector<1x128xf32>
    %dot_general3A_856 = tpu.matmul %get3A_854, %get3A_851, %dot_general3A_855 {dimension_numbers = #tpu.dot_dimension_numbers<[1], [1], [0], [0], [0, 0, 1, 0], [], []>, transpose_lhs_hint = false} : vector<1x128xf32>, vector<128x128xf32>, vector<1x128xf32> -> vector<1x128xf32>
    %get3A_857 = arith.constant 3200 : index
    %get3A_858 = arith.constant 0 : index
    %get3A_859 = vector.load %arg2[%get3A_857, %get3A_858] : memref<10240x128xf32, #tpu.memory_space<vmem>>, vector<128x128xf32>
    %get3A_860 = arith.constant 0 : index
    %get3A_861 = arith.constant 0 : index
    %get3A_862 = vector.load %arg3[%get3A_860, %get3A_861] : memref<1x128xf32, #tpu.memory_space<vmem>>, vector<1x128xf32>
    %dot_general3A_863 = arith.constant dense<0.000000e+00> : vector<1x128xf32>
    %dot_general3A_864 = tpu.matmul %get3A_862, %get3A_859, %dot_general3A_863 {dimension_numbers = #tpu.dot_dimension_numbers<[1], [1], [0], [0], [0, 0, 1, 0], [], []>, transpose_lhs_hint = false} : vector<1x128xf32>, vector<128x128xf32>, vector<1x128xf32> -> vector<1x128xf32>
    %get3A_865 = arith.constant 3328 : index
    %get3A_866 = arith.constant 0 : index
    %get3A_867 = vector.load %arg2[%get3A_865, %get3A_866] : memref<10240x128xf32, #tpu.memory_space<vmem>>, vector<128x128xf32>
    %get3A_868 = arith.constant 0 : index
    %get3A_869 = arith.constant 0 : index
    %get3A_870 = vector.load %arg3[%get3A_868, %get3A_869] : memref<1x128xf32, #tpu.memory_space<vmem>>, vector<1x128xf32>
    %dot_general3A_871 = arith.constant dense<0.000000e+00> : vector<1x128xf32>
    %dot_general3A_872 = tpu.matmul %get3A_870, %get3A_867, %dot_general3A_871 {dimension_numbers = #tpu.dot_dimension_numbers<[1], [1], [0], [0], [0, 0, 1, 0], [], []>, transpose_lhs_hint = false} : vector<1x128xf32>, vector<128x128xf32>, vector<1x128xf32> -> vector<1x128xf32>
    %get3A_873 = arith.constant 3456 : index
    %get3A_874 = arith.constant 0 : index
    %get3A_875 = vector.load %arg2[%get3A_873, %get3A_874] : memref<10240x128xf32, #tpu.memory_space<vmem>>, vector<128x128xf32>
    %get3A_876 = arith.constant 0 : index
    %get3A_877 = arith.constant 0 : index
    %get3A_878 = vector.load %arg3[%get3A_876, %get3A_877] : memref<1x128xf32, #tpu.memory_space<vmem>>, vector<1x128xf32>
    %dot_general3A_879 = arith.constant dense<0.000000e+00> : vector<1x128xf32>
    %dot_general3A_880 = tpu.matmul %get3A_878, %get3A_875, %dot_general3A_879 {dimension_numbers = #tpu.dot_dimension_numbers<[1], [1], [0], [0], [0, 0, 1, 0], [], []>, transpose_lhs_hint = false} : vector<1x128xf32>, vector<128x128xf32>, vector<1x128xf32> -> vector<1x128xf32>
    %get3A_881 = arith.constant 3584 : index
    %get3A_882 = arith.constant 0 : index
    %get3A_883 = vector.load %arg2[%get3A_881, %get3A_882] : memref<10240x128xf32, #tpu.memory_space<vmem>>, vector<128x128xf32>
    %get3A_884 = arith.constant 0 : index
    %get3A_885 = arith.constant 0 : index
    %get3A_886 = vector.load %arg3[%get3A_884, %get3A_885] : memref<1x128xf32, #tpu.memory_space<vmem>>, vector<1x128xf32>
    %dot_general3A_887 = arith.constant dense<0.000000e+00> : vector<1x128xf32>
    %dot_general3A_888 = tpu.matmul %get3A_886, %get3A_883, %dot_general3A_887 {dimension_numbers = #tpu.dot_dimension_numbers<[1], [1], [0], [0], [0, 0, 1, 0], [], []>, transpose_lhs_hint = false} : vector<1x128xf32>, vector<128x128xf32>, vector<1x128xf32> -> vector<1x128xf32>
    %get3A_889 = arith.constant 3712 : index
    %get3A_890 = arith.constant 0 : index
    %get3A_891 = vector.load %arg2[%get3A_889, %get3A_890] : memref<10240x128xf32, #tpu.memory_space<vmem>>, vector<128x128xf32>
    %get3A_892 = arith.constant 0 : index
    %get3A_893 = arith.constant 0 : index
    %get3A_894 = vector.load %arg3[%get3A_892, %get3A_893] : memref<1x128xf32, #tpu.memory_space<vmem>>, vector<1x128xf32>
    %dot_general3A_895 = arith.constant dense<0.000000e+00> : vector<1x128xf32>
    %dot_general3A_896 = tpu.matmul %get3A_894, %get3A_891, %dot_general3A_895 {dimension_numbers = #tpu.dot_dimension_numbers<[1], [1], [0], [0], [0, 0, 1, 0], [], []>, transpose_lhs_hint = false} : vector<1x128xf32>, vector<128x128xf32>, vector<1x128xf32> -> vector<1x128xf32>
    %get3A_897 = arith.constant 3840 : index
    %get3A_898 = arith.constant 0 : index
    %get3A_899 = vector.load %arg2[%get3A_897, %get3A_898] : memref<10240x128xf32, #tpu.memory_space<vmem>>, vector<128x128xf32>
    %get3A_900 = arith.constant 0 : index
    %get3A_901 = arith.constant 0 : index
    %get3A_902 = vector.load %arg3[%get3A_900, %get3A_901] : memref<1x128xf32, #tpu.memory_space<vmem>>, vector<1x128xf32>
    %dot_general3A_903 = arith.constant dense<0.000000e+00> : vector<1x128xf32>
    %dot_general3A_904 = tpu.matmul %get3A_902, %get3A_899, %dot_general3A_903 {dimension_numbers = #tpu.dot_dimension_numbers<[1], [1], [0], [0], [0, 0, 1, 0], [], []>, transpose_lhs_hint = false} : vector<1x128xf32>, vector<128x128xf32>, vector<1x128xf32> -> vector<1x128xf32>
    %get3A_905 = arith.constant 3968 : index
    %get3A_906 = arith.constant 0 : index
    %get3A_907 = vector.load %arg2[%get3A_905, %get3A_906] : memref<10240x128xf32, #tpu.memory_space<vmem>>, vector<128x128xf32>
    %get3A_908 = arith.constant 0 : index
    %get3A_909 = arith.constant 0 : index
    %get3A_910 = vector.load %arg3[%get3A_908, %get3A_909] : memref<1x128xf32, #tpu.memory_space<vmem>>, vector<1x128xf32>
    %dot_general3A_911 = arith.constant dense<0.000000e+00> : vector<1x128xf32>
    %dot_general3A_912 = tpu.matmul %get3A_910, %get3A_907, %dot_general3A_911 {dimension_numbers = #tpu.dot_dimension_numbers<[1], [1], [0], [0], [0, 0, 1, 0], [], []>, transpose_lhs_hint = false} : vector<1x128xf32>, vector<128x128xf32>, vector<1x128xf32> -> vector<1x128xf32>
    %get3A_913 = arith.constant 4096 : index
    %get3A_914 = arith.constant 0 : index
    %get3A_915 = vector.load %arg2[%get3A_913, %get3A_914] : memref<10240x128xf32, #tpu.memory_space<vmem>>, vector<128x128xf32>
    %get3A_916 = arith.constant 0 : index
    %get3A_917 = arith.constant 0 : index
    %get3A_918 = vector.load %arg3[%get3A_916, %get3A_917] : memref<1x128xf32, #tpu.memory_space<vmem>>, vector<1x128xf32>
    %dot_general3A_919 = arith.constant dense<0.000000e+00> : vector<1x128xf32>
    %dot_general3A_920 = tpu.matmul %get3A_918, %get3A_915, %dot_general3A_919 {dimension_numbers = #tpu.dot_dimension_numbers<[1], [1], [0], [0], [0, 0, 1, 0], [], []>, transpose_lhs_hint = false} : vector<1x128xf32>, vector<128x128xf32>, vector<1x128xf32> -> vector<1x128xf32>
    %get3A_921 = arith.constant 4224 : index
    %get3A_922 = arith.constant 0 : index
    %get3A_923 = vector.load %arg2[%get3A_921, %get3A_922] : memref<10240x128xf32, #tpu.memory_space<vmem>>, vector<128x128xf32>
    %get3A_924 = arith.constant 0 : index
    %get3A_925 = arith.constant 0 : index
    %get3A_926 = vector.load %arg3[%get3A_924, %get3A_925] : memref<1x128xf32, #tpu.memory_space<vmem>>, vector<1x128xf32>
    %dot_general3A_927 = arith.constant dense<0.000000e+00> : vector<1x128xf32>
    %dot_general3A_928 = tpu.matmul %get3A_926, %get3A_923, %dot_general3A_927 {dimension_numbers = #tpu.dot_dimension_numbers<[1], [1], [0], [0], [0, 0, 1, 0], [], []>, transpose_lhs_hint = false} : vector<1x128xf32>, vector<128x128xf32>, vector<1x128xf32> -> vector<1x128xf32>
    %get3A_929 = arith.constant 4352 : index
    %get3A_930 = arith.constant 0 : index
    %get3A_931 = vector.load %arg2[%get3A_929, %get3A_930] : memref<10240x128xf32, #tpu.memory_space<vmem>>, vector<128x128xf32>
    %get3A_932 = arith.constant 0 : index
    %get3A_933 = arith.constant 0 : index
    %get3A_934 = vector.load %arg3[%get3A_932, %get3A_933] : memref<1x128xf32, #tpu.memory_space<vmem>>, vector<1x128xf32>
    %dot_general3A_935 = arith.constant dense<0.000000e+00> : vector<1x128xf32>
    %dot_general3A_936 = tpu.matmul %get3A_934, %get3A_931, %dot_general3A_935 {dimension_numbers = #tpu.dot_dimension_numbers<[1], [1], [0], [0], [0, 0, 1, 0], [], []>, transpose_lhs_hint = false} : vector<1x128xf32>, vector<128x128xf32>, vector<1x128xf32> -> vector<1x128xf32>
    %get3A_937 = arith.constant 4480 : index
    %get3A_938 = arith.constant 0 : index
    %get3A_939 = vector.load %arg2[%get3A_937, %get3A_938] : memref<10240x128xf32, #tpu.memory_space<vmem>>, vector<128x128xf32>
    %get3A_940 = arith.constant 0 : index
    %get3A_941 = arith.constant 0 : index
    %get3A_942 = vector.load %arg3[%get3A_940, %get3A_941] : memref<1x128xf32, #tpu.memory_space<vmem>>, vector<1x128xf32>
    %dot_general3A_943 = arith.constant dense<0.000000e+00> : vector<1x128xf32>
    %dot_general3A_944 = tpu.matmul %get3A_942, %get3A_939, %dot_general3A_943 {dimension_numbers = #tpu.dot_dimension_numbers<[1], [1], [0], [0], [0, 0, 1, 0], [], []>, transpose_lhs_hint = false} : vector<1x128xf32>, vector<128x128xf32>, vector<1x128xf32> -> vector<1x128xf32>
    %get3A_945 = arith.constant 4608 : index
    %get3A_946 = arith.constant 0 : index
    %get3A_947 = vector.load %arg2[%get3A_945, %get3A_946] : memref<10240x128xf32, #tpu.memory_space<vmem>>, vector<128x128xf32>
    %get3A_948 = arith.constant 0 : index
    %get3A_949 = arith.constant 0 : index
    %get3A_950 = vector.load %arg3[%get3A_948, %get3A_949] : memref<1x128xf32, #tpu.memory_space<vmem>>, vector<1x128xf32>
    %dot_general3A_951 = arith.constant dense<0.000000e+00> : vector<1x128xf32>
    %dot_general3A_952 = tpu.matmul %get3A_950, %get3A_947, %dot_general3A_951 {dimension_numbers = #tpu.dot_dimension_numbers<[1], [1], [0], [0], [0, 0, 1, 0], [], []>, transpose_lhs_hint = false} : vector<1x128xf32>, vector<128x128xf32>, vector<1x128xf32> -> vector<1x128xf32>
    %get3A_953 = arith.constant 4736 : index
    %get3A_954 = arith.constant 0 : index
    %get3A_955 = vector.load %arg2[%get3A_953, %get3A_954] : memref<10240x128xf32, #tpu.memory_space<vmem>>, vector<128x128xf32>
    %get3A_956 = arith.constant 0 : index
    %get3A_957 = arith.constant 0 : index
    %get3A_958 = vector.load %arg3[%get3A_956, %get3A_957] : memref<1x128xf32, #tpu.memory_space<vmem>>, vector<1x128xf32>
    %dot_general3A_959 = arith.constant dense<0.000000e+00> : vector<1x128xf32>
    %dot_general3A_960 = tpu.matmul %get3A_958, %get3A_955, %dot_general3A_959 {dimension_numbers = #tpu.dot_dimension_numbers<[1], [1], [0], [0], [0, 0, 1, 0], [], []>, transpose_lhs_hint = false} : vector<1x128xf32>, vector<128x128xf32>, vector<1x128xf32> -> vector<1x128xf32>
    %get3A_961 = arith.constant 4864 : index
    %get3A_962 = arith.constant 0 : index
    %get3A_963 = vector.load %arg2[%get3A_961, %get3A_962] : memref<10240x128xf32, #tpu.memory_space<vmem>>, vector<128x128xf32>
    %get3A_964 = arith.constant 0 : index
    %get3A_965 = arith.constant 0 : index
    %get3A_966 = vector.load %arg3[%get3A_964, %get3A_965] : memref<1x128xf32, #tpu.memory_space<vmem>>, vector<1x128xf32>
    %dot_general3A_967 = arith.constant dense<0.000000e+00> : vector<1x128xf32>
    %dot_general3A_968 = tpu.matmul %get3A_966, %get3A_963, %dot_general3A_967 {dimension_numbers = #tpu.dot_dimension_numbers<[1], [1], [0], [0], [0, 0, 1, 0], [], []>, transpose_lhs_hint = false} : vector<1x128xf32>, vector<128x128xf32>, vector<1x128xf32> -> vector<1x128xf32>
    %get3A_969 = arith.constant 4992 : index
    %get3A_970 = arith.constant 0 : index
    %get3A_971 = vector.load %arg2[%get3A_969, %get3A_970] : memref<10240x128xf32, #tpu.memory_space<vmem>>, vector<128x128xf32>
    %get3A_972 = arith.constant 0 : index
    %get3A_973 = arith.constant 0 : index
    %get3A_974 = vector.load %arg3[%get3A_972, %get3A_973] : memref<1x128xf32, #tpu.memory_space<vmem>>, vector<1x128xf32>
    %dot_general3A_975 = arith.constant dense<0.000000e+00> : vector<1x128xf32>
    %dot_general3A_976 = tpu.matmul %get3A_974, %get3A_971, %dot_general3A_975 {dimension_numbers = #tpu.dot_dimension_numbers<[1], [1], [0], [0], [0, 0, 1, 0], [], []>, transpose_lhs_hint = false} : vector<1x128xf32>, vector<128x128xf32>, vector<1x128xf32> -> vector<1x128xf32>
    %get3A_977 = arith.constant 5120 : index
    %get3A_978 = arith.constant 0 : index
    %get3A_979 = vector.load %arg2[%get3A_977, %get3A_978] : memref<10240x128xf32, #tpu.memory_space<vmem>>, vector<128x128xf32>
    %get3A_980 = arith.constant 0 : index
    %get3A_981 = arith.constant 0 : index
    %get3A_982 = vector.load %arg3[%get3A_980, %get3A_981] : memref<1x128xf32, #tpu.memory_space<vmem>>, vector<1x128xf32>
    %dot_general3A_983 = arith.constant dense<0.000000e+00> : vector<1x128xf32>
    %dot_general3A_984 = tpu.matmul %get3A_982, %get3A_979, %dot_general3A_983 {dimension_numbers = #tpu.dot_dimension_numbers<[1], [1], [0], [0], [0, 0, 1, 0], [], []>, transpose_lhs_hint = false} : vector<1x128xf32>, vector<128x128xf32>, vector<1x128xf32> -> vector<1x128xf32>
    %get3A_985 = arith.constant 5248 : index
    %get3A_986 = arith.constant 0 : index
    %get3A_987 = vector.load %arg2[%get3A_985, %get3A_986] : memref<10240x128xf32, #tpu.memory_space<vmem>>, vector<128x128xf32>
    %get3A_988 = arith.constant 0 : index
    %get3A_989 = arith.constant 0 : index
    %get3A_990 = vector.load %arg3[%get3A_988, %get3A_989] : memref<1x128xf32, #tpu.memory_space<vmem>>, vector<1x128xf32>
    %dot_general3A_991 = arith.constant dense<0.000000e+00> : vector<1x128xf32>
    %dot_general3A_992 = tpu.matmul %get3A_990, %get3A_987, %dot_general3A_991 {dimension_numbers = #tpu.dot_dimension_numbers<[1], [1], [0], [0], [0, 0, 1, 0], [], []>, transpose_lhs_hint = false} : vector<1x128xf32>, vector<128x128xf32>, vector<1x128xf32> -> vector<1x128xf32>
    %get3A_993 = arith.constant 5376 : index
    %get3A_994 = arith.constant 0 : index
    %get3A_995 = vector.load %arg2[%get3A_993, %get3A_994] : memref<10240x128xf32, #tpu.memory_space<vmem>>, vector<128x128xf32>
    %get3A_996 = arith.constant 0 : index
    %get3A_997 = arith.constant 0 : index
    %get3A_998 = vector.load %arg3[%get3A_996, %get3A_997] : memref<1x128xf32, #tpu.memory_space<vmem>>, vector<1x128xf32>
    %dot_general3A_999 = arith.constant dense<0.000000e+00> : vector<1x128xf32>
    %dot_general3A_1000 = tpu.matmul %get3A_998, %get3A_995, %dot_general3A_999 {dimension_numbers = #tpu.dot_dimension_numbers<[1], [1], [0], [0], [0, 0, 1, 0], [], []>, transpose_lhs_hint = false} : vector<1x128xf32>, vector<128x128xf32>, vector<1x128xf32> -> vector<1x128xf32>
    %get3A_1001 = arith.constant 5504 : index
    %get3A_1002 = arith.constant 0 : index
    %get3A_1003 = vector.load %arg2[%get3A_1001, %get3A_1002] : memref<10240x128xf32, #tpu.memory_space<vmem>>, vector<128x128xf32>
    %get3A_1004 = arith.constant 0 : index
    %get3A_1005 = arith.constant 0 : index
    %get3A_1006 = vector.load %arg3[%get3A_1004, %get3A_1005] : memref<1x128xf32, #tpu.memory_space<vmem>>, vector<1x128xf32>
    %dot_general3A_1007 = arith.constant dense<0.000000e+00> : vector<1x128xf32>
    %dot_general3A_1008 = tpu.matmul %get3A_1006, %get3A_1003, %dot_general3A_1007 {dimension_numbers = #tpu.dot_dimension_numbers<[1], [1], [0], [0], [0, 0, 1, 0], [], []>, transpose_lhs_hint = false} : vector<1x128xf32>, vector<128x128xf32>, vector<1x128xf32> -> vector<1x128xf32>
    %get3A_1009 = arith.constant 5632 : index
    %get3A_1010 = arith.constant 0 : index
    %get3A_1011 = vector.load %arg2[%get3A_1009, %get3A_1010] : memref<10240x128xf32, #tpu.memory_space<vmem>>, vector<128x128xf32>
    %get3A_1012 = arith.constant 0 : index
    %get3A_1013 = arith.constant 0 : index
    %get3A_1014 = vector.load %arg3[%get3A_1012, %get3A_1013] : memref<1x128xf32, #tpu.memory_space<vmem>>, vector<1x128xf32>
    %dot_general3A_1015 = arith.constant dense<0.000000e+00> : vector<1x128xf32>
    %dot_general3A_1016 = tpu.matmul %get3A_1014, %get3A_1011, %dot_general3A_1015 {dimension_numbers = #tpu.dot_dimension_numbers<[1], [1], [0], [0], [0, 0, 1, 0], [], []>, transpose_lhs_hint = false} : vector<1x128xf32>, vector<128x128xf32>, vector<1x128xf32> -> vector<1x128xf32>
    %get3A_1017 = arith.constant 5760 : index
    %get3A_1018 = arith.constant 0 : index
    %get3A_1019 = vector.load %arg2[%get3A_1017, %get3A_1018] : memref<10240x128xf32, #tpu.memory_space<vmem>>, vector<128x128xf32>
    %get3A_1020 = arith.constant 0 : index
    %get3A_1021 = arith.constant 0 : index
    %get3A_1022 = vector.load %arg3[%get3A_1020, %get3A_1021] : memref<1x128xf32, #tpu.memory_space<vmem>>, vector<1x128xf32>
    %dot_general3A_1023 = arith.constant dense<0.000000e+00> : vector<1x128xf32>
    %dot_general3A_1024 = tpu.matmul %get3A_1022, %get3A_1019, %dot_general3A_1023 {dimension_numbers = #tpu.dot_dimension_numbers<[1], [1], [0], [0], [0, 0, 1, 0], [], []>, transpose_lhs_hint = false} : vector<1x128xf32>, vector<128x128xf32>, vector<1x128xf32> -> vector<1x128xf32>
    %get3A_1025 = arith.constant 5888 : index
    %get3A_1026 = arith.constant 0 : index
    %get3A_1027 = vector.load %arg2[%get3A_1025, %get3A_1026] : memref<10240x128xf32, #tpu.memory_space<vmem>>, vector<128x128xf32>
    %get3A_1028 = arith.constant 0 : index
    %get3A_1029 = arith.constant 0 : index
    %get3A_1030 = vector.load %arg3[%get3A_1028, %get3A_1029] : memref<1x128xf32, #tpu.memory_space<vmem>>, vector<1x128xf32>
    %dot_general3A_1031 = arith.constant dense<0.000000e+00> : vector<1x128xf32>
    %dot_general3A_1032 = tpu.matmul %get3A_1030, %get3A_1027, %dot_general3A_1031 {dimension_numbers = #tpu.dot_dimension_numbers<[1], [1], [0], [0], [0, 0, 1, 0], [], []>, transpose_lhs_hint = false} : vector<1x128xf32>, vector<128x128xf32>, vector<1x128xf32> -> vector<1x128xf32>
    %get3A_1033 = arith.constant 6016 : index
    %get3A_1034 = arith.constant 0 : index
    %get3A_1035 = vector.load %arg2[%get3A_1033, %get3A_1034] : memref<10240x128xf32, #tpu.memory_space<vmem>>, vector<128x128xf32>
    %get3A_1036 = arith.constant 0 : index
    %get3A_1037 = arith.constant 0 : index
    %get3A_1038 = vector.load %arg3[%get3A_1036, %get3A_1037] : memref<1x128xf32, #tpu.memory_space<vmem>>, vector<1x128xf32>
    %dot_general3A_1039 = arith.constant dense<0.000000e+00> : vector<1x128xf32>
    %dot_general3A_1040 = tpu.matmul %get3A_1038, %get3A_1035, %dot_general3A_1039 {dimension_numbers = #tpu.dot_dimension_numbers<[1], [1], [0], [0], [0, 0, 1, 0], [], []>, transpose_lhs_hint = false} : vector<1x128xf32>, vector<128x128xf32>, vector<1x128xf32> -> vector<1x128xf32>
    %get3A_1041 = arith.constant 6144 : index
    %get3A_1042 = arith.constant 0 : index
    %get3A_1043 = vector.load %arg2[%get3A_1041, %get3A_1042] : memref<10240x128xf32, #tpu.memory_space<vmem>>, vector<128x128xf32>
    %get3A_1044 = arith.constant 0 : index
    %get3A_1045 = arith.constant 0 : index
    %get3A_1046 = vector.load %arg3[%get3A_1044, %get3A_1045] : memref<1x128xf32, #tpu.memory_space<vmem>>, vector<1x128xf32>
    %dot_general3A_1047 = arith.constant dense<0.000000e+00> : vector<1x128xf32>
    %dot_general3A_1048 = tpu.matmul %get3A_1046, %get3A_1043, %dot_general3A_1047 {dimension_numbers = #tpu.dot_dimension_numbers<[1], [1], [0], [0], [0, 0, 1, 0], [], []>, transpose_lhs_hint = false} : vector<1x128xf32>, vector<128x128xf32>, vector<1x128xf32> -> vector<1x128xf32>
    %get3A_1049 = arith.constant 6272 : index
    %get3A_1050 = arith.constant 0 : index
    %get3A_1051 = vector.load %arg2[%get3A_1049, %get3A_1050] : memref<10240x128xf32, #tpu.memory_space<vmem>>, vector<128x128xf32>
    %get3A_1052 = arith.constant 0 : index
    %get3A_1053 = arith.constant 0 : index
    %get3A_1054 = vector.load %arg3[%get3A_1052, %get3A_1053] : memref<1x128xf32, #tpu.memory_space<vmem>>, vector<1x128xf32>
    %dot_general3A_1055 = arith.constant dense<0.000000e+00> : vector<1x128xf32>
    %dot_general3A_1056 = tpu.matmul %get3A_1054, %get3A_1051, %dot_general3A_1055 {dimension_numbers = #tpu.dot_dimension_numbers<[1], [1], [0], [0], [0, 0, 1, 0], [], []>, transpose_lhs_hint = false} : vector<1x128xf32>, vector<128x128xf32>, vector<1x128xf32> -> vector<1x128xf32>
    %get3A_1057 = arith.constant 6400 : index
    %get3A_1058 = arith.constant 0 : index
    %get3A_1059 = vector.load %arg2[%get3A_1057, %get3A_1058] : memref<10240x128xf32, #tpu.memory_space<vmem>>, vector<128x128xf32>
    %get3A_1060 = arith.constant 0 : index
    %get3A_1061 = arith.constant 0 : index
    %get3A_1062 = vector.load %arg3[%get3A_1060, %get3A_1061] : memref<1x128xf32, #tpu.memory_space<vmem>>, vector<1x128xf32>
    %dot_general3A_1063 = arith.constant dense<0.000000e+00> : vector<1x128xf32>
    %dot_general3A_1064 = tpu.matmul %get3A_1062, %get3A_1059, %dot_general3A_1063 {dimension_numbers = #tpu.dot_dimension_numbers<[1], [1], [0], [0], [0, 0, 1, 0], [], []>, transpose_lhs_hint = false} : vector<1x128xf32>, vector<128x128xf32>, vector<1x128xf32> -> vector<1x128xf32>
    %get3A_1065 = arith.constant 6528 : index
    %get3A_1066 = arith.constant 0 : index
    %get3A_1067 = vector.load %arg2[%get3A_1065, %get3A_1066] : memref<10240x128xf32, #tpu.memory_space<vmem>>, vector<128x128xf32>
    %get3A_1068 = arith.constant 0 : index
    %get3A_1069 = arith.constant 0 : index
    %get3A_1070 = vector.load %arg3[%get3A_1068, %get3A_1069] : memref<1x128xf32, #tpu.memory_space<vmem>>, vector<1x128xf32>
    %dot_general3A_1071 = arith.constant dense<0.000000e+00> : vector<1x128xf32>
    %dot_general3A_1072 = tpu.matmul %get3A_1070, %get3A_1067, %dot_general3A_1071 {dimension_numbers = #tpu.dot_dimension_numbers<[1], [1], [0], [0], [0, 0, 1, 0], [], []>, transpose_lhs_hint = false} : vector<1x128xf32>, vector<128x128xf32>, vector<1x128xf32> -> vector<1x128xf32>
    %get3A_1073 = arith.constant 6656 : index
    %get3A_1074 = arith.constant 0 : index
    %get3A_1075 = vector.load %arg2[%get3A_1073, %get3A_1074] : memref<10240x128xf32, #tpu.memory_space<vmem>>, vector<128x128xf32>
    %get3A_1076 = arith.constant 0 : index
    %get3A_1077 = arith.constant 0 : index
    %get3A_1078 = vector.load %arg3[%get3A_1076, %get3A_1077] : memref<1x128xf32, #tpu.memory_space<vmem>>, vector<1x128xf32>
    %dot_general3A_1079 = arith.constant dense<0.000000e+00> : vector<1x128xf32>
    %dot_general3A_1080 = tpu.matmul %get3A_1078, %get3A_1075, %dot_general3A_1079 {dimension_numbers = #tpu.dot_dimension_numbers<[1], [1], [0], [0], [0, 0, 1, 0], [], []>, transpose_lhs_hint = false} : vector<1x128xf32>, vector<128x128xf32>, vector<1x128xf32> -> vector<1x128xf32>
    %get3A_1081 = arith.constant 6784 : index
    %get3A_1082 = arith.constant 0 : index
    %get3A_1083 = vector.load %arg2[%get3A_1081, %get3A_1082] : memref<10240x128xf32, #tpu.memory_space<vmem>>, vector<128x128xf32>
    %get3A_1084 = arith.constant 0 : index
    %get3A_1085 = arith.constant 0 : index
    %get3A_1086 = vector.load %arg3[%get3A_1084, %get3A_1085] : memref<1x128xf32, #tpu.memory_space<vmem>>, vector<1x128xf32>
    %dot_general3A_1087 = arith.constant dense<0.000000e+00> : vector<1x128xf32>
    %dot_general3A_1088 = tpu.matmul %get3A_1086, %get3A_1083, %dot_general3A_1087 {dimension_numbers = #tpu.dot_dimension_numbers<[1], [1], [0], [0], [0, 0, 1, 0], [], []>, transpose_lhs_hint = false} : vector<1x128xf32>, vector<128x128xf32>, vector<1x128xf32> -> vector<1x128xf32>
    %get3A_1089 = arith.constant 6912 : index
    %get3A_1090 = arith.constant 0 : index
    %get3A_1091 = vector.load %arg2[%get3A_1089, %get3A_1090] : memref<10240x128xf32, #tpu.memory_space<vmem>>, vector<128x128xf32>
    %get3A_1092 = arith.constant 0 : index
    %get3A_1093 = arith.constant 0 : index
    %get3A_1094 = vector.load %arg3[%get3A_1092, %get3A_1093] : memref<1x128xf32, #tpu.memory_space<vmem>>, vector<1x128xf32>
    %dot_general3A_1095 = arith.constant dense<0.000000e+00> : vector<1x128xf32>
    %dot_general3A_1096 = tpu.matmul %get3A_1094, %get3A_1091, %dot_general3A_1095 {dimension_numbers = #tpu.dot_dimension_numbers<[1], [1], [0], [0], [0, 0, 1, 0], [], []>, transpose_lhs_hint = false} : vector<1x128xf32>, vector<128x128xf32>, vector<1x128xf32> -> vector<1x128xf32>
    %get3A_1097 = arith.constant 7040 : index
    %get3A_1098 = arith.constant 0 : index
    %get3A_1099 = vector.load %arg2[%get3A_1097, %get3A_1098] : memref<10240x128xf32, #tpu.memory_space<vmem>>, vector<128x128xf32>
    %get3A_1100 = arith.constant 0 : index
    %get3A_1101 = arith.constant 0 : index
    %get3A_1102 = vector.load %arg3[%get3A_1100, %get3A_1101] : memref<1x128xf32, #tpu.memory_space<vmem>>, vector<1x128xf32>
    %dot_general3A_1103 = arith.constant dense<0.000000e+00> : vector<1x128xf32>
    %dot_general3A_1104 = tpu.matmul %get3A_1102, %get3A_1099, %dot_general3A_1103 {dimension_numbers = #tpu.dot_dimension_numbers<[1], [1], [0], [0], [0, 0, 1, 0], [], []>, transpose_lhs_hint = false} : vector<1x128xf32>, vector<128x128xf32>, vector<1x128xf32> -> vector<1x128xf32>
    %get3A_1105 = arith.constant 7168 : index
    %get3A_1106 = arith.constant 0 : index
    %get3A_1107 = vector.load %arg2[%get3A_1105, %get3A_1106] : memref<10240x128xf32, #tpu.memory_space<vmem>>, vector<128x128xf32>
    %get3A_1108 = arith.constant 0 : index
    %get3A_1109 = arith.constant 0 : index
    %get3A_1110 = vector.load %arg3[%get3A_1108, %get3A_1109] : memref<1x128xf32, #tpu.memory_space<vmem>>, vector<1x128xf32>
    %dot_general3A_1111 = arith.constant dense<0.000000e+00> : vector<1x128xf32>
    %dot_general3A_1112 = tpu.matmul %get3A_1110, %get3A_1107, %dot_general3A_1111 {dimension_numbers = #tpu.dot_dimension_numbers<[1], [1], [0], [0], [0, 0, 1, 0], [], []>, transpose_lhs_hint = false} : vector<1x128xf32>, vector<128x128xf32>, vector<1x128xf32> -> vector<1x128xf32>
    %get3A_1113 = arith.constant 7296 : index
    %get3A_1114 = arith.constant 0 : index
    %get3A_1115 = vector.load %arg2[%get3A_1113, %get3A_1114] : memref<10240x128xf32, #tpu.memory_space<vmem>>, vector<128x128xf32>
    %get3A_1116 = arith.constant 0 : index
    %get3A_1117 = arith.constant 0 : index
    %get3A_1118 = vector.load %arg3[%get3A_1116, %get3A_1117] : memref<1x128xf32, #tpu.memory_space<vmem>>, vector<1x128xf32>
    %dot_general3A_1119 = arith.constant dense<0.000000e+00> : vector<1x128xf32>
    %dot_general3A_1120 = tpu.matmul %get3A_1118, %get3A_1115, %dot_general3A_1119 {dimension_numbers = #tpu.dot_dimension_numbers<[1], [1], [0], [0], [0, 0, 1, 0], [], []>, transpose_lhs_hint = false} : vector<1x128xf32>, vector<128x128xf32>, vector<1x128xf32> -> vector<1x128xf32>
    %get3A_1121 = arith.constant 7424 : index
    %get3A_1122 = arith.constant 0 : index
    %get3A_1123 = vector.load %arg2[%get3A_1121, %get3A_1122] : memref<10240x128xf32, #tpu.memory_space<vmem>>, vector<128x128xf32>
    %get3A_1124 = arith.constant 0 : index
    %get3A_1125 = arith.constant 0 : index
    %get3A_1126 = vector.load %arg3[%get3A_1124, %get3A_1125] : memref<1x128xf32, #tpu.memory_space<vmem>>, vector<1x128xf32>
    %dot_general3A_1127 = arith.constant dense<0.000000e+00> : vector<1x128xf32>
    %dot_general3A_1128 = tpu.matmul %get3A_1126, %get3A_1123, %dot_general3A_1127 {dimension_numbers = #tpu.dot_dimension_numbers<[1], [1], [0], [0], [0, 0, 1, 0], [], []>, transpose_lhs_hint = false} : vector<1x128xf32>, vector<128x128xf32>, vector<1x128xf32> -> vector<1x128xf32>
    %get3A_1129 = arith.constant 7552 : index
    %get3A_1130 = arith.constant 0 : index
    %get3A_1131 = vector.load %arg2[%get3A_1129, %get3A_1130] : memref<10240x128xf32, #tpu.memory_space<vmem>>, vector<128x128xf32>
    %get3A_1132 = arith.constant 0 : index
    %get3A_1133 = arith.constant 0 : index
    %get3A_1134 = vector.load %arg3[%get3A_1132, %get3A_1133] : memref<1x128xf32, #tpu.memory_space<vmem>>, vector<1x128xf32>
    %dot_general3A_1135 = arith.constant dense<0.000000e+00> : vector<1x128xf32>
    %dot_general3A_1136 = tpu.matmul %get3A_1134, %get3A_1131, %dot_general3A_1135 {dimension_numbers = #tpu.dot_dimension_numbers<[1], [1], [0], [0], [0, 0, 1, 0], [], []>, transpose_lhs_hint = false} : vector<1x128xf32>, vector<128x128xf32>, vector<1x128xf32> -> vector<1x128xf32>
    %get3A_1137 = arith.constant 7680 : index
    %get3A_1138 = arith.constant 0 : index
    %get3A_1139 = vector.load %arg2[%get3A_1137, %get3A_1138] : memref<10240x128xf32, #tpu.memory_space<vmem>>, vector<128x128xf32>
    %get3A_1140 = arith.constant 0 : index
    %get3A_1141 = arith.constant 0 : index
    %get3A_1142 = vector.load %arg3[%get3A_1140, %get3A_1141] : memref<1x128xf32, #tpu.memory_space<vmem>>, vector<1x128xf32>
    %dot_general3A_1143 = arith.constant dense<0.000000e+00> : vector<1x128xf32>
    %dot_general3A_1144 = tpu.matmul %get3A_1142, %get3A_1139, %dot_general3A_1143 {dimension_numbers = #tpu.dot_dimension_numbers<[1], [1], [0], [0], [0, 0, 1, 0], [], []>, transpose_lhs_hint = false} : vector<1x128xf32>, vector<128x128xf32>, vector<1x128xf32> -> vector<1x128xf32>
    %get3A_1145 = arith.constant 7808 : index
    %get3A_1146 = arith.constant 0 : index
    %get3A_1147 = vector.load %arg2[%get3A_1145, %get3A_1146] : memref<10240x128xf32, #tpu.memory_space<vmem>>, vector<128x128xf32>
    %get3A_1148 = arith.constant 0 : index
    %get3A_1149 = arith.constant 0 : index
    %get3A_1150 = vector.load %arg3[%get3A_1148, %get3A_1149] : memref<1x128xf32, #tpu.memory_space<vmem>>, vector<1x128xf32>
    %dot_general3A_1151 = arith.constant dense<0.000000e+00> : vector<1x128xf32>
    %dot_general3A_1152 = tpu.matmul %get3A_1150, %get3A_1147, %dot_general3A_1151 {dimension_numbers = #tpu.dot_dimension_numbers<[1], [1], [0], [0], [0, 0, 1, 0], [], []>, transpose_lhs_hint = false} : vector<1x128xf32>, vector<128x128xf32>, vector<1x128xf32> -> vector<1x128xf32>
    %get3A_1153 = arith.constant 7936 : index
    %get3A_1154 = arith.constant 0 : index
    %get3A_1155 = vector.load %arg2[%get3A_1153, %get3A_1154] : memref<10240x128xf32, #tpu.memory_space<vmem>>, vector<128x128xf32>
    %get3A_1156 = arith.constant 0 : index
    %get3A_1157 = arith.constant 0 : index
    %get3A_1158 = vector.load %arg3[%get3A_1156, %get3A_1157] : memref<1x128xf32, #tpu.memory_space<vmem>>, vector<1x128xf32>
    %dot_general3A_1159 = arith.constant dense<0.000000e+00> : vector<1x128xf32>
    %dot_general3A_1160 = tpu.matmul %get3A_1158, %get3A_1155, %dot_general3A_1159 {dimension_numbers = #tpu.dot_dimension_numbers<[1], [1], [0], [0], [0, 0, 1, 0], [], []>, transpose_lhs_hint = false} : vector<1x128xf32>, vector<128x128xf32>, vector<1x128xf32> -> vector<1x128xf32>
    %get3A_1161 = arith.constant 8064 : index
    %get3A_1162 = arith.constant 0 : index
    %get3A_1163 = vector.load %arg2[%get3A_1161, %get3A_1162] : memref<10240x128xf32, #tpu.memory_space<vmem>>, vector<128x128xf32>
    %get3A_1164 = arith.constant 0 : index
    %get3A_1165 = arith.constant 0 : index
    %get3A_1166 = vector.load %arg3[%get3A_1164, %get3A_1165] : memref<1x128xf32, #tpu.memory_space<vmem>>, vector<1x128xf32>
    %dot_general3A_1167 = arith.constant dense<0.000000e+00> : vector<1x128xf32>
    %dot_general3A_1168 = tpu.matmul %get3A_1166, %get3A_1163, %dot_general3A_1167 {dimension_numbers = #tpu.dot_dimension_numbers<[1], [1], [0], [0], [0, 0, 1, 0], [], []>, transpose_lhs_hint = false} : vector<1x128xf32>, vector<128x128xf32>, vector<1x128xf32> -> vector<1x128xf32>
    %get3A_1169 = arith.constant 8192 : index
    %get3A_1170 = arith.constant 0 : index
    %get3A_1171 = vector.load %arg2[%get3A_1169, %get3A_1170] : memref<10240x128xf32, #tpu.memory_space<vmem>>, vector<128x128xf32>
    %get3A_1172 = arith.constant 0 : index
    %get3A_1173 = arith.constant 0 : index
    %get3A_1174 = vector.load %arg3[%get3A_1172, %get3A_1173] : memref<1x128xf32, #tpu.memory_space<vmem>>, vector<1x128xf32>
    %dot_general3A_1175 = arith.constant dense<0.000000e+00> : vector<1x128xf32>
    %dot_general3A_1176 = tpu.matmul %get3A_1174, %get3A_1171, %dot_general3A_1175 {dimension_numbers = #tpu.dot_dimension_numbers<[1], [1], [0], [0], [0, 0, 1, 0], [], []>, transpose_lhs_hint = false} : vector<1x128xf32>, vector<128x128xf32>, vector<1x128xf32> -> vector<1x128xf32>
    %get3A_1177 = arith.constant 8320 : index
    %get3A_1178 = arith.constant 0 : index
    %get3A_1179 = vector.load %arg2[%get3A_1177, %get3A_1178] : memref<10240x128xf32, #tpu.memory_space<vmem>>, vector<128x128xf32>
    %get3A_1180 = arith.constant 0 : index
    %get3A_1181 = arith.constant 0 : index
    %get3A_1182 = vector.load %arg3[%get3A_1180, %get3A_1181] : memref<1x128xf32, #tpu.memory_space<vmem>>, vector<1x128xf32>
    %dot_general3A_1183 = arith.constant dense<0.000000e+00> : vector<1x128xf32>
    %dot_general3A_1184 = tpu.matmul %get3A_1182, %get3A_1179, %dot_general3A_1183 {dimension_numbers = #tpu.dot_dimension_numbers<[1], [1], [0], [0], [0, 0, 1, 0], [], []>, transpose_lhs_hint = false} : vector<1x128xf32>, vector<128x128xf32>, vector<1x128xf32> -> vector<1x128xf32>
    %get3A_1185 = arith.constant 8448 : index
    %get3A_1186 = arith.constant 0 : index
    %get3A_1187 = vector.load %arg2[%get3A_1185, %get3A_1186] : memref<10240x128xf32, #tpu.memory_space<vmem>>, vector<128x128xf32>
    %get3A_1188 = arith.constant 0 : index
    %get3A_1189 = arith.constant 0 : index
    %get3A_1190 = vector.load %arg3[%get3A_1188, %get3A_1189] : memref<1x128xf32, #tpu.memory_space<vmem>>, vector<1x128xf32>
    %dot_general3A_1191 = arith.constant dense<0.000000e+00> : vector<1x128xf32>
    %dot_general3A_1192 = tpu.matmul %get3A_1190, %get3A_1187, %dot_general3A_1191 {dimension_numbers = #tpu.dot_dimension_numbers<[1], [1], [0], [0], [0, 0, 1, 0], [], []>, transpose_lhs_hint = false} : vector<1x128xf32>, vector<128x128xf32>, vector<1x128xf32> -> vector<1x128xf32>
    %get3A_1193 = arith.constant 8576 : index
    %get3A_1194 = arith.constant 0 : index
    %get3A_1195 = vector.load %arg2[%get3A_1193, %get3A_1194] : memref<10240x128xf32, #tpu.memory_space<vmem>>, vector<128x128xf32>
    %get3A_1196 = arith.constant 0 : index
    %get3A_1197 = arith.constant 0 : index
    %get3A_1198 = vector.load %arg3[%get3A_1196, %get3A_1197] : memref<1x128xf32, #tpu.memory_space<vmem>>, vector<1x128xf32>
    %dot_general3A_1199 = arith.constant dense<0.000000e+00> : vector<1x128xf32>
    %dot_general3A_1200 = tpu.matmul %get3A_1198, %get3A_1195, %dot_general3A_1199 {dimension_numbers = #tpu.dot_dimension_numbers<[1], [1], [0], [0], [0, 0, 1, 0], [], []>, transpose_lhs_hint = false} : vector<1x128xf32>, vector<128x128xf32>, vector<1x128xf32> -> vector<1x128xf32>
    %get3A_1201 = arith.constant 8704 : index
    %get3A_1202 = arith.constant 0 : index
    %get3A_1203 = vector.load %arg2[%get3A_1201, %get3A_1202] : memref<10240x128xf32, #tpu.memory_space<vmem>>, vector<128x128xf32>
    %get3A_1204 = arith.constant 0 : index
    %get3A_1205 = arith.constant 0 : index
    %get3A_1206 = vector.load %arg3[%get3A_1204, %get3A_1205] : memref<1x128xf32, #tpu.memory_space<vmem>>, vector<1x128xf32>
    %dot_general3A_1207 = arith.constant dense<0.000000e+00> : vector<1x128xf32>
    %dot_general3A_1208 = tpu.matmul %get3A_1206, %get3A_1203, %dot_general3A_1207 {dimension_numbers = #tpu.dot_dimension_numbers<[1], [1], [0], [0], [0, 0, 1, 0], [], []>, transpose_lhs_hint = false} : vector<1x128xf32>, vector<128x128xf32>, vector<1x128xf32> -> vector<1x128xf32>
    %get3A_1209 = arith.constant 8832 : index
    %get3A_1210 = arith.constant 0 : index
    %get3A_1211 = vector.load %arg2[%get3A_1209, %get3A_1210] : memref<10240x128xf32, #tpu.memory_space<vmem>>, vector<128x128xf32>
    %get3A_1212 = arith.constant 0 : index
    %get3A_1213 = arith.constant 0 : index
    %get3A_1214 = vector.load %arg3[%get3A_1212, %get3A_1213] : memref<1x128xf32, #tpu.memory_space<vmem>>, vector<1x128xf32>
    %dot_general3A_1215 = arith.constant dense<0.000000e+00> : vector<1x128xf32>
    %dot_general3A_1216 = tpu.matmul %get3A_1214, %get3A_1211, %dot_general3A_1215 {dimension_numbers = #tpu.dot_dimension_numbers<[1], [1], [0], [0], [0, 0, 1, 0], [], []>, transpose_lhs_hint = false} : vector<1x128xf32>, vector<128x128xf32>, vector<1x128xf32> -> vector<1x128xf32>
    %get3A_1217 = arith.constant 8960 : index
    %get3A_1218 = arith.constant 0 : index
    %get3A_1219 = vector.load %arg2[%get3A_1217, %get3A_1218] : memref<10240x128xf32, #tpu.memory_space<vmem>>, vector<128x128xf32>
    %get3A_1220 = arith.constant 0 : index
    %get3A_1221 = arith.constant 0 : index
    %get3A_1222 = vector.load %arg3[%get3A_1220, %get3A_1221] : memref<1x128xf32, #tpu.memory_space<vmem>>, vector<1x128xf32>
    %dot_general3A_1223 = arith.constant dense<0.000000e+00> : vector<1x128xf32>
    %dot_general3A_1224 = tpu.matmul %get3A_1222, %get3A_1219, %dot_general3A_1223 {dimension_numbers = #tpu.dot_dimension_numbers<[1], [1], [0], [0], [0, 0, 1, 0], [], []>, transpose_lhs_hint = false} : vector<1x128xf32>, vector<128x128xf32>, vector<1x128xf32> -> vector<1x128xf32>
    %get3A_1225 = arith.constant 9088 : index
    %get3A_1226 = arith.constant 0 : index
    %get3A_1227 = vector.load %arg2[%get3A_1225, %get3A_1226] : memref<10240x128xf32, #tpu.memory_space<vmem>>, vector<128x128xf32>
    %get3A_1228 = arith.constant 0 : index
    %get3A_1229 = arith.constant 0 : index
    %get3A_1230 = vector.load %arg3[%get3A_1228, %get3A_1229] : memref<1x128xf32, #tpu.memory_space<vmem>>, vector<1x128xf32>
    %dot_general3A_1231 = arith.constant dense<0.000000e+00> : vector<1x128xf32>
    %dot_general3A_1232 = tpu.matmul %get3A_1230, %get3A_1227, %dot_general3A_1231 {dimension_numbers = #tpu.dot_dimension_numbers<[1], [1], [0], [0], [0, 0, 1, 0], [], []>, transpose_lhs_hint = false} : vector<1x128xf32>, vector<128x128xf32>, vector<1x128xf32> -> vector<1x128xf32>
    %get3A_1233 = arith.constant 9216 : index
    %get3A_1234 = arith.constant 0 : index
    %get3A_1235 = vector.load %arg2[%get3A_1233, %get3A_1234] : memref<10240x128xf32, #tpu.memory_space<vmem>>, vector<128x128xf32>
    %get3A_1236 = arith.constant 0 : index
    %get3A_1237 = arith.constant 0 : index
    %get3A_1238 = vector.load %arg3[%get3A_1236, %get3A_1237] : memref<1x128xf32, #tpu.memory_space<vmem>>, vector<1x128xf32>
    %dot_general3A_1239 = arith.constant dense<0.000000e+00> : vector<1x128xf32>
    %dot_general3A_1240 = tpu.matmul %get3A_1238, %get3A_1235, %dot_general3A_1239 {dimension_numbers = #tpu.dot_dimension_numbers<[1], [1], [0], [0], [0, 0, 1, 0], [], []>, transpose_lhs_hint = false} : vector<1x128xf32>, vector<128x128xf32>, vector<1x128xf32> -> vector<1x128xf32>
    %get3A_1241 = arith.constant 9344 : index
    %get3A_1242 = arith.constant 0 : index
    %get3A_1243 = vector.load %arg2[%get3A_1241, %get3A_1242] : memref<10240x128xf32, #tpu.memory_space<vmem>>, vector<128x128xf32>
    %get3A_1244 = arith.constant 0 : index
    %get3A_1245 = arith.constant 0 : index
    %get3A_1246 = vector.load %arg3[%get3A_1244, %get3A_1245] : memref<1x128xf32, #tpu.memory_space<vmem>>, vector<1x128xf32>
    %dot_general3A_1247 = arith.constant dense<0.000000e+00> : vector<1x128xf32>
    %dot_general3A_1248 = tpu.matmul %get3A_1246, %get3A_1243, %dot_general3A_1247 {dimension_numbers = #tpu.dot_dimension_numbers<[1], [1], [0], [0], [0, 0, 1, 0], [], []>, transpose_lhs_hint = false} : vector<1x128xf32>, vector<128x128xf32>, vector<1x128xf32> -> vector<1x128xf32>
    %get3A_1249 = arith.constant 9472 : index
    %get3A_1250 = arith.constant 0 : index
    %get3A_1251 = vector.load %arg2[%get3A_1249, %get3A_1250] : memref<10240x128xf32, #tpu.memory_space<vmem>>, vector<128x128xf32>
    %get3A_1252 = arith.constant 0 : index
    %get3A_1253 = arith.constant 0 : index
    %get3A_1254 = vector.load %arg3[%get3A_1252, %get3A_1253] : memref<1x128xf32, #tpu.memory_space<vmem>>, vector<1x128xf32>
    %dot_general3A_1255 = arith.constant dense<0.000000e+00> : vector<1x128xf32>
    %dot_general3A_1256 = tpu.matmul %get3A_1254, %get3A_1251, %dot_general3A_1255 {dimension_numbers = #tpu.dot_dimension_numbers<[1], [1], [0], [0], [0, 0, 1, 0], [], []>, transpose_lhs_hint = false} : vector<1x128xf32>, vector<128x128xf32>, vector<1x128xf32> -> vector<1x128xf32>
    %get3A_1257 = arith.constant 9600 : index
    %get3A_1258 = arith.constant 0 : index
    %get3A_1259 = vector.load %arg2[%get3A_1257, %get3A_1258] : memref<10240x128xf32, #tpu.memory_space<vmem>>, vector<128x128xf32>
    %get3A_1260 = arith.constant 0 : index
    %get3A_1261 = arith.constant 0 : index
    %get3A_1262 = vector.load %arg3[%get3A_1260, %get3A_1261] : memref<1x128xf32, #tpu.memory_space<vmem>>, vector<1x128xf32>
    %dot_general3A_1263 = arith.constant dense<0.000000e+00> : vector<1x128xf32>
    %dot_general3A_1264 = tpu.matmul %get3A_1262, %get3A_1259, %dot_general3A_1263 {dimension_numbers = #tpu.dot_dimension_numbers<[1], [1], [0], [0], [0, 0, 1, 0], [], []>, transpose_lhs_hint = false} : vector<1x128xf32>, vector<128x128xf32>, vector<1x128xf32> -> vector<1x128xf32>
    %get3A_1265 = arith.constant 9728 : index
    %get3A_1266 = arith.constant 0 : index
    %get3A_1267 = vector.load %arg2[%get3A_1265, %get3A_1266] : memref<10240x128xf32, #tpu.memory_space<vmem>>, vector<128x128xf32>
    %get3A_1268 = arith.constant 0 : index
    %get3A_1269 = arith.constant 0 : index
    %get3A_1270 = vector.load %arg3[%get3A_1268, %get3A_1269] : memref<1x128xf32, #tpu.memory_space<vmem>>, vector<1x128xf32>
    %dot_general3A_1271 = arith.constant dense<0.000000e+00> : vector<1x128xf32>
    %dot_general3A_1272 = tpu.matmul %get3A_1270, %get3A_1267, %dot_general3A_1271 {dimension_numbers = #tpu.dot_dimension_numbers<[1], [1], [0], [0], [0, 0, 1, 0], [], []>, transpose_lhs_hint = false} : vector<1x128xf32>, vector<128x128xf32>, vector<1x128xf32> -> vector<1x128xf32>
    %get3A_1273 = arith.constant 9856 : index
    %get3A_1274 = arith.constant 0 : index
    %get3A_1275 = vector.load %arg2[%get3A_1273, %get3A_1274] : memref<10240x128xf32, #tpu.memory_space<vmem>>, vector<128x128xf32>
    %get3A_1276 = arith.constant 0 : index
    %get3A_1277 = arith.constant 0 : index
    %get3A_1278 = vector.load %arg3[%get3A_1276, %get3A_1277] : memref<1x128xf32, #tpu.memory_space<vmem>>, vector<1x128xf32>
    %dot_general3A_1279 = arith.constant dense<0.000000e+00> : vector<1x128xf32>
    %dot_general3A_1280 = tpu.matmul %get3A_1278, %get3A_1275, %dot_general3A_1279 {dimension_numbers = #tpu.dot_dimension_numbers<[1], [1], [0], [0], [0, 0, 1, 0], [], []>, transpose_lhs_hint = false} : vector<1x128xf32>, vector<128x128xf32>, vector<1x128xf32> -> vector<1x128xf32>
    %get3A_1281 = arith.constant 9984 : index
    %get3A_1282 = arith.constant 0 : index
    %get3A_1283 = vector.load %arg2[%get3A_1281, %get3A_1282] : memref<10240x128xf32, #tpu.memory_space<vmem>>, vector<128x128xf32>
    %get3A_1284 = arith.constant 0 : index
    %get3A_1285 = arith.constant 0 : index
    %get3A_1286 = vector.load %arg3[%get3A_1284, %get3A_1285] : memref<1x128xf32, #tpu.memory_space<vmem>>, vector<1x128xf32>
    %dot_general3A_1287 = arith.constant dense<0.000000e+00> : vector<1x128xf32>
    %dot_general3A_1288 = tpu.matmul %get3A_1286, %get3A_1283, %dot_general3A_1287 {dimension_numbers = #tpu.dot_dimension_numbers<[1], [1], [0], [0], [0, 0, 1, 0], [], []>, transpose_lhs_hint = false} : vector<1x128xf32>, vector<128x128xf32>, vector<1x128xf32> -> vector<1x128xf32>
    %get3A_1289 = arith.constant 10112 : index
    %get3A_1290 = arith.constant 0 : index
    %get3A_1291 = vector.load %arg2[%get3A_1289, %get3A_1290] : memref<10240x128xf32, #tpu.memory_space<vmem>>, vector<128x128xf32>
    %get3A_1292 = arith.constant 0 : index
    %get3A_1293 = arith.constant 0 : index
    %get3A_1294 = vector.load %arg3[%get3A_1292, %get3A_1293] : memref<1x128xf32, #tpu.memory_space<vmem>>, vector<1x128xf32>
    %dot_general3A_1295 = arith.constant dense<0.000000e+00> : vector<1x128xf32>
    %dot_general3A_1296 = tpu.matmul %get3A_1294, %get3A_1291, %dot_general3A_1295 {dimension_numbers = #tpu.dot_dimension_numbers<[1], [1], [0], [0], [0, 0, 1, 0], [], []>, transpose_lhs_hint = false} : vector<1x128xf32>, vector<128x128xf32>, vector<1x128xf32> -> vector<1x128xf32>
    %concatenate3A_1297 = tpu.concatenate %dot_general3A_664, %dot_general3A_672, %dot_general3A_680, %dot_general3A_688, %dot_general3A_696, %dot_general3A_704, %dot_general3A_712, %dot_general3A_720, %dot_general3A_728, %dot_general3A_736, %dot_general3A_744, %dot_general3A_752, %dot_general3A_760, %dot_general3A_768, %dot_general3A_776, %dot_general3A_784, %dot_general3A_792, %dot_general3A_800, %dot_general3A_808, %dot_general3A_816, %dot_general3A_824, %dot_general3A_832, %dot_general3A_840, %dot_general3A_848, %dot_general3A_856, %dot_general3A_864, %dot_general3A_872, %dot_general3A_880, %dot_general3A_888, %dot_general3A_896, %dot_general3A_904, %dot_general3A_912, %dot_general3A_920, %dot_general3A_928, %dot_general3A_936, %dot_general3A_944, %dot_general3A_952, %dot_general3A_960, %dot_general3A_968, %dot_general3A_976, %dot_general3A_984, %dot_general3A_992, %dot_general3A_1000, %dot_general3A_1008, %dot_general3A_1016, %dot_general3A_1024, %dot_general3A_1032, %dot_general3A_1040, %dot_general3A_1048, %dot_general3A_1056, %dot_general3A_1064, %dot_general3A_1072, %dot_general3A_1080, %dot_general3A_1088, %dot_general3A_1096, %dot_general3A_1104, %dot_general3A_1112, %dot_general3A_1120, %dot_general3A_1128, %dot_general3A_1136, %dot_general3A_1144, %dot_general3A_1152, %dot_general3A_1160, %dot_general3A_1168, %dot_general3A_1176, %dot_general3A_1184, %dot_general3A_1192, %dot_general3A_1200, %dot_general3A_1208, %dot_general3A_1216, %dot_general3A_1224, %dot_general3A_1232, %dot_general3A_1240, %dot_general3A_1248, %dot_general3A_1256, %dot_general3A_1264, %dot_general3A_1272, %dot_general3A_1280, %dot_general3A_1288, %dot_general3A_1296 in 0 : vector<1x128xf32>, vector<1x128xf32>, vector<1x128xf32>, vector<1x128xf32>, vector<1x128xf32>, vector<1x128xf32>, vector<1x128xf32>, vector<1x128xf32>, vector<1x128xf32>, vector<1x128xf32>, vector<1x128xf32>, vector<1x128xf32>, vector<1x128xf32>, vector<1x128xf32>, vector<1x128xf32>, vector<1x128xf32>, vector<1x128xf32>, vector<1x128xf32>, vector<1x128xf32>, vector<1x128xf32>, vector<1x128xf32>, vector<1x128xf32>, vector<1x128xf32>, vector<1x128xf32>, vector<1x128xf32>, vector<1x128xf32>, vector<1x128xf32>, vector<1x128xf32>, vector<1x128xf32>, vector<1x128xf32>, vector<1x128xf32>, vector<1x128xf32>, vector<1x128xf32>, vector<1x128xf32>, vector<1x128xf32>, vector<1x128xf32>, vector<1x128xf32>, vector<1x128xf32>, vector<1x128xf32>, vector<1x128xf32>, vector<1x128xf32>, vector<1x128xf32>, vector<1x128xf32>, vector<1x128xf32>, vector<1x128xf32>, vector<1x128xf32>, vector<1x128xf32>, vector<1x128xf32>, vector<1x128xf32>, vector<1x128xf32>, vector<1x128xf32>, vector<1x128xf32>, vector<1x128xf32>, vector<1x128xf32>, vector<1x128xf32>, vector<1x128xf32>, vector<1x128xf32>, vector<1x128xf32>, vector<1x128xf32>, vector<1x128xf32>, vector<1x128xf32>, vector<1x128xf32>, vector<1x128xf32>, vector<1x128xf32>, vector<1x128xf32>, vector<1x128xf32>, vector<1x128xf32>, vector<1x128xf32>, vector<1x128xf32>, vector<1x128xf32>, vector<1x128xf32>, vector<1x128xf32>, vector<1x128xf32>, vector<1x128xf32>, vector<1x128xf32>, vector<1x128xf32>, vector<1x128xf32>, vector<1x128xf32>, vector<1x128xf32>, vector<1x128xf32> -> vector<80x128xf32>
    %get3A_1298 = arith.constant 0 : index
    %get3A_1299 = memref.load %arg4[%get3A_1298] : memref<1xf32, #tpu.memory_space<smem>>
    %add3A_1300 = vector.broadcast %get3A_1299 : f32 to vector<80x128xf32>
    %add3A_1301 = arith.addf %concatenate3A_1297, %add3A_1300 : vector<80x128xf32>
    %logistic3A_1302 = arith.negf %add3A_1301 : vector<80x128xf32>
    %logistic3A_1303 = math.exp %logistic3A_1302 : vector<80x128xf32>
    %logistic3A_1304 = arith.constant 1.000000e+00 : f32
    %logistic3A_1305 = vector.broadcast %logistic3A_1304 : f32 to vector<80x128xf32>
    %logistic3A_1306 = arith.addf %logistic3A_1305, %logistic3A_1303 : vector<80x128xf32>
    %logistic3A_1307 = arith.divf %logistic3A_1305, %logistic3A_1306 : vector<80x128xf32>
    %bitcast_convert_type3A_1308 = tpu.bitcast %logistic3A_1307 : vector<80x128xf32> -> vector<80x128xi32>
    %add3A_1309 = arith.constant 32767 : i32
    %add3A_1310 = vector.broadcast %add3A_1309 : i32 to vector<80x128xi32>
    %add3A_1311 = arith.addi %bitcast_convert_type3A_1308, %add3A_1310 : vector<80x128xi32>
    %shift_right_arithmetic3A_1312 = arith.constant 16 : i32
    %shift_right_arithmetic3A_1313 = vector.broadcast %shift_right_arithmetic3A_1312 : i32 to vector<80x128xi32>
    %shift_right_arithmetic3A_1314 = arith.shrsi %bitcast_convert_type3A_1308, %shift_right_arithmetic3A_1313 : vector<80x128xi32>
    %and3A_1315 = arith.constant 1 : i32
    %and3A_1316 = vector.broadcast %and3A_1315 : i32 to vector<80x128xi32>
    %and3A_1317 = arith.andi %shift_right_arithmetic3A_1314, %and3A_1316 : vector<80x128xi32>
    %add3A_1318 = arith.addi %add3A_1311, %and3A_1317 : vector<80x128xi32>
    %shift_right_arithmetic3A_1319 = arith.constant 16 : i32
    %shift_right_arithmetic3A_1320 = vector.broadcast %shift_right_arithmetic3A_1319 : i32 to vector<80x128xi32>
    %shift_right_arithmetic3A_1321 = arith.shrsi %add3A_1318, %shift_right_arithmetic3A_1320 : vector<80x128xi32>
    %shift_left3A = arith.constant 16 : i32
    %shift_left3A_1322 = vector.broadcast %shift_left3A : i32 to vector<80x128xi32>
    %shift_left3A_1323 = arith.shli %shift_right_arithmetic3A_1321, %shift_left3A_1322 : vector<80x128xi32>
    %or3A = arith.ori %shift_right_arithmetic3A_656, %shift_left3A_1323 : vector<80x128xi32>
    %reshape3A = vector.shape_cast %or3A : vector<80x128xi32> to vector<10240xi32>
    %swap3A = arith.constant 0 : index
    %swap3A_1324 = vector.load %arg5[%swap3A] : memref<10240xi32, #tpu.memory_space<vmem>>, vector<10240xi32>
    tpu.vector_store %arg5[%swap3A], %reshape3A {strides = array<i32>} : memref<10240xi32, #tpu.memory_space<vmem>>, vector<10240xi32>,
    return
  }
  func.func @transform_0(%arg0: i32) -> (i32, i32) {
    %c0_i32 = arith.constant 0 : i32
    %c0_i32_0 = arith.constant 0 : i32
    return %arg0, %c0_i32 : i32, i32
  }
  func.func @transform_1(%arg0: i32) -> (i32, i32) {
    %add3A = arith.constant 5 : i32
    %add3A_0 = arith.addi %arg0, %add3A : i32
    %c0_i32 = arith.constant 0 : i32
    %c0_i32_1 = arith.constant 0 : i32
    return %add3A_0, %c0_i32 : i32, i32
  }
  func.func @transform_2(%arg0: i32) -> (i32, i32) {
    %c0_i32 = arith.constant 0 : i32
    %c0_i32_0 = arith.constant 0 : i32
    %c0_i32_1 = arith.constant 0 : i32
    return %c0_i32, %c0_i32_0 : i32, i32
  }
  func.func @transform_3(%arg0: i32) -> i32 {
    %c0_i32 = arith.constant 0 : i32
    %c0_i32_0 = arith.constant 0 : i32
    return %c0_i32 : i32
  }
  func.func @transform_4(%arg0: i32) -> i32 {
    %c0_i32 = arith.constant 0 : i32
    return %arg0 : i32
  }
}

</mosaic_0001>

<sc_bundles>
// kernel: kernel.4.cloned.1.call-start
scs
__scs_entry_jumppad:
0x0: {  	(pc) =	sbr.rel $0x88, $3  }
0x1: {  	(tag) =	ssettag $0x0;
	lr =	simm.s32 $0x1  }
0x2: {  	[smem:$0x3F9D] =	sst lr;
	_ =	strace $0xD0000000  }
0x3: {  	_ = 	snop  }
0x4: {  	_ = 	snop  }
0x5: {  	_ = 	snop  }
0x6: {  	_ = 	snop  }
0x7: {  	_ = 	snop  }
__scs_overlays_trampoline_lowered:
0x8: {  	[smem:$0x3FAC] =	sst s0  }
0x9: {  	[smem:$0x3FAD] =	sst s1  }
0xa: {  	[smem:$0x3FAE] =	sst s2  }
0xb: {  	[smem:$0x3FAF] =	sst s3  }
0xc: {  	[smem:$0x3FB0] =	sst s4  }
0xd: {  	[smem:$0x3FB1] =	sst s5  }
0xe: {  	[smem:$0x3FB2] =	sst s6  }
0xf: {  	[smem:$0x3FB3] =	sst s7  }
0x10: {  	[smem:$0x3FB4] =	sst s8  }
0x11: {  	[smem:$0x3FB5] =	sst s9;
	s0 =	simm.s32 @!p0 $0x0  }
0x12: {  	s1 =	sld [smem:$0x3F9B];
	s0 =	simm.s32 @p0 $0x1  }
0x13: {  	[smem:$0x3FB6] =	sst s0;
	s0 =	simm.s32 @!p1 $0x0  }
0x14: {  	s2 =	sld [smem:$0x3F9A];
	s0 =	simm.s32 @p1 $0x1  }
0x15: {  	[smem:$0x3FB7] =	sst s0;
	s0 =	simm.s32 @!p2 $0x0  }
0x16: {  	s3 =	sld [smem:$0x3FDB];
	s0 =	simm.s32 @p2 $0x1  }
0x17: {  	s4 =	simm.s32 $0x1BF5;
	[smem:$0x3FB9] =	sst s0  }
0x18: {  	s0 =	sld [smem:$0x3F9C];
	_ =	swait.ge [sflag:s4], $0x0  }
0x19: {  	s7 =	sld [smem:$0x3F9D]  }
0x1a: {  	s8 =	sadd.s32 $0xFFFFE003, lr  }
0x1b: {  	s9 =	sadd.s32 $0xFFFFFEF7, lr;
	s5 =	simm.s32 $0xFFFFFFFF;
	p2 =	slt.u32 s8, $0xFFFFF086  }
0x1c: {  	p1 =	slt.u32 s9, $0xF7A;
	s5 =	simm.s32 @!p2 $0x0  }
0x1d: {  	s5 =	simm.s32 @p1 $0x1;
	p0 =	seq.s32 s7, s2  }
0x1e: {  	s7 =	smul.u32 @!p0 $0xF7A, s2;
	p2 =	seq.s32 @!p0 s5, $0x0  }
0x1f: {  	s9 =	smul.u32 $0xF7A, s1;
	s8 =	simm.s32 @!p0 $0x1BF5;
	p2 =	por !p2, p0  }
0x20: {  	[sflag:s8] =	ssyncset.s32 @!p0 $0xFFFFF086;
	s6 =	sadd.s32 @!p0 s3, s7;
	s7 =	simm.s32 @!p0 $0x108  }
0x21: {  	s3 =	sadd.s32 s3, s9;
	s6 =	sadd.s32 @!p0 $0x88, s6;
	s7 =	simm.s32 @p2 $0x1082  }
0x22: {  	[simem:s7], [sflag:s8] =	dma.local @!p0 [hbm:s6], $0xF7A  }
0x23: {  	s9 =	sor.u32 $0xD0000000, s2;
	s6 =	simm.s32 $0x108;
	_ =	swait.ge @!p0 [sflag:s8], $0x0  }
0x24: {  	s3 =	sadd.s32 $0x88, s3;
	s6 =	simm.s32 @!p1 $0x1082;
	[sflag:s4] =	ssyncset.s32 $0xFFFFF086  }
0x25: {  	[simem:s6], [sflag:s4] =	dma.local [hbm:s3], $0xF7A  }
0x26: {  	[smem:$0x3F9D] =	sst s1;
	(tag) =	ssettag s2;
	_ =	strace s9  }
0x27: {  	s1 =	sld [smem:$0x3FAD]  }
0x28: {  	s2 =	sld [smem:$0x3FAE]  }
0x29: {  	s4 =	sld [smem:$0x3FB0]  }
0x2a: {  	p0 =	seq.s32 s5, $0x0;
	s5 =	sld [smem:$0x3FB1]  }
0x2b: {  	s6 =	sld [smem:$0x3FB2]  }
0x2c: {  	s7 =	sld [smem:$0x3FB3]  }
0x2d: {  	s3 =	simm.s32 $0x108;
	s8 =	sld [smem:$0x3FB4]  }
0x2e: {  	s3 =	simm.s32 @!p0 $0x1082;
	s9 =	sld [smem:$0x3FB5]  }
0x2f: {  	lr =	sadd.s32 s0, s3;
	s0 =	sld [smem:$0x3FAC]  }
0x30: {  	s3 =	sld [smem:$0x3FAF]  }
0x31: {  	[smem:$0x3FB8] =	sst s10  }
0x32: {  	s10 =	sld [smem:$0x3FB6];
	_ =	sdelay $0x3  }
0x33: {  	p0 =	seq.s32 s10, $0x1;
	s10 =	sld [smem:$0x3FB8];
	_ =	sdelay $0x3  }
0x34: {  	[smem:$0x3FB8] =	sst s10  }
0x35: {  	s10 =	sld [smem:$0x3FB7];
	_ =	sdelay $0x3  }
0x36: {  	p1 =	seq.s32 s10, $0x1;
	s10 =	sld [smem:$0x3FB8];
	_ =	sdelay $0x3  }
0x37: {  	[smem:$0x3FB8] =	sst s10  }
0x38: {  	s10 =	sld [smem:$0x3FB9]  }
0x39: {  	_ = 	snop;
	(pc) =	sbr.ind lr, $3  }
0x3a: {  	_ = 	snop  }
0x3b: {  	_ = 	snop  }
0x3c: {  	p2 =	seq.s32 s10, $0x1;
	s10 =	sld [smem:$0x3FB8]  }
0x3d: {  	_ =	shalt  }
0x3e: {  	_ =	shalt  }
0x3f: {  	_ =	shalt  }
0x40: {  	_ =	shalt  }
0x41: {  	_ =	shalt  }
0x42: {  	_ =	shalt  }
0x43: {  	_ =	shalt  }
0x44: {  	_ =	shalt  }
0x45: {  	_ =	shalt  }
0x46: {  	_ =	shalt  }
0x47: {  	_ =	shalt  }
0x48: {  	_ =	shalt  }
0x49: {  	_ =	shalt  }
0x4a: {  	_ =	shalt  }
0x4b: {  	_ =	shalt  }
0x4c: {  	_ =	shalt  }
0x4d: {  	_ =	shalt  }
0x4e: {  	_ =	shalt  }
0x4f: {  	_ =	shalt  }
0x50: {  	_ =	shalt  }
0x51: {  	_ =	shalt  }
0x52: {  	_ =	shalt  }
0x53: {  	_ =	shalt  }
0x54: {  	_ =	shalt  }
0x55: {  	_ =	shalt  }
0x56: {  	_ =	shalt  }
0x57: {  	_ =	shalt  }
0x58: {  	_ =	shalt  }
0x59: {  	_ =	shalt  }
0x5a: {  	_ =	shalt  }
0x5b: {  	_ =	shalt  }
0x5c: {  	_ =	shalt  }
0x5d: {  	_ =	shalt  }
0x5e: {  	_ =	shalt  }
0x5f: {  	_ =	shalt  }
0x60: {  	_ =	shalt  }
0x61: {  	_ =	shalt  }
0x62: {  	_ =	shalt  }
0x63: {  	_ =	shalt  }
0x64: {  	_ =	shalt  }
0x65: {  	_ =	shalt  }
0x66: {  	_ =	shalt  }
0x67: {  	_ =	shalt  }
0x68: {  	_ =	shalt  }
0x69: {  	_ =	shalt  }
0x6a: {  	_ =	shalt  }
0x6b: {  	_ =	shalt  }
0x6c: {  	_ =	shalt  }
0x6d: {  	_ =	shalt  }
0x6e: {  	_ =	shalt  }
0x6f: {  	_ =	shalt  }
0x70: {  	_ =	shalt  }
0x71: {  	_ =	shalt  }
0x72: {  	_ =	shalt  }
0x73: {  	_ =	shalt  }
0x74: {  	_ =	shalt  }
0x75: {  	_ =	shalt  }
0x76: {  	_ =	shalt  }
0x77: {  	_ =	shalt  }
0x78: {  	_ =	shalt  }
0x79: {  	_ =	shalt  }
0x7a: {  	_ =	shalt  }
0x7b: {  	_ =	shalt  }
0x7c: {  	_ =	shalt  }
0x7d: {  	_ =	shalt  }
0x7e: {  	_ =	shalt  }
0x7f: {  	_ =	shalt  }
0x80: {  	_ =	shalt  }
0x81: {  	_ =	shalt  }
0x82: {  	_ =	shalt  }
0x83: {  	_ =	shalt  }
0x84: {  	_ =	shalt  }
0x85: {  	_ =	shalt  }
0x86: {  	_ =	shalt  }
0x87: {  	_ =	shalt  }
.Lfunc_end0:
.L_simem_size_0:
called_computation_lowered:
.L_overlay_start_0:
0x88: {  	s2 =	sld [smem:$0x3FD9]  }
0x89: {  	s3 =	sld [smem:$0x3FFE];
	_ =	sdelay $0x1  }
0x8a: {  	s1 =	srdreg.scid  }
0x8b: {  	s0 =	sand.u32 $0x1, s1  }
0x8c: {  	s17 =	sshll.u32 s0, $0xA;
	s2 =	sadd.s32 s3, s2  }
0x8d: {  	s2 =	sadd.s32 s2, s17  }
0x8e: {  	[smem:$0x3FC4] =	sst s2  }
0x8f: {  	_ = 	snop  }
0x90: {  	s2 =	sld [smem:$0x3FD0];
	(tm) =	ssettm $0x1  }
0x91: {  	s18 =	sld [smem:$0x3FFB];
	_ =	sdelay $0x3  }
0x92: {  	_ =	strace s18  }
0x93: {  	s3 =	sld [smem:$0x3FFC];
	_ =	sdelay $0x3  }
0x94: {  	_ =	strace s3  }
0x95: {  	s3 =	sld [smem:$0x3FFD];
	_ =	sdelay $0x3  }
0x96: {  	_ =	strace s3  }
0x97: {  	_ =	strace $0x8FFFFFFF  }
0x98: {  	s19 =	sld [smem:$0x3FDB];
	_ =	sdelay $0x1  }
0x99: {  	s4 =	simm.s32 $_scs_section_size  }
0x9a: {  	s5 =	simm.s32 $_size__tile_overlayer_lowered;
	s6 =	simm.s32 $_tile_overlayer_lowered  }
0x9b: {  	s22 =	simm.s32 $0x1BFF;
	s21 =	sshll.u32 s6, $0x1;
	s3 =	sadd.s32 s4, s19  }
0x9c: {  	s7 =	simm.s32 $0x0;
	s20 =	sshll.u32 s5, $0x1;
	s5 =	sadd.s32 s21, s3  }
0x9d: {  	[timem:s7], [sflag:s22] =	dma.local [hbm:s5], s20  }
0x9e: {  	_ =	swait.ge [sflag:s22], s20  }
0x9f: {  	s4 =	ssub.s32 $0x0, s20;
	[sflag:s22] =	ssyncset.done $0x0  }
0xa0: {  	[sflag:s22] =	ssyncadd.s32 s4;
	_ =	sdelay $0x1  }
0xa1: {  	s23 =	simm.s32 $0x1B8B  }
0xa2: {  	_ =	swait.ge [sflag:s23], $0x1  }
0xa3: {  	[sflag:s23] =	ssyncset.done $0x0  }
0xa4: {  	s25 =	simm.s32 $0x1B8E;
	s24 =	sld [smem:$0x3FFE];
	[sflag:s23] =	ssyncadd.s32 $0xFFFFFFFF  }
0xa5: {  	s26 =	simm.s32 $execute0_lowered;
	[smem:$0x3FD2] =	sst s25  }
0xa6: {  	s5 =	sshll.u32 s26, $0x1;
	_ =	strace $0x80000046;
	[dreg:$0x1] =	wrdreg $0xFFFFFFFF  }
0xa7: {  	s28 =	simm.s32 $_size_execute0_lowered;
	s3 =	sadd.s32 s3, s5;
	[dreg:$0x0] =	wrdreg $0x0  }
0xa8: {  	s5 =	sshll.u32 s28, $0x1;
	[dreg:$0x2] =	wrdreg s3  }
0xa9: {  	[dreg:$0x3] =	wrdreg s5  }
0xaa: {  	[dreg:$0x4] =	wrdreg $0xC0  }
0xab: {  	_ =	task [dreg:s7], $0x5FFFF  }
0xac: {  	[dreg:$0x1] =	wrdreg $0xFFFFFFFF  }
0xad: {  	[dreg:$0x0] =	wrdreg $0x60  }
0xae: {  	[dreg:$0x2] =	wrdreg s24  }
0xaf: {  	[dreg:$0x3] =	wrdreg s2  }
0xb0: {  	[dreg:$0x4] =	wrdreg $0x9  }
0xb1: {  	_ =	task.clear_ibuf [dreg:s7], $0x5FFFF;
	_ =	strace $0x90000046  }
0xb2: {  	s29 =	simm.s32 $0x9;
	_ =	strace $0x80000048  }
0xb3: {  	_ =	swait.ge [sflag:s29], $0x1  }
0xb4: {  	[sflag:s29] =	ssyncadd.s32 $0xFFFFFFFF  }
0xb5: {  	_ =	strace $0x90000048  }
0xb6: {  	_ =	sfence  }
0xb7: {  	s30 =	sld [smem:$0x0];
	_ =	sdelay $0x2  }
0xb8: {  	s31 =	sshll.u32 s1, $0xD;
	s1 =	sshrl.u32 s1, $0x2  }
0xb9: {  	s3 =	sand.u32 $0x4000, s31;
	s1 =	sadd.s32 s1, s30  }
0xba: {  	s0 =	sor.u32 s3, s0;
	s1 =	sshll.u32 s1, $0x11  }
0xbb: {  	s0 =	sor.u32 s1, s0  }
0xbc: {  	s0 =	sadd.s32 $0x8F2B, s0  }
0xbd: {  	[sflag:s0] =	ssyncadd.remote.s32 $0x1  }
0xbe: {  	_ =	sfence.sel $0xFFFF  }
0xbf: {  	[dreg:$0x0] =	wrdreg $0xFFFFFFFF;
	(pc) =	sbr.abs _section_cstart, $3  }
0xc0: {  	[dreg:$0x1] =	wrdreg $0xFFFFFFFF  }
0xc1: {  	_ =	task.clear_ibuf [dreg:s7], $0x2FFFF;
	_ =	strace $0x9FFFFFFF  }
0xc2: {  	(tm) =	ssettm $0x7FFFFFFF  }
0xc3: {  	_ =	shalt  }
tec
execute0_lowered:
.L_overlay_start_1:
0x0: {  	(tag) =	ssettag $0x1  }
0x1: {  	s4 =	rddreg [dreg:$0x0];
	s1 =	srdreg.scid  }
0x2: {  	s0 =	stileid.u32;
	s9 =	rddreg [dreg:$0x1]  }
0x3: {  	s2 =	simm.s32 $0x0;
	s15 =	simm.s32 $0x2;
	s16 =	simm.s32 $0x1  }
0x4: {  	s17 =	simm.s32 $0xFA00;
	s18 =	simm.s32 $0x3;
	s19 =	simm.s32 $0x11300  }
0x5: {  	s20 =	simm.s32 $0x4;
	s3 =	sand.u32 $0x1, s1;
	s5 =	sshll.u32 s0, $0x1  }
0x6: {  	s21 =	simm.s32 $0x5;
	s22 =	simm.s32 $0x0;
	s5 =	sor.u32 s3, s5  }
0x7: {  	s1 =	rddreg [dreg:$0x2];
	s6 =	ssub.s32 $0x2, s3;
	s5 =	smul.u32 $0x6400, s5  }
0x8: {  	[smem:$0x7FF] =	sst s2;
	s11 =	sadd.s32 $0x2200, s4;
	s7 =	sshrl.u32 s6, $0x1  }
0x9: {  	_ =	strace $0x80000047;
	s12 =	ssub.s32 s6, s7;
	s8 =	sshrl.u32 s5, $0x3  }
0xa: {  	s3 =	sadd.s32 $0x800, s4;
	s12 =	smax.u32 s12, $0x1;
	s10 =	sadd.s32 $0x320, s8  }
0xb: {  	s4 =	sadd.s32 s9, s8;
	s13 =	sadd.s32 $0x640, s8;
	s6 =	sadd.s32 s11, s8  }
0xc: {  	s14 =	sadd.s32 $0x960, s8;
	s5 =	sadd.s32 s9, s10;
	s7 =	sadd.s32 s9, s13  }
0xd: {  	s8 =	sadd.s32 s11, s10;
	s9 =	sadd.s32 s9, s14;
	s10 =	sadd.s32 s11, s13  }
0xe: {  	v0 =	vimm.s32 $0x0;
	s11 =	sadd.s32 s11, s14;
	s13 =	simm.s32 $0xC800;
	s14 =	simm.s32 $0xE100  }
.LBB2_1:
0xf: {  	[tilespmem:s2], [sflag:$0x1] =	stream.linear.gather [hbm4b:s3+s2], $0xC800, $0x38;
	[tilespmem:$0x12C00] =	vst v63  }
0x10: {  	_ = 	snop  }
0x11: {  	[tilespmem:s13], [sflag:$0x2] =	stream.linear.gather [hbm4b:s4+s2], $0x1900, $0x38;
	[tilespmem:$0x12C00] =	vst v63  }
0x12: {  	_ = 	snop  }
0x13: {  	[tilespmem:s14], [sflag:$0x3] =	stream.linear.gather [hbm4b:s5+s2], $0x1900, $0x38;
	[tilespmem:$0x12C00] =	vst v63  }
0x14: {  	_ =	swait.ge [sflag:s15], $0x1900  }
0x15: {  	[sflag:s15] =	ssyncset.done $0x0  }
0x16: {  	[sflag:s15] =	ssyncadd.s32 $0xFFFFE700  }
0x17: {  	_ =	swait.ge [sflag:s16], $0xC800  }
0x18: {  	[sflag:s16] =	ssyncset.done $0x0  }
0x19: {  	s23 =	simm.s32 $0xC880;
	[sflag:s16] =	ssyncadd.s32 $0xFFFF3800  }
0x1a: {  	v1 =	vld [tilespmem:s23+$0x70]  }
0x1b: {  	v2 =	vld [tilespmem:s23+$0xFFFFFF90]  }
0x1c: {  	v3 =	vld [tilespmem:s23+$0xFFFFFFA0]  }
0x1d: {  	v4 =	vld [tilespmem:s23+$0xFFFFFFB0]  }
0x1e: {  	v5 =	vld [tilespmem:s23+$0xFFFFFFC0]  }
0x1f: {  	v6 =	vld [tilespmem:s23+$0xFFFFFFD0]  }
0x20: {  	v7 =	vld [tilespmem:s23+$0xFFFFFFE0];
	_ =	sdelay $0x1  }
0x21: {  	v10 =	vld [tilespmem:s23+$0xFFFFFFF0]  }
0x22: {  	v11 =	vld [tilespmem:s23+$0x10];
	vm8 =	vgt.s32 v1, $0xC7FF;
	vm0 =	vgt.s32 v2, $0xC7FF;
	vm1 =	vgt.s32 v3, $0xC7FF  }
0x23: {  	v12 =	vld [tilespmem:s23+$0x20];
	vm2 =	vgt.s32 v4, $0xC7FF;
	vm3 =	vgt.s32 v5, $0xC7FF;
	vm4 =	vgt.s32 v6, $0xC7FF  }
0x24: {  	v13 =	vld [tilespmem:s23+$0x30];
	vm5 =	vgt.s32 v7, $0xC7FF;
	v8 =	vsel vm8, $0xFFFF3800, v0;
	v9 =	vsel vm0, $0xFFFF3800, v0  }
0x25: {  	v1 =	vadd.s32 v1, v8;
	v2 =	vadd.s32 v2, v9;
	v8 =	vsel vm1, $0xFFFF3800, v0;
	v9 =	vld [tilespmem:s23+$0x0]  }
0x26: {  	v15 =	vld [tilespmem:s23+$0x50];
	vm6 =	vgt.s32 v10, $0xC7FF;
	v3 =	vadd.s32 v3, v8;
	v8 =	vsel vm2, $0xFFFF3800, v0  }
0x27: {  	v16 =	vld [tilespmem:s23+$0x60];
	vm9 =	vgt.s32 v11, $0xC7FF;
	v4 =	vadd.s32 v4, v8;
	v8 =	vsel vm3, $0xFFFF3800, v0  }
0x28: {  	v17 =	vld [tilespmem:s23+$0xFFFFFF80];
	vm10 =	vgt.s32 v12, $0xC7FF;
	v5 =	vadd.s32 v5, v8;
	v8 =	vsel vm4, $0xFFFF3800, v0  }
0x29: {  	vm11 =	vgt.s32 v13, $0xC7FF;
	v6 =	vadd.s32 v6, v8;
	v8 =	vsel vm5, $0xFFFF3800, v0  }
0x2a: {  	v14 =	vld [tilespmem:s23+$0x40];
	v7 =	vadd.s32 v7, v8;
	v8 =	vsel vm6, $0xFFFF3800, v0;
	vm7 =	vgt.s32 v9, $0xC7FF  }
0x2b: {  	vm12 =	vgt.s32 v15, $0xC7FF;
	v1 =	vld.idx.msk [tilespmem:v1+s2+$0x0], $0xffff;
	v8 =	vadd.s32 v10, v8;
	v10 =	vsel vm7, $0xFFFF3800, v0  }
0x2c: {  	vm13 =	vgt.s32 v16, $0xC7FF;
	v9 =	vadd.s32 v9, v10;
	v10 =	vsel vm9, $0xFFFF3800, v0  }
0x2d: {  	vm14 =	vgt.s32 v17, $0xC7FF;
	v2 =	vld.idx.msk [tilespmem:v2+s2+$0x0], $0xffff;
	v10 =	vadd.s32 v11, v10;
	v11 =	vsel vm10, $0xFFFF3800, v0  }
0x2e: {  	v18 =	vsel vm8, $0x10, v0;
	v19 =	vld.idx.msk [tilespmem:v3+s2+$0x0], $0xffff;
	v11 =	vadd.s32 v12, v11;
	v12 =	vsel vm11, $0xFFFF3800, v0  }
0x2f: {  	vm8 =	vgt.s32 v14, $0xC7FF;
	v25 =	vsel vm2, $0x10, v0;
	v3 =	vadd.s32 v13, v12;
	v13 =	vld.idx.msk [tilespmem:v4+s2+$0x0], $0xffff  }
0x30: {  	v26 =	vsel vm3, $0x10, v0;
	v1 =	vshrl.u32 v1, v18;
	v4 =	vsel vm8, $0xFFFF3800, v0;
	v18 =	vld.idx.msk [tilespmem:v5+s2+$0x0], $0xffff  }
0x31: {  	v27 =	vsel vm4, $0x10, v0;
	v29 =	vsel vm6, $0x10, v0;
	v21 =	vadd.s32 v14, v4;
	v14 =	vld.idx.msk [tilespmem:v6+s2+$0x0], $0xffff  }
0x32: {  	v20 =	vshll.u32 v1, $0x10;
	v1 =	vsel vm12, $0xFFFF3800, v0;
	v4 =	vsel vm14, $0xFFFF3800, v0;
	v24 =	vld.idx.msk [tilespmem:v8+s2+$0x0], $0xffff  }
0x33: {  	v32 =	vsel vm9, $0x10, v0;
	v22 =	vadd.s32 v15, v1;
	v15 =	vld.idx.msk [tilespmem:v7+s2+$0x0], $0xffff;
	v12 =	vadd.s32 v17, v4  }
0x34: {  	v30 =	vsel vm7, $0x10, v0;
	v5 =	vsel vm11, $0x10, v0;
	v8 =	vsel vm10, $0x10, v0;
	v28 =	vld.idx.msk [tilespmem:v9+s2+$0x0], $0xffff  }
0x35: {  	v1 =	vsel vm13, $0xFFFF3800, v0;
	v17 =	vsel vm1, $0x10, v0;
	v9 =	vsel vm5, $0x10, v0;
	v31 =	vld.idx.msk [tilespmem:v10+s2+$0x0], $0xffff  }
0x36: {  	v4 =	vsel vm8, $0x10, v0;
	v23 =	vadd.s32 v16, v1;
	v16 =	vsel vm0, $0x10, v0;
	v7 =	vld.idx.msk [tilespmem:v11+s2+$0x0], $0xffff  }
0x37: {  	v1 =	vsel vm14, $0x10, v0;
	v10 =	vshrl.u32 v2, v16;
	v2 =	vsel vm13, $0x10, v0;
	v6 =	vld.idx.msk [tilespmem:v3+s2+$0x0], $0xffff  }
0x38: {  	s23 =	simm.s32 $0xFA80;
	v11 =	vshrl.u32 v19, v17;
	v3 =	vsel vm12, $0x10, v0;
	v16 =	vshrl.u32 v13, v25;
	v12 =	vld.idx.msk [tilespmem:v12+s2+$0x0], $0xffff  }
0x39: {  	[tilespmem:s23+$0x70] =	vst v20;
	v19 =	vshll.u32 v10, $0x10;
	v17 =	vshrl.u32 v14, v27;
	v14 =	vshrl.u32 v15, v9;
	v9 =	vld.idx.msk [tilespmem:v21+s2+$0x0], $0xffff  }
0x3a: {  	v18 =	vshrl.u32 v18, v26;
	v20 =	vshll.u32 v11, $0x10;
	[tilespmem:s23+$0xFFFFFF90] =	vst v19;
	v19 =	vshll.u32 v16, $0x10;
	v10 =	vld.idx.msk [tilespmem:v22+s2+$0x0], $0xffff  }
0x3b: {  	s24 =	simm.s32 $0x0;
	s25 =	simm.s32 $0xC980;
	v15 =	vshrl.u32 v24, v29;
	v13 =	vshrl.u32 v28, v30;
	v16 =	vshrl.u32 v31, v32;
	v11 =	vld.idx.msk [tilespmem:v23+s2+$0x0], $0xffff  }
.LBB2_2:
0x3c: {  	v21 =	vld [tilespmem:s25+$0x70];
	s24 =	sadd.s32 $0x100, s24;
	[tilespmem:s23+$0xFFFFFFA0] =	vst v20;
	v18 =	vshll.u32 v18, $0x10;
	v17 =	vshll.u32 v17, $0x10;
	v7 =	vshrl.u32 v7, v8  }
0x3d: {  	v14 =	vshll.u32 v14, $0x10;
	v15 =	vshll.u32 v15, $0x10;
	v5 =	vshrl.u32 v6, v5;
	v8 =	vld [tilespmem:s25+$0xFFFFFF90];
	p0 =	slt.u32 s24, $0x1800;
	[tilespmem:s23+$0xFFFFFFB0] =	vst v19  }
0x3e: {  	v1 =	vshrl.u32 v12, v1;
	v12 =	vshll.u32 v13, $0x10;
	v13 =	vshll.u32 v16, $0x10;
	v6 =	vld [tilespmem:s25+$0xFFFFFFA0];
	[tilespmem:s23+$0xFFFFFFC0] =	vst v18  }
0x3f: {  	v7 =	vshll.u32 v7, $0x10;
	v1 =	vshll.u32 v1, $0x10;
	v4 =	vshrl.u32 v9, v4;
	v16 =	vld [tilespmem:s25+$0xFFFFFFB0];
	[tilespmem:s23+$0xFFFFFFD0] =	vst v17  }
0x40: {  	v4 =	vshll.u32 v4, $0x10;
	v3 =	vshrl.u32 v10, v3;
	v9 =	vld [tilespmem:s25+$0xFFFFFFC0];
	[tilespmem:s23+$0xFFFFFF80] =	vst v1;
	v1 =	vshll.u32 v5, $0x10  }
0x41: {  	v3 =	vshll.u32 v3, $0x10;
	v2 =	vshrl.u32 v11, v2;
	v5 =	vld [tilespmem:s25+$0xFFFFFFD0];
	vm6 =	vgt.s32 v21, $0xC7FF;
	[tilespmem:s23+$0xFFFFFFE0] =	vst v14  }
0x42: {  	v2 =	vshll.u32 v2, $0x10;
	vm0 =	vgt.s32 v8, $0xC7FF;
	v10 =	vld [tilespmem:s25+$0xFFFFFFE0];
	v11 =	vsel vm6, $0xFFFF3800, v0;
	[tilespmem:s23+$0xFFFFFFF0] =	vst v15  }
0x43: {  	v14 =	vsel vm0, $0xFFFF3800, v0;
	vm1 =	vgt.s32 v6, $0xC7FF;
	v15 =	vld [tilespmem:s25+$0xFFFFFFF0];
	v11 =	vadd.s32 v21, v11;
	[tilespmem:s23+$0x0] =	vst v12  }
0x44: {  	v8 =	vadd.s32 v8, v14;
	v12 =	vsel vm1, $0xFFFF3800, v0;
	vm2 =	vgt.s32 v16, $0xC7FF;
	v14 =	vld [tilespmem:s25+$0x0];
	[tilespmem:s23+$0x10] =	vst v13  }
0x45: {  	v6 =	vadd.s32 v6, v12;
	v12 =	vsel vm2, $0xFFFF3800, v0;
	vm3 =	vgt.s32 v9, $0xC7FF;
	v13 =	vld [tilespmem:s25+$0x10];
	[tilespmem:s23+$0x20] =	vst v7  }
0x46: {  	v7 =	vadd.s32 v16, v12;
	v12 =	vsel vm3, $0xFFFF3800, v0;
	vm4 =	vgt.s32 v5, $0xC7FF;
	v16 =	vld [tilespmem:s25+$0x20];
	[tilespmem:s23+$0x30] =	vst v1  }
0x47: {  	v1 =	vadd.s32 v9, v12;
	v9 =	vsel vm4, $0xFFFF3800, v0;
	vm5 =	vgt.s32 v10, $0xC7FF;
	v12 =	vld [tilespmem:s25+$0x30];
	[tilespmem:s23+$0x40] =	vst v4  }
0x48: {  	v4 =	vadd.s32 v5, v9;
	v5 =	vsel vm5, $0xFFFF3800, v0;
	vm7 =	vgt.s32 v15, $0xC7FF;
	v9 =	vld.idx.msk [tilespmem:v11+s2+$0x0], $0xffff;
	[tilespmem:s23+$0x50] =	vst v3  }
0x49: {  	v3 =	vadd.s32 v10, v5;
	v5 =	vsel vm7, $0xFFFF3800, v0;
	vm8 =	vgt.s32 v14, $0xC7FF;
	v10 =	vld [tilespmem:s25+$0x40];
	[tilespmem:s23+$0x60] =	vst v2  }
0x4a: {  	v2 =	vadd.s32 v15, v5;
	v5 =	vsel vm8, $0xFFFF3800, v0;
	vm9 =	vgt.s32 v13, $0xC7FF;
	v11 =	vld [tilespmem:s25+$0x50]  }
0x4b: {  	v5 =	vadd.s32 v14, v5;
	v14 =	vsel vm9, $0xFFFF3800, v0;
	vm10 =	vgt.s32 v16, $0xC7FF;
	v15 =	vld [tilespmem:s25+$0x60]  }
0x4c: {  	v17 =	vld [tilespmem:s25+$0xFFFFFF80];
	v13 =	vadd.s32 v13, v14;
	v14 =	vsel vm10, $0xFFFF3800, v0;
	vm11 =	vgt.s32 v12, $0xC7FF  }
0x4d: {  	v18 =	vld.idx.msk [tilespmem:v8+s2+$0x0], $0xffff;
	v8 =	vadd.s32 v16, v14;
	v14 =	vsel vm11, $0xFFFF3800, v0;
	v16 =	vsel vm6, $0x10, v0  }
0x4e: {  	v19 =	vld.idx.msk [tilespmem:v6+s2+$0x0], $0xffff;
	v6 =	vadd.s32 v12, v14;
	vm6 =	vgt.s32 v10, $0xC7FF;
	v9 =	vshrl.u32 v9, v16  }
0x4f: {  	s23 =	sadd.s32 $0x100, s23;
	v14 =	vld.idx.msk [tilespmem:v7+s2+$0x0], $0xffff;
	v7 =	vsel vm6, $0xFFFF3800, v0;
	vm12 =	vgt.s32 v11, $0xC7FF;
	v9 =	vshll.u32 v9, $0x10  }
0x50: {  	v16 =	vld.idx.msk [tilespmem:v1+s2+$0x0], $0xffff;
	v10 =	vadd.s32 v10, v7;
	v1 =	vsel vm12, $0xFFFF3800, v0;
	vm13 =	vgt.s32 v15, $0xC7FF;
	[tilespmem:s23+$0x70] =	vst v9  }
0x51: {  	vm14 =	vgt.s32 v17, $0xC7FF;
	v9 =	vld.idx.msk [tilespmem:v4+s2+$0x0], $0xffff;
	v11 =	vadd.s32 v11, v1;
	v4 =	vsel vm13, $0xFFFF3800, v0  }
0x52: {  	v7 =	vsel vm14, $0xFFFF3800, v0;
	v1 =	vsel vm14, $0x10, v0;
	v20 =	vld.idx.msk [tilespmem:v3+s2+$0x0], $0xffff;
	v21 =	vadd.s32 v15, v4  }
0x53: {  	v15 =	vsel vm0, $0x10, v0;
	v12 =	vadd.s32 v17, v7;
	v17 =	vsel vm1, $0x10, v0;
	v22 =	vld.idx.msk [tilespmem:v2+s2+$0x0], $0xffff  }
0x54: {  	v23 =	vsel vm2, $0x10, v0;
	v24 =	vsel vm3, $0x10, v0;
	v25 =	vsel vm4, $0x10, v0;
	v26 =	vld.idx.msk [tilespmem:v5+s2+$0x0], $0xffff  }
0x55: {  	v27 =	vsel vm5, $0x10, v0;
	v28 =	vsel vm7, $0x10, v0;
	v29 =	vsel vm8, $0x10, v0;
	v30 =	vld.idx.msk [tilespmem:v13+s2+$0x0], $0xffff  }
0x56: {  	v31 =	vsel vm9, $0x10, v0;
	v5 =	vsel vm11, $0x10, v0;
	v7 =	vld.idx.msk [tilespmem:v8+s2+$0x0], $0xffff;
	v8 =	vsel vm10, $0x10, v0  }
.Ltmp0:
0x57: {  	v4 =	vsel vm6, $0x10, v0;
	v3 =	vsel vm12, $0x10, v0;
	v2 =	vsel vm13, $0x10, v0;
	v6 =	vld.idx.msk [tilespmem:v6+s2+$0x0], $0xffff;
	(pc) =	sbr.rel @p0 .LBB2_2-.Ltmp0, $4  }
0x58: {  	v19 =	vshrl.u32 v19, v17;
	v23 =	vshrl.u32 v14, v23;
	v13 =	vshrl.u32 v18, v15;
	v12 =	vld.idx.msk [tilespmem:v12+s2+$0x0], $0xffff  }
0x59: {  	v18 =	vshrl.u32 v16, v24;
	v17 =	vshrl.u32 v9, v25;
	v14 =	vshrl.u32 v20, v27;
	v9 =	vld.idx.msk [tilespmem:v10+s2+$0x0], $0xffff  }
0x5a: {  	v16 =	vshll.u32 v13, $0x10;
	v15 =	vshrl.u32 v22, v28;
	v13 =	vshrl.u32 v26, v29;
	v10 =	vld.idx.msk [tilespmem:v11+s2+$0x0], $0xffff  }
0x5b: {  	s25 =	sadd.s32 $0x100, s25;
	v20 =	vshll.u32 v19, $0x10;
	v19 =	vshll.u32 v23, $0x10;
	[tilespmem:s23+$0xFFFFFF90] =	vst v16;
	v16 =	vshrl.u32 v30, v31;
	v11 =	vld.idx.msk [tilespmem:v21+s2+$0x0], $0xffff  }
0x5c: {  	[tilespmem:s23+$0xFFFFFFA0] =	vst v20  }
0x5d: {  	v18 =	vshll.u32 v18, $0x10;
	[tilespmem:s23+$0xFFFFFFB0] =	vst v19  }
0x5e: {  	v17 =	vshll.u32 v17, $0x10;
	[tilespmem:s23+$0xFFFFFFC0] =	vst v18  }
0x5f: {  	v5 =	vshrl.u32 v6, v5;
	v1 =	vshrl.u32 v12, v1;
	[tilespmem:s23+$0xFFFFFFD0] =	vst v17;
	v12 =	vshll.u32 v14, $0x10  }
0x60: {  	v5 =	vshll.u32 v5, $0x10;
	[tilespmem:s23+$0xFFFFFFE0] =	vst v12  }
0x61: {  	v1 =	vshll.u32 v1, $0x10;
	[tilespmem:s23+$0x30] =	vst v5  }
0x62: {  	v12 =	vshll.u32 v13, $0x10;
	[tilespmem:s23+$0xFFFFFF80] =	vst v1  }
0x63: {  	v1 =	vshll.u32 v15, $0x10;
	[tilespmem:s23+$0x0] =	vst v12  }
0x64: {  	v3 =	vshrl.u32 v10, v3;
	[tilespmem:s23+$0xFFFFFFF0] =	vst v1;
	v1 =	vshrl.u32 v7, v8;
	v7 =	vshll.u32 v16, $0x10  }
0x65: {  	v3 =	vshll.u32 v3, $0x10;
	[tilespmem:s23+$0x10] =	vst v7  }
0x66: {  	v4 =	vshrl.u32 v9, v4;
	v1 =	vshll.u32 v1, $0x10;
	[tilespmem:s23+$0x50] =	vst v3  }
0x67: {  	v2 =	vshrl.u32 v11, v2;
	[tilespmem:s23+$0x20] =	vst v1;
	v1 =	vshll.u32 v4, $0x10  }
0x68: {  	[tilespmem:s23+$0x40] =	vst v1;
	v1 =	vshll.u32 v2, $0x10  }
0x69: {  	[tilespmem:s23+$0x60] =	vst v1  }
0x6a: {  	[hbm4b:s6+s2] =	stream.linear.scatter [tilespmem:s17], [sflag:$0x4], $0x1900, $0x38;
	[tilespmem:$0x12C00] =	vst v63  }
0x6b: {  	_ = 	snop  }
0x6c: {  	[tilespmem:s13], [sflag:$0x2] =	stream.linear.gather [hbm4b:s7+s2], $0x1900, $0x38;
	[tilespmem:$0x12C00] =	vst v63  }
0x6d: {  	_ =	swait.ge [sflag:s18], $0x1900  }
0x6e: {  	[sflag:s18] =	ssyncset.done $0x0  }
0x6f: {  	s31 =	simm.s32 $0xE180;
	[sflag:s18] =	ssyncadd.s32 $0xFFFFE700  }
0x70: {  	v1 =	vld [tilespmem:s31+$0x70]  }
0x71: {  	v2 =	vld [tilespmem:s31+$0xFFFFFF90]  }
0x72: {  	v3 =	vld [tilespmem:s31+$0xFFFFFFA0]  }
0x73: {  	v4 =	vld [tilespmem:s31+$0xFFFFFFB0]  }
0x74: {  	v5 =	vld [tilespmem:s31+$0xFFFFFFC0]  }
0x75: {  	v6 =	vld [tilespmem:s31+$0xFFFFFFD0]  }
0x76: {  	v7 =	vld [tilespmem:s31+$0xFFFFFFE0];
	_ =	sdelay $0x1  }
0x77: {  	v10 =	vld [tilespmem:s31+$0xFFFFFFF0]  }
0x78: {  	v11 =	vld [tilespmem:s31+$0x10];
	vm8 =	vgt.s32 v1, $0xC7FF;
	vm0 =	vgt.s32 v2, $0xC7FF;
	vm1 =	vgt.s32 v3, $0xC7FF  }
0x79: {  	v12 =	vld [tilespmem:s31+$0x20];
	vm2 =	vgt.s32 v4, $0xC7FF;
	vm3 =	vgt.s32 v5, $0xC7FF;
	vm4 =	vgt.s32 v6, $0xC7FF  }
0x7a: {  	v13 =	vld [tilespmem:s31+$0x30];
	vm5 =	vgt.s32 v7, $0xC7FF;
	v8 =	vsel vm8, $0xFFFF3800, v0;
	v9 =	vsel vm0, $0xFFFF3800, v0  }
0x7b: {  	v1 =	vadd.s32 v1, v8;
	v2 =	vadd.s32 v2, v9;
	v8 =	vsel vm1, $0xFFFF3800, v0;
	v9 =	vld [tilespmem:s31+$0x0]  }
0x7c: {  	v15 =	vld [tilespmem:s31+$0x50];
	vm6 =	vgt.s32 v10, $0xC7FF;
	v3 =	vadd.s32 v3, v8;
	v8 =	vsel vm2, $0xFFFF3800, v0  }
0x7d: {  	v16 =	vld [tilespmem:s31+$0x60];
	vm9 =	vgt.s32 v11, $0xC7FF;
	v4 =	vadd.s32 v4, v8;
	v8 =	vsel vm3, $0xFFFF3800, v0  }
0x7e: {  	v17 =	vld [tilespmem:s31+$0xFFFFFF80];
	vm10 =	vgt.s32 v12, $0xC7FF;
	v5 =	vadd.s32 v5, v8;
	v8 =	vsel vm4, $0xFFFF3800, v0  }
0x7f: {  	vm11 =	vgt.s32 v13, $0xC7FF;
	v6 =	vadd.s32 v6, v8;
	v8 =	vsel vm5, $0xFFFF3800, v0  }
0x80: {  	v14 =	vld [tilespmem:s31+$0x40];
	v7 =	vadd.s32 v7, v8;
	v8 =	vsel vm6, $0xFFFF3800, v0;
	vm7 =	vgt.s32 v9, $0xC7FF  }
0x81: {  	vm12 =	vgt.s32 v15, $0xC7FF;
	v1 =	vld.idx.msk [tilespmem:v1+s2+$0x0], $0xffff;
	v8 =	vadd.s32 v10, v8;
	v10 =	vsel vm7, $0xFFFF3800, v0  }
0x82: {  	vm13 =	vgt.s32 v16, $0xC7FF;
	v9 =	vadd.s32 v9, v10;
	v10 =	vsel vm9, $0xFFFF3800, v0  }
0x83: {  	vm14 =	vgt.s32 v17, $0xC7FF;
	v2 =	vld.idx.msk [tilespmem:v2+s2+$0x0], $0xffff;
	v10 =	vadd.s32 v11, v10;
	v11 =	vsel vm10, $0xFFFF3800, v0  }
0x84: {  	v18 =	vsel vm8, $0x10, v0;
	v19 =	vld.idx.msk [tilespmem:v3+s2+$0x0], $0xffff;
	v11 =	vadd.s32 v12, v11;
	v12 =	vsel vm11, $0xFFFF3800, v0  }
0x85: {  	vm8 =	vgt.s32 v14, $0xC7FF;
	v25 =	vsel vm2, $0x10, v0;
	v3 =	vadd.s32 v13, v12;
	v13 =	vld.idx.msk [tilespmem:v4+s2+$0x0], $0xffff  }
0x86: {  	v26 =	vsel vm3, $0x10, v0;
	v1 =	vshrl.u32 v1, v18;
	v4 =	vsel vm8, $0xFFFF3800, v0;
	v18 =	vld.idx.msk [tilespmem:v5+s2+$0x0], $0xffff  }
0x87: {  	v27 =	vsel vm4, $0x10, v0;
	v29 =	vsel vm6, $0x10, v0;
	v21 =	vadd.s32 v14, v4;
	v14 =	vld.idx.msk [tilespmem:v6+s2+$0x0], $0xffff  }
0x88: {  	v20 =	vshll.u32 v1, $0x10;
	v1 =	vsel vm12, $0xFFFF3800, v0;
	v4 =	vsel vm14, $0xFFFF3800, v0;
	v24 =	vld.idx.msk [tilespmem:v8+s2+$0x0], $0xffff  }
0x89: {  	v32 =	vsel vm9, $0x10, v0;
	v22 =	vadd.s32 v15, v1;
	v15 =	vld.idx.msk [tilespmem:v7+s2+$0x0], $0xffff;
	v12 =	vadd.s32 v17, v4  }
0x8a: {  	v30 =	vsel vm7, $0x10, v0;
	v5 =	vsel vm11, $0x10, v0;
	v8 =	vsel vm10, $0x10, v0;
	v28 =	vld.idx.msk [tilespmem:v9+s2+$0x0], $0xffff  }
0x8b: {  	v1 =	vsel vm13, $0xFFFF3800, v0;
	v17 =	vsel vm1, $0x10, v0;
	v9 =	vsel vm5, $0x10, v0;
	v31 =	vld.idx.msk [tilespmem:v10+s2+$0x0], $0xffff  }
0x8c: {  	v4 =	vsel vm8, $0x10, v0;
	v23 =	vadd.s32 v16, v1;
	v16 =	vsel vm0, $0x10, v0;
	v7 =	vld.idx.msk [tilespmem:v11+s2+$0x0], $0xffff  }
0x8d: {  	v1 =	vsel vm14, $0x10, v0;
	v10 =	vshrl.u32 v2, v16;
	v2 =	vsel vm13, $0x10, v0;
	v6 =	vld.idx.msk [tilespmem:v3+s2+$0x0], $0xffff  }
0x8e: {  	s23 =	simm.s32 $0x11380;
	v11 =	vshrl.u32 v19, v17;
	v3 =	vsel vm12, $0x10, v0;
	v16 =	vshrl.u32 v13, v25;
	v12 =	vld.idx.msk [tilespmem:v12+s2+$0x0], $0xffff  }
0x8f: {  	[tilespmem:s23+$0x70] =	vst v20;
	v19 =	vshll.u32 v10, $0x10;
	v17 =	vshrl.u32 v14, v27;
	v14 =	vshrl.u32 v15, v9;
	v9 =	vld.idx.msk [tilespmem:v21+s2+$0x0], $0xffff  }
0x90: {  	v18 =	vshrl.u32 v18, v26;
	v20 =	vshll.u32 v11, $0x10;
	[tilespmem:s23+$0xFFFFFF90] =	vst v19;
	v19 =	vshll.u32 v16, $0x10;
	v10 =	vld.idx.msk [tilespmem:v22+s2+$0x0], $0xffff  }
0x91: {  	s24 =	simm.s32 $0x0;
	s25 =	simm.s32 $0xE280;
	v15 =	vshrl.u32 v24, v29;
	v13 =	vshrl.u32 v28, v30;
	v16 =	vshrl.u32 v31, v32;
	v11 =	vld.idx.msk [tilespmem:v23+s2+$0x0], $0xffff  }
.LBB2_4:
0x92: {  	v21 =	vld [tilespmem:s25+$0x70];
	s24 =	sadd.s32 $0x100, s24;
	[tilespmem:s23+$0xFFFFFFA0] =	vst v20;
	v18 =	vshll.u32 v18, $0x10;
	v17 =	vshll.u32 v17, $0x10;
	v7 =	vshrl.u32 v7, v8  }
0x93: {  	v14 =	vshll.u32 v14, $0x10;
	v15 =	vshll.u32 v15, $0x10;
	v5 =	vshrl.u32 v6, v5;
	v8 =	vld [tilespmem:s25+$0xFFFFFF90];
	p0 =	slt.u32 s24, $0x1800;
	[tilespmem:s23+$0xFFFFFFB0] =	vst v19  }
0x94: {  	v1 =	vshrl.u32 v12, v1;
	v12 =	vshll.u32 v13, $0x10;
	v13 =	vshll.u32 v16, $0x10;
	v6 =	vld [tilespmem:s25+$0xFFFFFFA0];
	[tilespmem:s23+$0xFFFFFFC0] =	vst v18  }
0x95: {  	v7 =	vshll.u32 v7, $0x10;
	v1 =	vshll.u32 v1, $0x10;
	v4 =	vshrl.u32 v9, v4;
	v16 =	vld [tilespmem:s25+$0xFFFFFFB0];
	[tilespmem:s23+$0xFFFFFFD0] =	vst v17  }
0x96: {  	v4 =	vshll.u32 v4, $0x10;
	v3 =	vshrl.u32 v10, v3;
	v9 =	vld [tilespmem:s25+$0xFFFFFFC0];
	[tilespmem:s23+$0xFFFFFF80] =	vst v1;
	v1 =	vshll.u32 v5, $0x10  }
0x97: {  	v3 =	vshll.u32 v3, $0x10;
	v2 =	vshrl.u32 v11, v2;
	v5 =	vld [tilespmem:s25+$0xFFFFFFD0];
	vm6 =	vgt.s32 v21, $0xC7FF;
	[tilespmem:s23+$0xFFFFFFE0] =	vst v14  }
0x98: {  	v2 =	vshll.u32 v2, $0x10;
	vm0 =	vgt.s32 v8, $0xC7FF;
	v10 =	vld [tilespmem:s25+$0xFFFFFFE0];
	v11 =	vsel vm6, $0xFFFF3800, v0;
	[tilespmem:s23+$0xFFFFFFF0] =	vst v15  }
0x99: {  	v14 =	vsel vm0, $0xFFFF3800, v0;
	vm1 =	vgt.s32 v6, $0xC7FF;
	v15 =	vld [tilespmem:s25+$0xFFFFFFF0];
	v11 =	vadd.s32 v21, v11;
	[tilespmem:s23+$0x0] =	vst v12  }
0x9a: {  	v8 =	vadd.s32 v8, v14;
	v12 =	vsel vm1, $0xFFFF3800, v0;
	vm2 =	vgt.s32 v16, $0xC7FF;
	v14 =	vld [tilespmem:s25+$0x0];
	[tilespmem:s23+$0x10] =	vst v13  }
0x9b: {  	v6 =	vadd.s32 v6, v12;
	v12 =	vsel vm2, $0xFFFF3800, v0;
	vm3 =	vgt.s32 v9, $0xC7FF;
	v13 =	vld [tilespmem:s25+$0x10];
	[tilespmem:s23+$0x20] =	vst v7  }
0x9c: {  	v7 =	vadd.s32 v16, v12;
	v12 =	vsel vm3, $0xFFFF3800, v0;
	vm4 =	vgt.s32 v5, $0xC7FF;
	v16 =	vld [tilespmem:s25+$0x20];
	[tilespmem:s23+$0x30] =	vst v1  }
0x9d: {  	v1 =	vadd.s32 v9, v12;
	v9 =	vsel vm4, $0xFFFF3800, v0;
	vm5 =	vgt.s32 v10, $0xC7FF;
	v12 =	vld [tilespmem:s25+$0x30];
	[tilespmem:s23+$0x40] =	vst v4  }
0x9e: {  	v4 =	vadd.s32 v5, v9;
	v5 =	vsel vm5, $0xFFFF3800, v0;
	vm7 =	vgt.s32 v15, $0xC7FF;
	v9 =	vld.idx.msk [tilespmem:v11+s2+$0x0], $0xffff;
	[tilespmem:s23+$0x50] =	vst v3  }
0x9f: {  	v3 =	vadd.s32 v10, v5;
	v5 =	vsel vm7, $0xFFFF3800, v0;
	vm8 =	vgt.s32 v14, $0xC7FF;
	v10 =	vld [tilespmem:s25+$0x40];
	[tilespmem:s23+$0x60] =	vst v2  }
0xa0: {  	v2 =	vadd.s32 v15, v5;
	v5 =	vsel vm8, $0xFFFF3800, v0;
	vm9 =	vgt.s32 v13, $0xC7FF;
	v11 =	vld [tilespmem:s25+$0x50]  }
0xa1: {  	v5 =	vadd.s32 v14, v5;
	v14 =	vsel vm9, $0xFFFF3800, v0;
	vm10 =	vgt.s32 v16, $0xC7FF;
	v15 =	vld [tilespmem:s25+$0x60]  }
0xa2: {  	v17 =	vld [tilespmem:s25+$0xFFFFFF80];
	v13 =	vadd.s32 v13, v14;
	v14 =	vsel vm10, $0xFFFF3800, v0;
	vm11 =	vgt.s32 v12, $0xC7FF  }
0xa3: {  	v18 =	vld.idx.msk [tilespmem:v8+s2+$0x0], $0xffff;
	v8 =	vadd.s32 v16, v14;
	v14 =	vsel vm11, $0xFFFF3800, v0;
	v16 =	vsel vm6, $0x10, v0  }
0xa4: {  	v19 =	vld.idx.msk [tilespmem:v6+s2+$0x0], $0xffff;
	v6 =	vadd.s32 v12, v14;
	vm6 =	vgt.s32 v10, $0xC7FF;
	v9 =	vshrl.u32 v9, v16  }
0xa5: {  	s23 =	sadd.s32 $0x100, s23;
	v14 =	vld.idx.msk [tilespmem:v7+s2+$0x0], $0xffff;
	v7 =	vsel vm6, $0xFFFF3800, v0;
	vm12 =	vgt.s32 v11, $0xC7FF;
	v9 =	vshll.u32 v9, $0x10  }
0xa6: {  	v16 =	vld.idx.msk [tilespmem:v1+s2+$0x0], $0xffff;
	v10 =	vadd.s32 v10, v7;
	v1 =	vsel vm12, $0xFFFF3800, v0;
	vm13 =	vgt.s32 v15, $0xC7FF;
	[tilespmem:s23+$0x70] =	vst v9  }
0xa7: {  	vm14 =	vgt.s32 v17, $0xC7FF;
	v9 =	vld.idx.msk [tilespmem:v4+s2+$0x0], $0xffff;
	v11 =	vadd.s32 v11, v1;
	v4 =	vsel vm13, $0xFFFF3800, v0  }
0xa8: {  	v7 =	vsel vm14, $0xFFFF3800, v0;
	v1 =	vsel vm14, $0x10, v0;
	v20 =	vld.idx.msk [tilespmem:v3+s2+$0x0], $0xffff;
	v21 =	vadd.s32 v15, v4  }
0xa9: {  	v15 =	vsel vm0, $0x10, v0;
	v12 =	vadd.s32 v17, v7;
	v17 =	vsel vm1, $0x10, v0;
	v22 =	vld.idx.msk [tilespmem:v2+s2+$0x0], $0xffff  }
0xaa: {  	v23 =	vsel vm2, $0x10, v0;
	v24 =	vsel vm3, $0x10, v0;
	v25 =	vsel vm4, $0x10, v0;
	v26 =	vld.idx.msk [tilespmem:v5+s2+$0x0], $0xffff  }
0xab: {  	v27 =	vsel vm5, $0x10, v0;
	v28 =	vsel vm7, $0x10, v0;
	v29 =	vsel vm8, $0x10, v0;
	v30 =	vld.idx.msk [tilespmem:v13+s2+$0x0], $0xffff  }
0xac: {  	v31 =	vsel vm9, $0x10, v0;
	v5 =	vsel vm11, $0x10, v0;
	v7 =	vld.idx.msk [tilespmem:v8+s2+$0x0], $0xffff;
	v8 =	vsel vm10, $0x10, v0  }
.Ltmp1:
0xad: {  	v4 =	vsel vm6, $0x10, v0;
	v3 =	vsel vm12, $0x10, v0;
	v2 =	vsel vm13, $0x10, v0;
	v6 =	vld.idx.msk [tilespmem:v6+s2+$0x0], $0xffff;
	(pc) =	sbr.rel @p0 .LBB2_4-.Ltmp1, $4  }
0xae: {  	v19 =	vshrl.u32 v19, v17;
	v23 =	vshrl.u32 v14, v23;
	v13 =	vshrl.u32 v18, v15;
	v12 =	vld.idx.msk [tilespmem:v12+s2+$0x0], $0xffff  }
0xaf: {  	v18 =	vshrl.u32 v16, v24;
	v17 =	vshrl.u32 v9, v25;
	v14 =	vshrl.u32 v20, v27;
	v9 =	vld.idx.msk [tilespmem:v10+s2+$0x0], $0xffff  }
0xb0: {  	v16 =	vshll.u32 v13, $0x10;
	v15 =	vshrl.u32 v22, v28;
	v13 =	vshrl.u32 v26, v29;
	v10 =	vld.idx.msk [tilespmem:v11+s2+$0x0], $0xffff  }
0xb1: {  	s25 =	sadd.s32 $0x100, s25;
	v20 =	vshll.u32 v19, $0x10;
	v19 =	vshll.u32 v23, $0x10;
	[tilespmem:s23+$0xFFFFFF90] =	vst v16;
	v16 =	vshrl.u32 v30, v31;
	v11 =	vld.idx.msk [tilespmem:v21+s2+$0x0], $0xffff  }
0xb2: {  	[tilespmem:s23+$0xFFFFFFA0] =	vst v20  }
0xb3: {  	v18 =	vshll.u32 v18, $0x10;
	[tilespmem:s23+$0xFFFFFFB0] =	vst v19  }
0xb4: {  	v17 =	vshll.u32 v17, $0x10;
	[tilespmem:s23+$0xFFFFFFC0] =	vst v18  }
0xb5: {  	v5 =	vshrl.u32 v6, v5;
	v1 =	vshrl.u32 v12, v1;
	[tilespmem:s23+$0xFFFFFFD0] =	vst v17;
	v12 =	vshll.u32 v14, $0x10  }
0xb6: {  	v5 =	vshll.u32 v5, $0x10;
	[tilespmem:s23+$0xFFFFFFE0] =	vst v12  }
0xb7: {  	v1 =	vshll.u32 v1, $0x10;
	[tilespmem:s23+$0x30] =	vst v5  }
0xb8: {  	v12 =	vshll.u32 v13, $0x10;
	[tilespmem:s23+$0xFFFFFF80] =	vst v1  }
0xb9: {  	v1 =	vshll.u32 v15, $0x10;
	[tilespmem:s23+$0x0] =	vst v12  }
0xba: {  	v3 =	vshrl.u32 v10, v3;
	[tilespmem:s23+$0xFFFFFFF0] =	vst v1;
	v1 =	vshrl.u32 v7, v8;
	v7 =	vshll.u32 v16, $0x10  }
0xbb: {  	v3 =	vshll.u32 v3, $0x10;
	[tilespmem:s23+$0x10] =	vst v7  }
0xbc: {  	v4 =	vshrl.u32 v9, v4;
	v1 =	vshll.u32 v1, $0x10;
	[tilespmem:s23+$0x50] =	vst v3  }
0xbd: {  	v2 =	vshrl.u32 v11, v2;
	[tilespmem:s23+$0x20] =	vst v1;
	v1 =	vshll.u32 v4, $0x10  }
0xbe: {  	[tilespmem:s23+$0x40] =	vst v1;
	v1 =	vshll.u32 v2, $0x10  }
0xbf: {  	[tilespmem:s23+$0x60] =	vst v1  }
0xc0: {  	[hbm4b:s8+s2] =	stream.linear.scatter [tilespmem:s19], [sflag:$0x5], $0x1900, $0x38;
	[tilespmem:$0x12C00] =	vst v63  }
0xc1: {  	_ = 	snop  }
0xc2: {  	[tilespmem:s14], [sflag:$0x3] =	stream.linear.gather [hbm4b:s9+s2], $0x1900, $0x38;
	[tilespmem:$0x12C00] =	vst v63  }
0xc3: {  	_ =	swait.ge [sflag:s15], $0x1900  }
0xc4: {  	[sflag:s15] =	ssyncset.done $0x0  }
0xc5: {  	[sflag:s15] =	ssyncadd.s32 $0xFFFFE700  }
0xc6: {  	_ =	swait.ge [sflag:s20], $0x1900  }
0xc7: {  	[sflag:s20] =	ssyncset.done $0x0  }
0xc8: {  	s31 =	simm.s32 $0xC880;
	[sflag:s20] =	ssyncadd.s32 $0xFFFFE700  }
0xc9: {  	v1 =	vld [tilespmem:s31+$0x70]  }
0xca: {  	v2 =	vld [tilespmem:s31+$0xFFFFFF90]  }
0xcb: {  	v3 =	vld [tilespmem:s31+$0xFFFFFFA0]  }
0xcc: {  	v4 =	vld [tilespmem:s31+$0xFFFFFFB0]  }
0xcd: {  	v5 =	vld [tilespmem:s31+$0xFFFFFFC0]  }
0xce: {  	v6 =	vld [tilespmem:s31+$0xFFFFFFD0]  }
0xcf: {  	v7 =	vld [tilespmem:s31+$0xFFFFFFE0];
	_ =	sdelay $0x1  }
0xd0: {  	v10 =	vld [tilespmem:s31+$0xFFFFFFF0]  }
0xd1: {  	v11 =	vld [tilespmem:s31+$0x10];
	vm8 =	vgt.s32 v1, $0xC7FF;
	vm0 =	vgt.s32 v2, $0xC7FF;
	vm1 =	vgt.s32 v3, $0xC7FF  }
0xd2: {  	v12 =	vld [tilespmem:s31+$0x20];
	vm2 =	vgt.s32 v4, $0xC7FF;
	vm3 =	vgt.s32 v5, $0xC7FF;
	vm4 =	vgt.s32 v6, $0xC7FF  }
0xd3: {  	v13 =	vld [tilespmem:s31+$0x30];
	vm5 =	vgt.s32 v7, $0xC7FF;
	v8 =	vsel vm8, $0xFFFF3800, v0;
	v9 =	vsel vm0, $0xFFFF3800, v0  }
0xd4: {  	v1 =	vadd.s32 v1, v8;
	v2 =	vadd.s32 v2, v9;
	v8 =	vsel vm1, $0xFFFF3800, v0;
	v9 =	vld [tilespmem:s31+$0x0]  }
0xd5: {  	v15 =	vld [tilespmem:s31+$0x50];
	vm6 =	vgt.s32 v10, $0xC7FF;
	v3 =	vadd.s32 v3, v8;
	v8 =	vsel vm2, $0xFFFF3800, v0  }
0xd6: {  	v16 =	vld [tilespmem:s31+$0x60];
	vm9 =	vgt.s32 v11, $0xC7FF;
	v4 =	vadd.s32 v4, v8;
	v8 =	vsel vm3, $0xFFFF3800, v0  }
0xd7: {  	v17 =	vld [tilespmem:s31+$0xFFFFFF80];
	vm10 =	vgt.s32 v12, $0xC7FF;
	v5 =	vadd.s32 v5, v8;
	v8 =	vsel vm4, $0xFFFF3800, v0  }
0xd8: {  	vm11 =	vgt.s32 v13, $0xC7FF;
	v6 =	vadd.s32 v6, v8;
	v8 =	vsel vm5, $0xFFFF3800, v0  }
0xd9: {  	v14 =	vld [tilespmem:s31+$0x40];
	v7 =	vadd.s32 v7, v8;
	v8 =	vsel vm6, $0xFFFF3800, v0;
	vm7 =	vgt.s32 v9, $0xC7FF  }
0xda: {  	vm12 =	vgt.s32 v15, $0xC7FF;
	v1 =	vld.idx.msk [tilespmem:v1+s2+$0x0], $0xffff;
	v8 =	vadd.s32 v10, v8;
	v10 =	vsel vm7, $0xFFFF3800, v0  }
0xdb: {  	vm13 =	vgt.s32 v16, $0xC7FF;
	v9 =	vadd.s32 v9, v10;
	v10 =	vsel vm9, $0xFFFF3800, v0  }
0xdc: {  	vm14 =	vgt.s32 v17, $0xC7FF;
	v2 =	vld.idx.msk [tilespmem:v2+s2+$0x0], $0xffff;
	v10 =	vadd.s32 v11, v10;
	v11 =	vsel vm10, $0xFFFF3800, v0  }
0xdd: {  	v18 =	vsel vm8, $0x10, v0;
	v19 =	vld.idx.msk [tilespmem:v3+s2+$0x0], $0xffff;
	v11 =	vadd.s32 v12, v11;
	v12 =	vsel vm11, $0xFFFF3800, v0  }
0xde: {  	vm8 =	vgt.s32 v14, $0xC7FF;
	v25 =	vsel vm2, $0x10, v0;
	v3 =	vadd.s32 v13, v12;
	v13 =	vld.idx.msk [tilespmem:v4+s2+$0x0], $0xffff  }
0xdf: {  	v26 =	vsel vm3, $0x10, v0;
	v1 =	vshrl.u32 v1, v18;
	v4 =	vsel vm8, $0xFFFF3800, v0;
	v18 =	vld.idx.msk [tilespmem:v5+s2+$0x0], $0xffff  }
0xe0: {  	v27 =	vsel vm4, $0x10, v0;
	v29 =	vsel vm6, $0x10, v0;
	v21 =	vadd.s32 v14, v4;
	v14 =	vld.idx.msk [tilespmem:v6+s2+$0x0], $0xffff  }
0xe1: {  	v20 =	vshll.u32 v1, $0x10;
	v1 =	vsel vm12, $0xFFFF3800, v0;
	v4 =	vsel vm14, $0xFFFF3800, v0;
	v24 =	vld.idx.msk [tilespmem:v8+s2+$0x0], $0xffff  }
0xe2: {  	v32 =	vsel vm9, $0x10, v0;
	v22 =	vadd.s32 v15, v1;
	v15 =	vld.idx.msk [tilespmem:v7+s2+$0x0], $0xffff;
	v12 =	vadd.s32 v17, v4  }
0xe3: {  	v30 =	vsel vm7, $0x10, v0;
	v5 =	vsel vm11, $0x10, v0;
	v8 =	vsel vm10, $0x10, v0;
	v28 =	vld.idx.msk [tilespmem:v9+s2+$0x0], $0xffff  }
0xe4: {  	v1 =	vsel vm13, $0xFFFF3800, v0;
	v17 =	vsel vm1, $0x10, v0;
	v9 =	vsel vm5, $0x10, v0;
	v31 =	vld.idx.msk [tilespmem:v10+s2+$0x0], $0xffff  }
0xe5: {  	v4 =	vsel vm8, $0x10, v0;
	v23 =	vadd.s32 v16, v1;
	v16 =	vsel vm0, $0x10, v0;
	v7 =	vld.idx.msk [tilespmem:v11+s2+$0x0], $0xffff  }
0xe6: {  	v1 =	vsel vm14, $0x10, v0;
	v10 =	vshrl.u32 v2, v16;
	v2 =	vsel vm13, $0x10, v0;
	v6 =	vld.idx.msk [tilespmem:v3+s2+$0x0], $0xffff  }
0xe7: {  	s23 =	simm.s32 $0xFA80;
	v11 =	vshrl.u32 v19, v17;
	v3 =	vsel vm12, $0x10, v0;
	v16 =	vshrl.u32 v13, v25;
	v12 =	vld.idx.msk [tilespmem:v12+s2+$0x0], $0xffff  }
0xe8: {  	[tilespmem:s23+$0x70] =	vst v20;
	v19 =	vshll.u32 v10, $0x10;
	v17 =	vshrl.u32 v14, v27;
	v14 =	vshrl.u32 v15, v9;
	v9 =	vld.idx.msk [tilespmem:v21+s2+$0x0], $0xffff  }
0xe9: {  	v18 =	vshrl.u32 v18, v26;
	v20 =	vshll.u32 v11, $0x10;
	[tilespmem:s23+$0xFFFFFF90] =	vst v19;
	v19 =	vshll.u32 v16, $0x10;
	v10 =	vld.idx.msk [tilespmem:v22+s2+$0x0], $0xffff  }
0xea: {  	s24 =	simm.s32 $0x0;
	s25 =	simm.s32 $0xC980;
	v15 =	vshrl.u32 v24, v29;
	v13 =	vshrl.u32 v28, v30;
	v16 =	vshrl.u32 v31, v32;
	v11 =	vld.idx.msk [tilespmem:v23+s2+$0x0], $0xffff  }
.LBB2_6:
0xeb: {  	v21 =	vld [tilespmem:s25+$0x70];
	s24 =	sadd.s32 $0x100, s24;
	[tilespmem:s23+$0xFFFFFFA0] =	vst v20;
	v18 =	vshll.u32 v18, $0x10;
	v17 =	vshll.u32 v17, $0x10;
	v7 =	vshrl.u32 v7, v8  }
0xec: {  	v14 =	vshll.u32 v14, $0x10;
	v15 =	vshll.u32 v15, $0x10;
	v5 =	vshrl.u32 v6, v5;
	v8 =	vld [tilespmem:s25+$0xFFFFFF90];
	p0 =	slt.u32 s24, $0x1800;
	[tilespmem:s23+$0xFFFFFFB0] =	vst v19  }
0xed: {  	v1 =	vshrl.u32 v12, v1;
	v12 =	vshll.u32 v13, $0x10;
	v13 =	vshll.u32 v16, $0x10;
	v6 =	vld [tilespmem:s25+$0xFFFFFFA0];
	[tilespmem:s23+$0xFFFFFFC0] =	vst v18  }
0xee: {  	v7 =	vshll.u32 v7, $0x10;
	v1 =	vshll.u32 v1, $0x10;
	v4 =	vshrl.u32 v9, v4;
	v16 =	vld [tilespmem:s25+$0xFFFFFFB0];
	[tilespmem:s23+$0xFFFFFFD0] =	vst v17  }
0xef: {  	v4 =	vshll.u32 v4, $0x10;
	v3 =	vshrl.u32 v10, v3;
	v9 =	vld [tilespmem:s25+$0xFFFFFFC0];
	[tilespmem:s23+$0xFFFFFF80] =	vst v1;
	v1 =	vshll.u32 v5, $0x10  }
0xf0: {  	v3 =	vshll.u32 v3, $0x10;
	v2 =	vshrl.u32 v11, v2;
	v5 =	vld [tilespmem:s25+$0xFFFFFFD0];
	vm6 =	vgt.s32 v21, $0xC7FF;
	[tilespmem:s23+$0xFFFFFFE0] =	vst v14  }
0xf1: {  	v2 =	vshll.u32 v2, $0x10;
	vm0 =	vgt.s32 v8, $0xC7FF;
	v10 =	vld [tilespmem:s25+$0xFFFFFFE0];
	v11 =	vsel vm6, $0xFFFF3800, v0;
	[tilespmem:s23+$0xFFFFFFF0] =	vst v15  }
0xf2: {  	v14 =	vsel vm0, $0xFFFF3800, v0;
	vm1 =	vgt.s32 v6, $0xC7FF;
	v15 =	vld [tilespmem:s25+$0xFFFFFFF0];
	v11 =	vadd.s32 v21, v11;
	[tilespmem:s23+$0x0] =	vst v12  }
0xf3: {  	v8 =	vadd.s32 v8, v14;
	v12 =	vsel vm1, $0xFFFF3800, v0;
	vm2 =	vgt.s32 v16, $0xC7FF;
	v14 =	vld [tilespmem:s25+$0x0];
	[tilespmem:s23+$0x10] =	vst v13  }
0xf4: {  	v6 =	vadd.s32 v6, v12;
	v12 =	vsel vm2, $0xFFFF3800, v0;
	vm3 =	vgt.s32 v9, $0xC7FF;
	v13 =	vld [tilespmem:s25+$0x10];
	[tilespmem:s23+$0x20] =	vst v7  }
0xf5: {  	v7 =	vadd.s32 v16, v12;
	v12 =	vsel vm3, $0xFFFF3800, v0;
	vm4 =	vgt.s32 v5, $0xC7FF;
	v16 =	vld [tilespmem:s25+$0x20];
	[tilespmem:s23+$0x30] =	vst v1  }
0xf6: {  	v1 =	vadd.s32 v9, v12;
	v9 =	vsel vm4, $0xFFFF3800, v0;
	vm5 =	vgt.s32 v10, $0xC7FF;
	v12 =	vld [tilespmem:s25+$0x30];
	[tilespmem:s23+$0x40] =	vst v4  }
0xf7: {  	v4 =	vadd.s32 v5, v9;
	v5 =	vsel vm5, $0xFFFF3800, v0;
	vm7 =	vgt.s32 v15, $0xC7FF;
	v9 =	vld.idx.msk [tilespmem:v11+s2+$0x0], $0xffff;
	[tilespmem:s23+$0x50] =	vst v3  }
0xf8: {  	v3 =	vadd.s32 v10, v5;
	v5 =	vsel vm7, $0xFFFF3800, v0;
	vm8 =	vgt.s32 v14, $0xC7FF;
	v10 =	vld [tilespmem:s25+$0x40];
	[tilespmem:s23+$0x60] =	vst v2  }
0xf9: {  	v2 =	vadd.s32 v15, v5;
	v5 =	vsel vm8, $0xFFFF3800, v0;
	vm9 =	vgt.s32 v13, $0xC7FF;
	v11 =	vld [tilespmem:s25+$0x50]  }
0xfa: {  	v5 =	vadd.s32 v14, v5;
	v14 =	vsel vm9, $0xFFFF3800, v0;
	vm10 =	vgt.s32 v16, $0xC7FF;
	v15 =	vld [tilespmem:s25+$0x60]  }
0xfb: {  	v17 =	vld [tilespmem:s25+$0xFFFFFF80];
	v13 =	vadd.s32 v13, v14;
	v14 =	vsel vm10, $0xFFFF3800, v0;
	vm11 =	vgt.s32 v12, $0xC7FF  }
0xfc: {  	v18 =	vld.idx.msk [tilespmem:v8+s2+$0x0], $0xffff;
	v8 =	vadd.s32 v16, v14;
	v14 =	vsel vm11, $0xFFFF3800, v0;
	v16 =	vsel vm6, $0x10, v0  }
0xfd: {  	v19 =	vld.idx.msk [tilespmem:v6+s2+$0x0], $0xffff;
	v6 =	vadd.s32 v12, v14;
	vm6 =	vgt.s32 v10, $0xC7FF;
	v9 =	vshrl.u32 v9, v16  }
0xfe: {  	s23 =	sadd.s32 $0x100, s23;
	v14 =	vld.idx.msk [tilespmem:v7+s2+$0x0], $0xffff;
	v7 =	vsel vm6, $0xFFFF3800, v0;
	vm12 =	vgt.s32 v11, $0xC7FF;
	v9 =	vshll.u32 v9, $0x10  }
0xff: {  	v16 =	vld.idx.msk [tilespmem:v1+s2+$0x0], $0xffff;
	v10 =	vadd.s32 v10, v7;
	v1 =	vsel vm12, $0xFFFF3800, v0;
	vm13 =	vgt.s32 v15, $0xC7FF;
	[tilespmem:s23+$0x70] =	vst v9  }
0x100: {  	vm14 =	vgt.s32 v17, $0xC7FF;
	v9 =	vld.idx.msk [tilespmem:v4+s2+$0x0], $0xffff;
	v11 =	vadd.s32 v11, v1;
	v4 =	vsel vm13, $0xFFFF3800, v0  }
0x101: {  	v7 =	vsel vm14, $0xFFFF3800, v0;
	v1 =	vsel vm14, $0x10, v0;
	v20 =	vld.idx.msk [tilespmem:v3+s2+$0x0], $0xffff;
	v21 =	vadd.s32 v15, v4  }
0x102: {  	v15 =	vsel vm0, $0x10, v0;
	v12 =	vadd.s32 v17, v7;
	v17 =	vsel vm1, $0x10, v0;
	v22 =	vld.idx.msk [tilespmem:v2+s2+$0x0], $0xffff  }
0x103: {  	v23 =	vsel vm2, $0x10, v0;
	v24 =	vsel vm3, $0x10, v0;
	v25 =	vsel vm4, $0x10, v0;
	v26 =	vld.idx.msk [tilespmem:v5+s2+$0x0], $0xffff  }
0x104: {  	v27 =	vsel vm5, $0x10, v0;
	v28 =	vsel vm7, $0x10, v0;
	v29 =	vsel vm8, $0x10, v0;
	v30 =	vld.idx.msk [tilespmem:v13+s2+$0x0], $0xffff  }
0x105: {  	v31 =	vsel vm9, $0x10, v0;
	v5 =	vsel vm11, $0x10, v0;
	v7 =	vld.idx.msk [tilespmem:v8+s2+$0x0], $0xffff;
	v8 =	vsel vm10, $0x10, v0  }
.Ltmp2:
0x106: {  	v4 =	vsel vm6, $0x10, v0;
	v3 =	vsel vm12, $0x10, v0;
	v2 =	vsel vm13, $0x10, v0;
	v6 =	vld.idx.msk [tilespmem:v6+s2+$0x0], $0xffff;
	(pc) =	sbr.rel @p0 .LBB2_6-.Ltmp2, $4  }
0x107: {  	v19 =	vshrl.u32 v19, v17;
	v23 =	vshrl.u32 v14, v23;
	v13 =	vshrl.u32 v18, v15;
	v12 =	vld.idx.msk [tilespmem:v12+s2+$0x0], $0xffff  }
0x108: {  	v18 =	vshrl.u32 v16, v24;
	v17 =	vshrl.u32 v9, v25;
	v14 =	vshrl.u32 v20, v27;
	v9 =	vld.idx.msk [tilespmem:v10+s2+$0x0], $0xffff  }
0x109: {  	v16 =	vshll.u32 v13, $0x10;
	v15 =	vshrl.u32 v22, v28;
	v13 =	vshrl.u32 v26, v29;
	v10 =	vld.idx.msk [tilespmem:v11+s2+$0x0], $0xffff  }
0x10a: {  	s25 =	sadd.s32 $0x100, s25;
	v20 =	vshll.u32 v19, $0x10;
	v19 =	vshll.u32 v23, $0x10;
	[tilespmem:s23+$0xFFFFFF90] =	vst v16;
	v16 =	vshrl.u32 v30, v31;
	v11 =	vld.idx.msk [tilespmem:v21+s2+$0x0], $0xffff  }
0x10b: {  	[tilespmem:s23+$0xFFFFFFA0] =	vst v20  }
0x10c: {  	v18 =	vshll.u32 v18, $0x10;
	[tilespmem:s23+$0xFFFFFFB0] =	vst v19  }
0x10d: {  	v17 =	vshll.u32 v17, $0x10;
	[tilespmem:s23+$0xFFFFFFC0] =	vst v18  }
0x10e: {  	v5 =	vshrl.u32 v6, v5;
	v1 =	vshrl.u32 v12, v1;
	[tilespmem:s23+$0xFFFFFFD0] =	vst v17;
	v12 =	vshll.u32 v14, $0x10  }
0x10f: {  	v5 =	vshll.u32 v5, $0x10;
	[tilespmem:s23+$0xFFFFFFE0] =	vst v12  }
0x110: {  	v1 =	vshll.u32 v1, $0x10;
	[tilespmem:s23+$0x30] =	vst v5  }
0x111: {  	v12 =	vshll.u32 v13, $0x10;
	[tilespmem:s23+$0xFFFFFF80] =	vst v1  }
0x112: {  	v1 =	vshll.u32 v15, $0x10;
	[tilespmem:s23+$0x0] =	vst v12  }
0x113: {  	v3 =	vshrl.u32 v10, v3;
	[tilespmem:s23+$0xFFFFFFF0] =	vst v1;
	v1 =	vshrl.u32 v7, v8;
	v7 =	vshll.u32 v16, $0x10  }
0x114: {  	v3 =	vshll.u32 v3, $0x10;
	[tilespmem:s23+$0x10] =	vst v7  }
0x115: {  	v4 =	vshrl.u32 v9, v4;
	v1 =	vshll.u32 v1, $0x10;
	[tilespmem:s23+$0x50] =	vst v3  }
0x116: {  	v2 =	vshrl.u32 v11, v2;
	[tilespmem:s23+$0x20] =	vst v1;
	v1 =	vshll.u32 v4, $0x10  }
0x117: {  	[tilespmem:s23+$0x40] =	vst v1;
	v1 =	vshll.u32 v2, $0x10  }
0x118: {  	[tilespmem:s23+$0x60] =	vst v1  }
0x119: {  	[hbm4b:s10+s2] =	stream.linear.scatter [tilespmem:s17], [sflag:$0x4], $0x1900, $0x38;
	[tilespmem:$0x12C00] =	vst v63  }
0x11a: {  	_ =	swait.ge [sflag:s18], $0x1900  }
0x11b: {  	[sflag:s18] =	ssyncset.done $0x0  }
0x11c: {  	[sflag:s18] =	ssyncadd.s32 $0xFFFFE700  }
0x11d: {  	_ =	swait.ge [sflag:s21], $0x1900  }
0x11e: {  	[sflag:s21] =	ssyncset.done $0x0  }
0x11f: {  	s31 =	simm.s32 $0xE180;
	[sflag:s21] =	ssyncadd.s32 $0xFFFFE700  }
0x120: {  	v1 =	vld [tilespmem:s31+$0x70]  }
0x121: {  	v2 =	vld [tilespmem:s31+$0xFFFFFF90]  }
0x122: {  	v3 =	vld [tilespmem:s31+$0xFFFFFFA0]  }
0x123: {  	v4 =	vld [tilespmem:s31+$0xFFFFFFB0]  }
0x124: {  	v5 =	vld [tilespmem:s31+$0xFFFFFFC0]  }
0x125: {  	v6 =	vld [tilespmem:s31+$0xFFFFFFD0]  }
0x126: {  	v7 =	vld [tilespmem:s31+$0xFFFFFFE0];
	_ =	sdelay $0x1  }
0x127: {  	v10 =	vld [tilespmem:s31+$0xFFFFFFF0]  }
0x128: {  	v11 =	vld [tilespmem:s31+$0x10];
	vm8 =	vgt.s32 v1, $0xC7FF;
	vm0 =	vgt.s32 v2, $0xC7FF;
	vm1 =	vgt.s32 v3, $0xC7FF  }
0x129: {  	v12 =	vld [tilespmem:s31+$0x20];
	vm2 =	vgt.s32 v4, $0xC7FF;
	vm3 =	vgt.s32 v5, $0xC7FF;
	vm4 =	vgt.s32 v6, $0xC7FF  }
0x12a: {  	v13 =	vld [tilespmem:s31+$0x30];
	vm5 =	vgt.s32 v7, $0xC7FF;
	v8 =	vsel vm8, $0xFFFF3800, v0;
	v9 =	vsel vm0, $0xFFFF3800, v0  }
0x12b: {  	v1 =	vadd.s32 v1, v8;
	v2 =	vadd.s32 v2, v9;
	v8 =	vsel vm1, $0xFFFF3800, v0;
	v9 =	vld [tilespmem:s31+$0x0]  }
0x12c: {  	v15 =	vld [tilespmem:s31+$0x50];
	vm6 =	vgt.s32 v10, $0xC7FF;
	v3 =	vadd.s32 v3, v8;
	v8 =	vsel vm2, $0xFFFF3800, v0  }
0x12d: {  	v16 =	vld [tilespmem:s31+$0x60];
	vm9 =	vgt.s32 v11, $0xC7FF;
	v4 =	vadd.s32 v4, v8;
	v8 =	vsel vm3, $0xFFFF3800, v0  }
0x12e: {  	v17 =	vld [tilespmem:s31+$0xFFFFFF80];
	vm10 =	vgt.s32 v12, $0xC7FF;
	v5 =	vadd.s32 v5, v8;
	v8 =	vsel vm4, $0xFFFF3800, v0  }
0x12f: {  	vm11 =	vgt.s32 v13, $0xC7FF;
	v6 =	vadd.s32 v6, v8;
	v8 =	vsel vm5, $0xFFFF3800, v0  }
0x130: {  	v14 =	vld [tilespmem:s31+$0x40];
	v7 =	vadd.s32 v7, v8;
	v8 =	vsel vm6, $0xFFFF3800, v0;
	vm7 =	vgt.s32 v9, $0xC7FF  }
0x131: {  	vm12 =	vgt.s32 v15, $0xC7FF;
	v1 =	vld.idx.msk [tilespmem:v1+s2+$0x0], $0xffff;
	v8 =	vadd.s32 v10, v8;
	v10 =	vsel vm7, $0xFFFF3800, v0  }
0x132: {  	vm13 =	vgt.s32 v16, $0xC7FF;
	v9 =	vadd.s32 v9, v10;
	v10 =	vsel vm9, $0xFFFF3800, v0  }
0x133: {  	vm14 =	vgt.s32 v17, $0xC7FF;
	v2 =	vld.idx.msk [tilespmem:v2+s2+$0x0], $0xffff;
	v10 =	vadd.s32 v11, v10;
	v11 =	vsel vm10, $0xFFFF3800, v0  }
0x134: {  	v18 =	vsel vm8, $0x10, v0;
	v19 =	vld.idx.msk [tilespmem:v3+s2+$0x0], $0xffff;
	v11 =	vadd.s32 v12, v11;
	v12 =	vsel vm11, $0xFFFF3800, v0  }
0x135: {  	vm8 =	vgt.s32 v14, $0xC7FF;
	v25 =	vsel vm2, $0x10, v0;
	v3 =	vadd.s32 v13, v12;
	v13 =	vld.idx.msk [tilespmem:v4+s2+$0x0], $0xffff  }
0x136: {  	v26 =	vsel vm3, $0x10, v0;
	v1 =	vshrl.u32 v1, v18;
	v4 =	vsel vm8, $0xFFFF3800, v0;
	v18 =	vld.idx.msk [tilespmem:v5+s2+$0x0], $0xffff  }
0x137: {  	v27 =	vsel vm4, $0x10, v0;
	v29 =	vsel vm6, $0x10, v0;
	v21 =	vadd.s32 v14, v4;
	v14 =	vld.idx.msk [tilespmem:v6+s2+$0x0], $0xffff  }
0x138: {  	v20 =	vshll.u32 v1, $0x10;
	v1 =	vsel vm12, $0xFFFF3800, v0;
	v4 =	vsel vm14, $0xFFFF3800, v0;
	v24 =	vld.idx.msk [tilespmem:v8+s2+$0x0], $0xffff  }
0x139: {  	v32 =	vsel vm9, $0x10, v0;
	v22 =	vadd.s32 v15, v1;
	v15 =	vld.idx.msk [tilespmem:v7+s2+$0x0], $0xffff;
	v12 =	vadd.s32 v17, v4  }
0x13a: {  	v30 =	vsel vm7, $0x10, v0;
	v5 =	vsel vm11, $0x10, v0;
	v8 =	vsel vm10, $0x10, v0;
	v28 =	vld.idx.msk [tilespmem:v9+s2+$0x0], $0xffff  }
0x13b: {  	v1 =	vsel vm13, $0xFFFF3800, v0;
	v17 =	vsel vm1, $0x10, v0;
	v9 =	vsel vm5, $0x10, v0;
	v31 =	vld.idx.msk [tilespmem:v10+s2+$0x0], $0xffff  }
0x13c: {  	v4 =	vsel vm8, $0x10, v0;
	v23 =	vadd.s32 v16, v1;
	v16 =	vsel vm0, $0x10, v0;
	v7 =	vld.idx.msk [tilespmem:v11+s2+$0x0], $0xffff  }
0x13d: {  	v1 =	vsel vm14, $0x10, v0;
	v10 =	vshrl.u32 v2, v16;
	v2 =	vsel vm13, $0x10, v0;
	v6 =	vld.idx.msk [tilespmem:v3+s2+$0x0], $0xffff  }
0x13e: {  	s23 =	simm.s32 $0x11380;
	v11 =	vshrl.u32 v19, v17;
	v3 =	vsel vm12, $0x10, v0;
	v16 =	vshrl.u32 v13, v25;
	v12 =	vld.idx.msk [tilespmem:v12+s2+$0x0], $0xffff  }
0x13f: {  	[tilespmem:s23+$0x70] =	vst v20;
	v19 =	vshll.u32 v10, $0x10;
	v17 =	vshrl.u32 v14, v27;
	v14 =	vshrl.u32 v15, v9;
	v9 =	vld.idx.msk [tilespmem:v21+s2+$0x0], $0xffff  }
0x140: {  	v18 =	vshrl.u32 v18, v26;
	v20 =	vshll.u32 v11, $0x10;
	[tilespmem:s23+$0xFFFFFF90] =	vst v19;
	v19 =	vshll.u32 v16, $0x10;
	v10 =	vld.idx.msk [tilespmem:v22+s2+$0x0], $0xffff  }
0x141: {  	s24 =	simm.s32 $0x0;
	s25 =	simm.s32 $0xE280;
	v15 =	vshrl.u32 v24, v29;
	v13 =	vshrl.u32 v28, v30;
	v16 =	vshrl.u32 v31, v32;
	v11 =	vld.idx.msk [tilespmem:v23+s2+$0x0], $0xffff  }
.LBB2_8:
0x142: {  	v21 =	vld [tilespmem:s25+$0x70];
	s24 =	sadd.s32 $0x100, s24;
	[tilespmem:s23+$0xFFFFFFA0] =	vst v20;
	v18 =	vshll.u32 v18, $0x10;
	v17 =	vshll.u32 v17, $0x10;
	v7 =	vshrl.u32 v7, v8  }
0x143: {  	v14 =	vshll.u32 v14, $0x10;
	v15 =	vshll.u32 v15, $0x10;
	v5 =	vshrl.u32 v6, v5;
	v8 =	vld [tilespmem:s25+$0xFFFFFF90];
	p0 =	slt.u32 s24, $0x1800;
	[tilespmem:s23+$0xFFFFFFB0] =	vst v19  }
0x144: {  	v1 =	vshrl.u32 v12, v1;
	v12 =	vshll.u32 v13, $0x10;
	v13 =	vshll.u32 v16, $0x10;
	v6 =	vld [tilespmem:s25+$0xFFFFFFA0];
	[tilespmem:s23+$0xFFFFFFC0] =	vst v18  }
0x145: {  	v7 =	vshll.u32 v7, $0x10;
	v1 =	vshll.u32 v1, $0x10;
	v4 =	vshrl.u32 v9, v4;
	v16 =	vld [tilespmem:s25+$0xFFFFFFB0];
	[tilespmem:s23+$0xFFFFFFD0] =	vst v17  }
0x146: {  	v4 =	vshll.u32 v4, $0x10;
	v3 =	vshrl.u32 v10, v3;
	v9 =	vld [tilespmem:s25+$0xFFFFFFC0];
	[tilespmem:s23+$0xFFFFFF80] =	vst v1;
	v1 =	vshll.u32 v5, $0x10  }
0x147: {  	v3 =	vshll.u32 v3, $0x10;
	v2 =	vshrl.u32 v11, v2;
	v5 =	vld [tilespmem:s25+$0xFFFFFFD0];
	vm6 =	vgt.s32 v21, $0xC7FF;
	[tilespmem:s23+$0xFFFFFFE0] =	vst v14  }
0x148: {  	v2 =	vshll.u32 v2, $0x10;
	vm0 =	vgt.s32 v8, $0xC7FF;
	v10 =	vld [tilespmem:s25+$0xFFFFFFE0];
	v11 =	vsel vm6, $0xFFFF3800, v0;
	[tilespmem:s23+$0xFFFFFFF0] =	vst v15  }
0x149: {  	v14 =	vsel vm0, $0xFFFF3800, v0;
	vm1 =	vgt.s32 v6, $0xC7FF;
	v15 =	vld [tilespmem:s25+$0xFFFFFFF0];
	v11 =	vadd.s32 v21, v11;
	[tilespmem:s23+$0x0] =	vst v12  }
0x14a: {  	v8 =	vadd.s32 v8, v14;
	v12 =	vsel vm1, $0xFFFF3800, v0;
	vm2 =	vgt.s32 v16, $0xC7FF;
	v14 =	vld [tilespmem:s25+$0x0];
	[tilespmem:s23+$0x10] =	vst v13  }
0x14b: {  	v6 =	vadd.s32 v6, v12;
	v12 =	vsel vm2, $0xFFFF3800, v0;
	vm3 =	vgt.s32 v9, $0xC7FF;
	v13 =	vld [tilespmem:s25+$0x10];
	[tilespmem:s23+$0x20] =	vst v7  }
0x14c: {  	v7 =	vadd.s32 v16, v12;
	v12 =	vsel vm3, $0xFFFF3800, v0;
	vm4 =	vgt.s32 v5, $0xC7FF;
	v16 =	vld [tilespmem:s25+$0x20];
	[tilespmem:s23+$0x30] =	vst v1  }
0x14d: {  	v1 =	vadd.s32 v9, v12;
	v9 =	vsel vm4, $0xFFFF3800, v0;
	vm5 =	vgt.s32 v10, $0xC7FF;
	v12 =	vld [tilespmem:s25+$0x30];
	[tilespmem:s23+$0x40] =	vst v4  }
0x14e: {  	v4 =	vadd.s32 v5, v9;
	v5 =	vsel vm5, $0xFFFF3800, v0;
	vm7 =	vgt.s32 v15, $0xC7FF;
	v9 =	vld.idx.msk [tilespmem:v11+s2+$0x0], $0xffff;
	[tilespmem:s23+$0x50] =	vst v3  }
0x14f: {  	v3 =	vadd.s32 v10, v5;
	v5 =	vsel vm7, $0xFFFF3800, v0;
	vm8 =	vgt.s32 v14, $0xC7FF;
	v10 =	vld [tilespmem:s25+$0x40];
	[tilespmem:s23+$0x60] =	vst v2  }
0x150: {  	v2 =	vadd.s32 v15, v5;
	v5 =	vsel vm8, $0xFFFF3800, v0;
	vm9 =	vgt.s32 v13, $0xC7FF;
	v11 =	vld [tilespmem:s25+$0x50]  }
0x151: {  	v5 =	vadd.s32 v14, v5;
	v14 =	vsel vm9, $0xFFFF3800, v0;
	vm10 =	vgt.s32 v16, $0xC7FF;
	v15 =	vld [tilespmem:s25+$0x60]  }
0x152: {  	v17 =	vld [tilespmem:s25+$0xFFFFFF80];
	v13 =	vadd.s32 v13, v14;
	v14 =	vsel vm10, $0xFFFF3800, v0;
	vm11 =	vgt.s32 v12, $0xC7FF  }
0x153: {  	v18 =	vld.idx.msk [tilespmem:v8+s2+$0x0], $0xffff;
	v8 =	vadd.s32 v16, v14;
	v14 =	vsel vm11, $0xFFFF3800, v0;
	v16 =	vsel vm6, $0x10, v0  }
0x154: {  	v19 =	vld.idx.msk [tilespmem:v6+s2+$0x0], $0xffff;
	v6 =	vadd.s32 v12, v14;
	vm6 =	vgt.s32 v10, $0xC7FF;
	v9 =	vshrl.u32 v9, v16  }
0x155: {  	s23 =	sadd.s32 $0x100, s23;
	v14 =	vld.idx.msk [tilespmem:v7+s2+$0x0], $0xffff;
	v7 =	vsel vm6, $0xFFFF3800, v0;
	vm12 =	vgt.s32 v11, $0xC7FF;
	v9 =	vshll.u32 v9, $0x10  }
0x156: {  	v16 =	vld.idx.msk [tilespmem:v1+s2+$0x0], $0xffff;
	v10 =	vadd.s32 v10, v7;
	v1 =	vsel vm12, $0xFFFF3800, v0;
	vm13 =	vgt.s32 v15, $0xC7FF;
	[tilespmem:s23+$0x70] =	vst v9  }
0x157: {  	vm14 =	vgt.s32 v17, $0xC7FF;
	v9 =	vld.idx.msk [tilespmem:v4+s2+$0x0], $0xffff;
	v11 =	vadd.s32 v11, v1;
	v4 =	vsel vm13, $0xFFFF3800, v0  }
0x158: {  	v7 =	vsel vm14, $0xFFFF3800, v0;
	v1 =	vsel vm14, $0x10, v0;
	v20 =	vld.idx.msk [tilespmem:v3+s2+$0x0], $0xffff;
	v21 =	vadd.s32 v15, v4  }
0x159: {  	v15 =	vsel vm0, $0x10, v0;
	v12 =	vadd.s32 v17, v7;
	v17 =	vsel vm1, $0x10, v0;
	v22 =	vld.idx.msk [tilespmem:v2+s2+$0x0], $0xffff  }
0x15a: {  	v23 =	vsel vm2, $0x10, v0;
	v24 =	vsel vm3, $0x10, v0;
	v25 =	vsel vm4, $0x10, v0;
	v26 =	vld.idx.msk [tilespmem:v5+s2+$0x0], $0xffff  }
0x15b: {  	v27 =	vsel vm5, $0x10, v0;
	v28 =	vsel vm7, $0x10, v0;
	v29 =	vsel vm8, $0x10, v0;
	v30 =	vld.idx.msk [tilespmem:v13+s2+$0x0], $0xffff  }
0x15c: {  	v31 =	vsel vm9, $0x10, v0;
	v5 =	vsel vm11, $0x10, v0;
	v7 =	vld.idx.msk [tilespmem:v8+s2+$0x0], $0xffff;
	v8 =	vsel vm10, $0x10, v0  }
.Ltmp3:
0x15d: {  	v4 =	vsel vm6, $0x10, v0;
	v3 =	vsel vm12, $0x10, v0;
	v2 =	vsel vm13, $0x10, v0;
	v6 =	vld.idx.msk [tilespmem:v6+s2+$0x0], $0xffff;
	(pc) =	sbr.rel @p0 .LBB2_8-.Ltmp3, $4  }
0x15e: {  	v19 =	vshrl.u32 v19, v17;
	v23 =	vshrl.u32 v14, v23;
	v13 =	vshrl.u32 v18, v15;
	v12 =	vld.idx.msk [tilespmem:v12+s2+$0x0], $0xffff  }
0x15f: {  	v18 =	vshrl.u32 v16, v24;
	v17 =	vshrl.u32 v9, v25;
	v14 =	vshrl.u32 v20, v27;
	v9 =	vld.idx.msk [tilespmem:v10+s2+$0x0], $0xffff  }
0x160: {  	v16 =	vshll.u32 v13, $0x10;
	v15 =	vshrl.u32 v22, v28;
	v13 =	vshrl.u32 v26, v29;
	v10 =	vld.idx.msk [tilespmem:v11+s2+$0x0], $0xffff  }
0x161: {  	s25 =	sadd.s32 $0x100, s25;
	v20 =	vshll.u32 v19, $0x10;
	v19 =	vshll.u32 v23, $0x10;
	[tilespmem:s23+$0xFFFFFF90] =	vst v16;
	v16 =	vshrl.u32 v30, v31;
	v11 =	vld.idx.msk [tilespmem:v21+s2+$0x0], $0xffff  }
0x162: {  	[tilespmem:s23+$0xFFFFFFA0] =	vst v20  }
0x163: {  	v18 =	vshll.u32 v18, $0x10;
	[tilespmem:s23+$0xFFFFFFB0] =	vst v19  }
0x164: {  	v17 =	vshll.u32 v17, $0x10;
	[tilespmem:s23+$0xFFFFFFC0] =	vst v18  }
0x165: {  	v61 =	vshll.u32 v14, $0x10;
	[tilespmem:s23+$0xFFFFFFD0] =	vst v17  }
0x166: {  	v62 =	vshll.u32 v13, $0x10;
	[tilespmem:s23+$0xFFFFFFE0] =	vst v61  }
0x167: {  	v63 =	vshll.u32 v16, $0x10;
	v5 =	vshrl.u32 v6, v5;
	[tilespmem:s23+$0x0] =	vst v62  }
0x168: {  	v1 =	vshrl.u32 v12, v1;
	[tilespmem:s23+$0x10] =	vst v63;
	v5 =	vshll.u32 v5, $0x10  }
0x169: {  	v1 =	vshll.u32 v1, $0x10;
	[tilespmem:s23+$0x30] =	vst v5  }
0x16a: {  	[tilespmem:s23+$0xFFFFFF80] =	vst v1;
	v1 =	vshll.u32 v15, $0x10;
	v3 =	vshrl.u32 v10, v3  }
0x16b: {  	[tilespmem:s23+$0xFFFFFFF0] =	vst v1;
	v1 =	vshrl.u32 v7, v8;
	v3 =	vshll.u32 v3, $0x10  }
0x16c: {  	v4 =	vshrl.u32 v9, v4;
	v1 =	vshll.u32 v1, $0x10;
	[tilespmem:s23+$0x50] =	vst v3  }
0x16d: {  	v2 =	vshrl.u32 v11, v2;
	[tilespmem:s23+$0x20] =	vst v1;
	v1 =	vshll.u32 v4, $0x10  }
0x16e: {  	[tilespmem:s23+$0x40] =	vst v1;
	v1 =	vshll.u32 v2, $0x10  }
0x16f: {  	s22 =	sadd.s32 $0x1, s22;
	[tilespmem:s23+$0x60] =	vst v1  }
0x170: {  	[hbm4b:s11+s2] =	stream.linear.scatter [tilespmem:s19], [sflag:$0x5], $0x1900, $0x38;
	[tilespmem:$0x12C00] =	vst v63  }
0x171: {  	p0 =	sne.s32 s22, s12;
	_ =	swait.ge [sflag:s20], $0x1900  }
.Ltmp4:
0x172: {  	[sflag:s20] =	ssyncset.done $0x0;
	(pc) =	sbr.rel @p0 .LBB2_1-.Ltmp4, $4  }
0x173: {  	[sflag:s20] =	ssyncadd.s32 $0xFFFFE700  }
0x174: {  	_ =	swait.ge [sflag:s21], $0x1900  }
0x175: {  	[sflag:s21] =	ssyncset.done $0x0  }
0x176: {  	[sflag:s21] =	ssyncadd.s32 $0xFFFFE700  }
0x177: {  	_ =	sfence.sel $0x180000  }
0x178: {  	[bflag:$0x0] =	sbarrier.arrive $0xFFFF  }
0x179: {  	p0 =	sne.s32 s0, $0x0;
	_ =	strace $0x90000047  }
0x17a: {  	s0 =	sadd.s32 @!p0 $0x100000, s1;
	[bflag:$0x2] =	sbarrier.arrive $0xFFFF  }
0x17b: {  	[sflag:s0] =	ssyncadd.tile.s32 @!p0 $0x1;
	_ =	shalt  }
.Lfunc_end2:
_tile_overlayer_lowered:
.L_overlay_start_2:
0x17c: {  	(tag) =	ssettag $0x2  }
0x17d: {  	s0 =	rddreg [dreg:$0x0];
	s2 =	stileid.u32  }
0x17e: {  	s1 =	rddreg [dreg:$0x1];
	p0 =	sne.s32 s2, $0x0  }
0x17f: {  	s3 =	rddreg [dreg:$0x2];
	[bflag:$0x3] =	sbarrier.arrive $0xFFFF;
	s2 =	simm.s32 @!p0 $0x1C06  }
0x180: {  	[timem:s3], [sflag:s2] =	dma.local @!p0 [hbm:s0], s1  }
0x181: {  	s0 =	simm.s32 @!p0 $0x6  }
0x182: {  	_ =	swait.ge @!p0 [sflag:s0], s1  }
0x183: {  	s1 =	ssub.s32 @!p0 $0x0, s1;
	[sflag:s0] =	ssyncset.done @!p0 $0x0  }
0x184: {  	[sflag:s0] =	ssyncadd.s32 @!p0 s1  }
0x185: {  	[bflag:$0x3] =	sbarrier.arrive $0xFFFF  }
0x186: {  	_ =	shalt  }

</sc_bundles>
